<compile_context>
chip_gen: v7x
topology: tpu7x:2x2x1
jax: 0.10.2.dev20260603
libtpu: 0.0.44.dev20260713+nightly
codegen_flags: <defaults>
</compile_context>

<pallas_src>
import functools

import jax
import jax.numpy as jnp
from jax import lax
from jax.experimental import pallas as pl
from jax.experimental.pallas import tpu as pltpu
from jax.experimental.pallas import tpu_sc as plsc

N = 10000
E = 160000
NODE_DIM = 256
EDGE_DIM = 16
HID = 512
TDIM = 128
G = 32

NC = 2
NS = 16
NP = N + 16
ISTRIPE = NP // NS
OSTRIPE = N // NS
EP = 163840
EPT = EP // NS
CH = 128
NCH = EPT // CH
GB = 8
NGRP = NCH // GB
SCH = 40
UD = 288
UH = UD // 2
ZH = NODE_DIM // 2

_mesh = lambda: plsc.VectorSubcoreMesh(core_axis_name="c", subcore_axis_name="s")
_sc_params = lambda: pltpu.CompilerParams(use_tc_tiling_on_sc=False)


def _edge_pipeline(src_hbm, idx_hbm, acc, idxg, rows_a, rows_b,
                   gsem_a, gsem_b, ssem_a, ssem_b, ibase):
    rows = (rows_a, rows_b)
    gsems = (gsem_a, gsem_b)
    ssems = (ssem_a, ssem_b)

    def body(g, carry):
        pltpu.sync_copy(idx_hbm.at[ibase + g], idxg)
        gd = [None] * GB
        sd = [None] * GB
        gd[0] = pltpu.async_copy(src_hbm.at[idxg.at[0]], rows_a, gsem_a)
        gd[1] = pltpu.async_copy(src_hbm.at[idxg.at[2]], rows_b, gsem_b)
        for b in range(GB):
            if b >= 1:
                sd[b - 1].wait()
                if b + 1 < GB:
                    gd[b + 1] = pltpu.async_copy(
                        src_hbm.at[idxg.at[2 * (b + 1)]],
                        rows[(b + 1) % 2], gsems[(b + 1) % 2])
            gd[b].wait()
            sd[b] = pltpu.async_copy(rows[b % 2], acc.at[idxg.at[2 * b + 1]],
                                     ssems[b % 2], add=True)
        sd[GB - 1].wait()
        return carry

    lax.fori_loop(0, NGRP, body, 0)


def _sc_pass1(u2, idx1, za):

    @functools.partial(
        pl.kernel,
        out_type=(
            jax.ShapeDtypeStruct((N, UH), jnp.float32),
            jax.ShapeDtypeStruct((N, UH), jnp.float32),
        ),
        mesh=_mesh(),
        compiler_params=_sc_params(),
        scratch_types=[
            pltpu.VMEM((2 * GB, CH), jnp.int32),
            pltpu.VMEM((CH, UH), jnp.float32),
            pltpu.VMEM((CH, UH), jnp.float32),
            pltpu.VMEM_SHARED((NP, UH), jnp.float32),
            pltpu.SemaphoreType.DMA,
            pltpu.SemaphoreType.DMA,
            pltpu.SemaphoreType.DMA,
            pltpu.SemaphoreType.DMA,
        ],
    )
    def k(u2_hbm, idx1_hbm, za_hbm, axc0_out, axc1_out,
          idxg, rows_a, rows_b, acc, gsem_a, gsem_b, ssem_a, ssem_b):
        c = lax.axis_index("c")
        s = lax.axis_index("s")
        pltpu.sync_copy(za_hbm, acc.at[pl.ds(s * ISTRIPE, ISTRIPE)])
        plsc.subcore_barrier()
        _edge_pipeline(u2_hbm, idx1_hbm, acc, idxg, rows_a, rows_b,
                       gsem_a, gsem_b, ssem_a, ssem_b, (c * NS + s) * NGRP)
        plsc.subcore_barrier()

        @pl.when(c == 0)
        def _():
            pltpu.sync_copy(acc.at[pl.ds(s * OSTRIPE, OSTRIPE)],
                            axc0_out.at[pl.ds(s * OSTRIPE, OSTRIPE)])

        @pl.when(c == 1)
        def _():
            pltpu.sync_copy(acc.at[pl.ds(s * OSTRIPE, OSTRIPE)],
                            axc1_out.at[pl.ds(s * OSTRIPE, OSTRIPE)])

    return k(u2, idx1, za)


def _sc_spass(ea, dst2d, zs):

    @functools.partial(
        pl.kernel,
        out_type=(
            jax.ShapeDtypeStruct((N, EDGE_DIM), jnp.float32),
            jax.ShapeDtypeStruct((N, EDGE_DIM), jnp.float32),
        ),
        mesh=_mesh(),
        compiler_params=_sc_params(),
        scratch_types=[
            pltpu.VMEM((SCH, CH), jnp.int32),
            pltpu.VMEM((CH, EDGE_DIM), jnp.float32),
            pltpu.VMEM((CH, EDGE_DIM), jnp.float32),
            pltpu.VMEM_SHARED((NP, EDGE_DIM), jnp.float32),
            pltpu.SemaphoreType.DMA,
            pltpu.SemaphoreType.DMA,
            pltpu.SemaphoreType.DMA,
            pltpu.SemaphoreType.DMA,
        ],
    )
    def k(ea_hbm, dst_hbm, zs_hbm, s0_out, s1_out,
          dbuf, ea_a, ea_b, acc_s, gsem_a, gsem_b, ssem_a, ssem_b):
        c = lax.axis_index("c")
        s = lax.axis_index("s")
        pltpu.sync_copy(zs_hbm, acc_s.at[pl.ds(s * ISTRIPE, ISTRIPE)])
        pltpu.sync_copy(dst_hbm.at[pl.ds((c * NS + s) * SCH, SCH)], dbuf)
        plsc.subcore_barrier()

        ebase = (c * NS + s) * (SCH * CH)
        npair = jnp.maximum(0, jnp.minimum(SCH, (E - ebase) // CH)) // 2

        def body(i, carry):
            j0 = 2 * i
            g_a = pltpu.async_copy(ea_hbm.at[pl.ds(ebase + j0 * CH, CH)],
                                   ea_a, gsem_a)
            g_b = pltpu.async_copy(ea_hbm.at[pl.ds(ebase + (j0 + 1) * CH, CH)],
                                   ea_b, gsem_b)
            g_a.wait()
            s_a = pltpu.async_copy(ea_a, acc_s.at[dbuf.at[j0]], ssem_a, add=True)
            g_b.wait()
            s_b = pltpu.async_copy(ea_b, acc_s.at[dbuf.at[j0 + 1]], ssem_b, add=True)
            s_a.wait()
            s_b.wait()
            return carry

        lax.fori_loop(0, npair, body, 0)
        plsc.subcore_barrier()

        @pl.when(c == 0)
        def _():
            pltpu.sync_copy(acc_s.at[pl.ds(s * OSTRIPE, OSTRIPE)],
                            s0_out.at[pl.ds(s * OSTRIPE, OSTRIPE)])

        @pl.when(c == 1)
        def _():
            pltpu.sync_copy(acc_s.at[pl.ds(s * OSTRIPE, OSTRIPE)],
                            s1_out.at[pl.ds(s * OSTRIPE, OSTRIPE)])

    return k(ea, dst2d, zs)


def _sc_pass2(z2, idx2, b0, b1):

    @functools.partial(
        pl.kernel,
        out_type=jax.ShapeDtypeStruct((N, NODE_DIM), jnp.float32),
        mesh=_mesh(),
        compiler_params=_sc_params(),
        scratch_types=[
            pltpu.VMEM((2 * GB, CH), jnp.int32),
            pltpu.VMEM((CH, ZH), jnp.float32),
            pltpu.VMEM((CH, ZH), jnp.float32),
            pltpu.VMEM_SHARED((NP, ZH), jnp.float32),
            pltpu.SemaphoreType.DMA,
            pltpu.SemaphoreType.DMA,
            pltpu.SemaphoreType.DMA,
            pltpu.SemaphoreType.DMA,
        ],
    )
    def k(z2_hbm, idx2_hbm, b0_hbm, b1_hbm, out_hbm,
          idxg, rows_a, rows_b, acc, gsem_a, gsem_b, ssem_a, ssem_b):
        c = lax.axis_index("c")
        s = lax.axis_index("s")
        @pl.when(c == 0)
        def _():
            pltpu.sync_copy(b0_hbm.at[pl.ds(s * OSTRIPE, OSTRIPE)],
                            acc.at[pl.ds(s * OSTRIPE, OSTRIPE)])

        @pl.when(c == 1)
        def _():
            pltpu.sync_copy(b1_hbm.at[pl.ds(s * OSTRIPE, OSTRIPE)],
                            acc.at[pl.ds(s * OSTRIPE, OSTRIPE)])

        plsc.subcore_barrier()
        _edge_pipeline(z2_hbm, idx2_hbm, acc, idxg, rows_a, rows_b,
                       gsem_a, gsem_b, ssem_a, ssem_b, (c * NS + s) * NGRP)
        plsc.subcore_barrier()

        pltpu.sync_copy(acc.at[pl.ds(s * OSTRIPE, OSTRIPE)],
                        out_hbm.at[pl.ds(s * OSTRIPE, OSTRIPE),
                                   pl.ds(c * ZH, ZH)])

    return k(z2, idx2, b0, b1)


def _prep_weights(t2d, n1_W, e1_W, e1_b2, n2_W, n2_b2, out_W, out_b2, e2_W, e2_b2):

    def body(t_ref, n1_ref, e1w_ref, e1b_ref, n2_ref, n2b_ref, ow_ref, ob_ref,
             e2w_ref, e2b_ref, t2_ref, e1_ref, b1e_ref, m_ref, k2_ref, c2v_ref,
             row2_ref):
        half = TDIM // 2
        k = lax.broadcasted_iota(jnp.int32, (1, half), 1).astype(jnp.float32)
        freq = jnp.exp(-k * (10000.0 ** (-2.0 / half)))
        emb = t_ref[...] * freq
        T = jnp.concatenate([jnp.sin(emb), jnp.cos(emb)], axis=1)
        n1 = n1_ref[...]
        w1b = n1[NODE_DIM:NODE_DIM + TDIM, :]
        n1bot = n1[NODE_DIM + TDIM:, :]
        t2_ref[...] = jnp.dot(T, w1b, preferred_element_type=jnp.float32)
        e1_ref[...] = jnp.dot(e1w_ref[...], n1bot, preferred_element_type=jnp.float32)
        b1e_ref[...] = jnp.dot(e1b_ref[...], n1bot, preferred_element_type=jnp.float32)
        n2 = n2_ref[...]
        ow = ow_ref[...]
        m_ref[...] = jnp.dot(n2[:HID, :], ow, preferred_element_type=jnp.float32)
        wb2o = jnp.dot(n2[HID:, :], ow, preferred_element_type=jnp.float32)
        k2_ref[...] = jnp.dot(e2w_ref[...], wb2o, preferred_element_type=jnp.float32)
        c2v_ref[...] = jnp.dot(e2b_ref[...], wb2o, preferred_element_type=jnp.float32)
        row2_ref[...] = jnp.dot(n2b_ref[...], ow, preferred_element_type=jnp.float32) + ob_ref[...]

    outs = pl.pallas_call(
        body,
        out_shape=(
            jax.ShapeDtypeStruct((G, HID), jnp.float32),
            jax.ShapeDtypeStruct((EDGE_DIM, HID), jnp.float32),
            jax.ShapeDtypeStruct((1, HID), jnp.float32),
            jax.ShapeDtypeStruct((HID, NODE_DIM), jnp.float32),
            jax.ShapeDtypeStruct((EDGE_DIM, NODE_DIM), jnp.float32),
            jax.ShapeDtypeStruct((1, NODE_DIM), jnp.float32),
            jax.ShapeDtypeStruct((1, NODE_DIM), jnp.float32),
        ),
    )(t2d, n1_W, e1_W, e1_b2, n2_W, n2_b2, out_W, out_b2, e2_W, e2_b2)
    return outs


def _dense_mid(a0, a1, s0, s1, w1aa, wcomb, e1, b1e, n1_b2, m, k2, c2v, row2):
    BN = 400
    nblocks = N // BN

    def body(a0_ref, a1_ref, s0_ref, s1_ref, w1aa_ref, wcomb_ref, e1_ref,
             b1e_ref, n1b_ref, m_ref, k2_ref, c2v_ref, row2_ref,
             z_ref, b0_ref, b1_ref):
        a0b = a0_ref[...]
        a1b = a1_ref[...]
        sv = s0_ref[...] + s1_ref[...]
        deg = jnp.sum(a1b[:, UH - G:], axis=1, keepdims=True)
        h1 = (jnp.dot(a0b, w1aa_ref[...], preferred_element_type=jnp.float32)
              + jnp.dot(a1b, wcomb_ref[...], preferred_element_type=jnp.float32)
              + jnp.dot(sv, e1_ref[...], preferred_element_type=jnp.float32)
              + deg * b1e_ref[...]
              + n1b_ref[...])
        z_ref[...] = jnp.dot(h1, m_ref[...], preferred_element_type=jnp.float32)
        base = (jnp.dot(sv, k2_ref[...], preferred_element_type=jnp.float32)
                + deg * c2v_ref[...] + row2_ref[...])
        b0_ref[...] = base[:, :ZH]
        b1_ref[...] = base[:, ZH:]

    full = lambda shape: pl.BlockSpec(shape, lambda i: (0, 0))
    z, b0, b1 = pl.pallas_call(
        body,
        grid=(nblocks,),
        in_specs=[
            pl.BlockSpec((BN, UH), lambda i: (i, 0)),
            pl.BlockSpec((BN, UH), lambda i: (i, 0)),
            pl.BlockSpec((BN, EDGE_DIM), lambda i: (i, 0)),
            pl.BlockSpec((BN, EDGE_DIM), lambda i: (i, 0)),
            full((UH, HID)),
            full((UH, HID)),
            full((EDGE_DIM, HID)),
            full((1, HID)),
            full((1, HID)),
            full((HID, NODE_DIM)),
            full((EDGE_DIM, NODE_DIM)),
            full((1, NODE_DIM)),
            full((1, NODE_DIM)),
        ],
        out_specs=(
            pl.BlockSpec((BN, NODE_DIM), lambda i: (i, 0)),
            pl.BlockSpec((BN, ZH), lambda i: (i, 0)),
            pl.BlockSpec((BN, ZH), lambda i: (i, 0)),
        ),
        out_shape=(
            jax.ShapeDtypeStruct((N, NODE_DIM), jnp.float32),
            jax.ShapeDtypeStruct((N, ZH), jnp.float32),
            jax.ShapeDtypeStruct((N, ZH), jnp.float32),
        ),
    )(a0, a1, s0, s1, w1aa, wcomb, e1, b1e, n1_b2, m, k2, c2v, row2)
    return z, b0, b1


def kernel(x, edge_index, edge_attr, t, batch,
           e1_W, e1_b, n1_W, n1_b,
           e2_W, e2_b, n2_W, n2_b,
           out_W, out_b):
    f32 = jnp.float32
    src = edge_index[0].astype(jnp.int32)
    dst = edge_index[1].astype(jnp.int32)
    batch = batch.astype(jnp.int32)

    onehot = (batch[:, None] == jnp.arange(G, dtype=jnp.int32)[None, :]).astype(f32)
    u2 = jnp.concatenate([x, onehot], axis=1).reshape(2 * N, UH)
    pad_e = EP - E
    src_p = jnp.concatenate([src, jnp.zeros((pad_e,), jnp.int32)])
    trash = N + (jnp.arange(pad_e, dtype=jnp.int32) % 16)
    dst_p = jnp.concatenate([dst, trash])

    st = src_p.reshape(NS, NGRP, GB, CH)
    dt = dst_p.reshape(NS, NGRP, GB, CH)
    per_c = [jnp.stack([2 * st + c, dt], axis=3) for c in range(NC)]
    idx1 = jnp.concatenate(per_c).reshape(NC * NS * NGRP, 2 * GB, CH)
    dst2d = dst_p.reshape(NC * NS * SCH, CH)

    za = jnp.zeros((ISTRIPE, UH), f32)
    zs = jnp.zeros((ISTRIPE, EDGE_DIM), f32)

    a0, a1 = _sc_pass1(u2, idx1, za)
    s0, s1 = _sc_spass(edge_attr, dst2d, zs)

    t2, e1p, b1e, m, k2, c2v, row2 = _prep_weights(
        t.reshape(G, 1), n1_W, e1_W, e1_b.reshape(1, -1), n2_W,
        n2_b.reshape(1, -1), out_W, out_b.reshape(1, -1), e2_W,
        e2_b.reshape(1, -1))

    w1aa = n1_W[:UH, :]
    wcomb = jnp.concatenate([n1_W[UH:NODE_DIM, :], t2], axis=0)

    z, b0, b1 = _dense_mid(a0, a1, s0, s1, w1aa, wcomb, e1p, b1e,
                           n1_b.reshape(1, -1), m, k2, c2v, row2)

    z2 = z.reshape(2 * N, ZH)
    return _sc_pass2(z2, idx1, b0, b1)

# --- scband reference (transcript-rebuilt; emitter-appended) ---
"""Pipeline reference for scband-diffusion-model-31095563223732 (READ-ONLY COPY).

The authoritative reference and input builder live on the scoring server;
editing this copy changes nothing except your own understanding.
"""

import jax, jax.numpy as jnp
import numpy as np

N = 10000
E = 160000
NODE_DIM = 256
EDGE_DIM = 16
HID = 512
TDIM = 128
G = 32


def time_embedding(t, embed_dim):
    half_dim = embed_dim // 2
    emb = jnp.exp(-jnp.arange(half_dim, dtype=jnp.float32) * 10000 ** (-2.0 / half_dim))
    emb = t[:, None] * emb[None, :]
    return jnp.concatenate([jnp.sin(emb), jnp.cos(emb)], axis=-1)


def gnn_layer(x, edge_index, edge_attr, eW, eb, nW, nb):
    # edge_mlp
    ea = edge_attr @ eW + eb
    src = edge_index[0]
    dst = edge_index[1]
    # message: cat([x_j, edge_attr]) with x_j gathered from source nodes
    msg = jnp.concatenate([jnp.take(x, src, axis=0), ea], axis=-1)
    # aggr='add' at destination nodes
    aggr = jax.ops.segment_sum(msg, dst, num_segments=x.shape[0])
    # update: node_mlp
    return aggr @ nW + nb


def setup_inputs(seed: int = 0) -> dict:
    key = jax.random.key(seed)
    ks = [jax.random.fold_in(key, i) for i in range(16)]
    x = jax.random.normal(ks[0], (N, NODE_DIM), dtype=jnp.float32)
    edge_index = jax.random.randint(ks[1], (2, E), 0, N, dtype=jnp.int64)
    edge_attr = jax.random.normal(ks[2], (E, EDGE_DIM), dtype=jnp.float32)
    t = jax.random.uniform(ks[3], (G,), dtype=jnp.float32)
    batch = jnp.sort(jax.random.randint(ks[4], (N,), 0, G, dtype=jnp.int64))
    d1 = NODE_DIM + TDIM  # node dim entering gnn1 (384)
    e1_W = 0.02 * jax.random.normal(ks[5], (EDGE_DIM, d1), dtype=jnp.float32)
    e1_b = jnp.zeros((d1,), dtype=jnp.float32)
    n1_W = 0.02 * jax.random.normal(ks[6], (2 * d1, HID), dtype=jnp.float32)
    n1_b = jnp.zeros((HID,), dtype=jnp.float32)
    e2_W = 0.02 * jax.random.normal(ks[7], (EDGE_DIM, HID), dtype=jnp.float32)
    e2_b = jnp.zeros((HID,), dtype=jnp.float32)
    n2_W = 0.02 * jax.random.normal(ks[8], (2 * HID, HID), dtype=jnp.float32)
    n2_b = jnp.zeros((HID,), dtype=jnp.float32)
    out_W = 0.02 * jax.random.normal(ks[9], (HID, NODE_DIM), dtype=jnp.float32)
    out_b = jnp.zeros((NODE_DIM,), dtype=jnp.float32)
    return {
        'x': x, 'edge_index': edge_index, 'edge_attr': edge_attr, 't': t, 'batch': batch,
        'e1_W': e1_W, 'e1_b': e1_b, 'n1_W': n1_W, 'n1_b': n1_b,
        'e2_W': e2_W, 'e2_b': e2_b, 'n2_W': n2_W, 'n2_b': n2_b,
        'out_W': out_W, 'out_b': out_b,
    }


def reference(x, edge_index, edge_attr, t, batch,
              e1_W, e1_b, n1_W, n1_b,
              e2_W, e2_b, n2_W, n2_b,
              out_W, out_b):
    t_emb = time_embedding(t, TDIM)
    t_emb = jnp.take(t_emb, batch, axis=0)
    h = jnp.concatenate([x, t_emb], axis=-1)
    h = gnn_layer(h, edge_index, edge_attr, e1_W, e1_b, n1_W, n1_b)
    h = gnn_layer(h, edge_index, edge_attr, e2_W, e2_b, n2_W, n2_b)
    return h @ out_W + out_b

if __name__ == "__main__":
    import jax
    _d = setup_inputs()
    print(jax.jit(kernel)(*tuple(_d.values())))

</pallas_src>

<mosaic_0001>
#map = affine_map<(d0, d1) -> (0, 0)>
#map1 = affine_map<(d0, d1) -> (0, 0, 0)>
module attributes {stable_mosaic.version = 14 : i64} {
  func.func @k(%arg0: i32, %arg1: i32, %arg2: memref<20000x144xf32, #tpu.memory_space<hbm>>, %arg3: memref<320x16x128xi32, #tpu.memory_space<hbm>>, %arg4: memref<626x144xf32, #tpu.memory_space<hbm>>, %arg5: memref<10000x144xf32, #tpu.memory_space<hbm>>, %arg6: memref<10000x144xf32, #tpu.memory_space<hbm>>, %arg7: memref<16x128xi32, #tpu.memory_space<vmem>>, %arg8: memref<128x144xf32, #tpu.memory_space<vmem>>, %arg9: memref<128x144xf32, #tpu.memory_space<vmem>>, %arg10: memref<10016x144xf32, #tpu.memory_space<vmem_shared>>, %arg11: memref<!tpu.dma_semaphore, #tpu.memory_space<semaphore_mem>>, %arg12: memref<!tpu.dma_semaphore, #tpu.memory_space<semaphore_mem>>, %arg13: memref<!tpu.dma_semaphore, #tpu.memory_space<semaphore_mem>>, %arg14: memref<!tpu.dma_semaphore, #tpu.memory_space<semaphore_mem>>) attributes {dimension_semantics = [#tpu.dimension_semantics<core_parallel>, #tpu.dimension_semantics<subcore_parallel>], iteration_bounds = array<i64: 2, 16>, scalar_prefetch = 0 : i64, scratch_operands = 8 : i64, tpu.core_type = #tpu.core_type<sc_vector_subcore>, window_params = [{transform_indices = #map}, {transform_indices = #map1}, {transform_indices = #map}, {transform_indices = #map}, {transform_indices = #map}]} {
    %mul3A = arith.constant 626 : i32
    %mul3A_0 = arith.muli %arg1, %mul3A : i32
    "tpu.region"() ({
      %run_scoped3A = tpu.sem_alloc : memref<!tpu.dma_semaphore, #tpu.memory_space<semaphore_mem>>
      %dma_start3A = arith.constant 0 : i32
      %dma_start3A_18 = tpu.memref_slice %arg10[%mul3A_0, %dma_start3A] : memref<10016x144xf32, #tpu.memory_space<vmem_shared>> -> memref<626x144xf32, #tpu.memory_space<vmem_shared>>
      tpu.enqueue_dma source(%arg4 : memref<626x144xf32, #tpu.memory_space<hbm>>) target(%dma_start3A_18 : memref<626x144xf32, #tpu.memory_space<vmem_shared>>) target_semaphore(%run_scoped3A : memref<!tpu.dma_semaphore, #tpu.memory_space<semaphore_mem>>)
      %dma_wait3A = arith.constant 0 : i32
      %dma_wait3A_19 = tpu.memref_slice %arg10[%mul3A_0, %dma_wait3A] : memref<10016x144xf32, #tpu.memory_space<vmem_shared>> -> memref<626x144xf32, #tpu.memory_space<vmem_shared>>
      tpu.wait_dma2 semaphore(%run_scoped3A : memref<!tpu.dma_semaphore, #tpu.memory_space<semaphore_mem>>) src(%arg4 : memref<626x144xf32, #tpu.memory_space<hbm>>) dst(%dma_wait3A_19 : memref<626x144xf32, #tpu.memory_space<vmem_shared>>)
      tpu.yield
    }) : () -> ()
    %barrier3A = arith.constant 0 : index
    tpu.barrier barrier_id(%barrier3A)
    %mul3A_1 = arith.constant 16 : i32
    %mul3A_2 = arith.muli %arg0, %mul3A_1 : i32
    %add3A = arith.addi %mul3A_2, %arg1 : i32
    %mul3A_3 = arith.constant 10 : i32
    %mul3A_4 = arith.muli %add3A, %mul3A_3 : i32
    %scan3A = arith.constant 0 : i32
    %scan3A_5 = arith.constant 0 : i32
    %scan3A_6 = arith.constant 10 : i32
    %scan3A_7 = arith.addi %scan3A_5, %scan3A_6 : i32
    %scan3A_8 = arith.constant 1 : i32
    scf.for %scan3A_18 = %scan3A_5 to %scan3A_7 step %scan3A_8  : i32 {
      %add3A_19 = arith.addi %mul3A_4, %scan3A_18 : i32
      "tpu.region"() ({
        %run_scoped3A = tpu.sem_alloc : memref<!tpu.dma_semaphore, #tpu.memory_space<semaphore_mem>>
        %dma_start3A_242 = arith.constant 0 : i32
        %dma_start3A_243 = arith.constant 0 : i32
        %dma_start3A_244 = tpu.memref_slice %arg3[%add3A_19, %dma_start3A_242, %dma_start3A_243] : memref<320x16x128xi32, #tpu.memory_space<hbm>> -> memref<1x16x128xi32, #tpu.memory_space<hbm>>
        %dma_start3A_245 = tpu.memref_squeeze %dma_start3A_244 : memref<1x16x128xi32, #tpu.memory_space<hbm>> -> memref<16x128xi32, #tpu.memory_space<hbm>>
        %dma_start3A_246 = arith.constant 0 : i32
        %dma_start3A_247 = arith.constant 0 : i32
        %dma_start3A_248 = tpu.memref_slice %arg3[%add3A_19, %dma_start3A_246, %dma_start3A_247] : memref<320x16x128xi32, #tpu.memory_space<hbm>> -> memref<1x16x128xi32, #tpu.memory_space<hbm>>
        %dma_start3A_249 = tpu.memref_squeeze %dma_start3A_248 : memref<1x16x128xi32, #tpu.memory_space<hbm>> -> memref<16x128xi32, #tpu.memory_space<hbm>>
        tpu.enqueue_dma source(%dma_start3A_249 : memref<16x128xi32, #tpu.memory_space<hbm>>) target(%arg7 : memref<16x128xi32, #tpu.memory_space<vmem>>) target_semaphore(%run_scoped3A : memref<!tpu.dma_semaphore, #tpu.memory_space<semaphore_mem>>)
        %dma_wait3A_250 = arith.constant 0 : i32
        %dma_wait3A_251 = arith.constant 0 : i32
        %dma_wait3A_252 = tpu.memref_slice %arg3[%add3A_19, %dma_wait3A_250, %dma_wait3A_251] : memref<320x16x128xi32, #tpu.memory_space<hbm>> -> memref<1x16x128xi32, #tpu.memory_space<hbm>>
        %dma_wait3A_253 = tpu.memref_squeeze %dma_wait3A_252 : memref<1x16x128xi32, #tpu.memory_space<hbm>> -> memref<16x128xi32, #tpu.memory_space<hbm>>
        %dma_wait3A_254 = arith.constant 0 : i32
        %dma_wait3A_255 = arith.constant 0 : i32
        %dma_wait3A_256 = tpu.memref_slice %arg3[%add3A_19, %dma_wait3A_254, %dma_wait3A_255] : memref<320x16x128xi32, #tpu.memory_space<hbm>> -> memref<1x16x128xi32, #tpu.memory_space<hbm>>
        %dma_wait3A_257 = tpu.memref_squeeze %dma_wait3A_256 : memref<1x16x128xi32, #tpu.memory_space<hbm>> -> memref<16x128xi32, #tpu.memory_space<hbm>>
        tpu.wait_dma2 semaphore(%run_scoped3A : memref<!tpu.dma_semaphore, #tpu.memory_space<semaphore_mem>>) src(%dma_wait3A_257 : memref<16x128xi32, #tpu.memory_space<hbm>>) dst(%arg7 : memref<16x128xi32, #tpu.memory_space<vmem>>)
        tpu.yield
      }) : () -> ()
      %dma_start3A = arith.constant 0 : i32
      %dma_start3A_20 = arith.constant 0 : i32
      %dma_start3A_21 = tpu.memref_slice %arg7[%dma_start3A, %dma_start3A_20] : memref<16x128xi32, #tpu.memory_space<vmem>> -> memref<1x128xi32, #tpu.memory_space<vmem>>
      %dma_start3A_22 = tpu.memref_squeeze %dma_start3A_21 : memref<1x128xi32, #tpu.memory_space<vmem>> -> memref<128xi32, #tpu.memory_space<vmem>>
      %dma_start3A_23 = arith.constant 0 : i32
      %dma_start3A_24 = arith.constant 0 : i32
      %dma_start3A_25 = tpu.memref_slice %arg2[%dma_start3A_23, %dma_start3A_24] : memref<20000x144xf32, #tpu.memory_space<hbm>> -> memref<20000x144xf32, #tpu.memory_space<hbm>>
      tpu.enqueue_indirect_dma source(%dma_start3A_25 : memref<20000x144xf32, #tpu.memory_space<hbm>>) target(%arg8 : memref<128x144xf32, #tpu.memory_space<vmem>>) offsets(%dma_start3A_22 : memref<128xi32, #tpu.memory_space<vmem>>) semaphore(%arg11 : memref<!tpu.dma_semaphore, #tpu.memory_space<semaphore_mem>>)
      %dma_start3A_26 = arith.constant 2 : i32
      %dma_start3A_27 = arith.constant 0 : i32
      %dma_start3A_28 = tpu.memref_slice %arg7[%dma_start3A_26, %dma_start3A_27] : memref<16x128xi32, #tpu.memory_space<vmem>> -> memref<1x128xi32, #tpu.memory_space<vmem>>
      %dma_start3A_29 = tpu.memref_squeeze %dma_start3A_28 : memref<1x128xi32, #tpu.memory_space<vmem>> -> memref<128xi32, #tpu.memory_space<vmem>>
      %dma_start3A_30 = arith.constant 0 : i32
      %dma_start3A_31 = arith.constant 0 : i32
      %dma_start3A_32 = tpu.memref_slice %arg2[%dma_start3A_30, %dma_start3A_31] : memref<20000x144xf32, #tpu.memory_space<hbm>> -> memref<20000x144xf32, #tpu.memory_space<hbm>>
      tpu.enqueue_indirect_dma source(%dma_start3A_32 : memref<20000x144xf32, #tpu.memory_space<hbm>>) target(%arg9 : memref<128x144xf32, #tpu.memory_space<vmem>>) offsets(%dma_start3A_29 : memref<128xi32, #tpu.memory_space<vmem>>) semaphore(%arg12 : memref<!tpu.dma_semaphore, #tpu.memory_space<semaphore_mem>>)
      %dma_wait3A = arith.constant 0 : i32
      %dma_wait3A_33 = arith.constant 0 : i32
      %dma_wait3A_34 = tpu.memref_slice %arg7[%dma_wait3A, %dma_wait3A_33] : memref<16x128xi32, #tpu.memory_space<vmem>> -> memref<1x128xi32, #tpu.memory_space<vmem>>
      %dma_wait3A_35 = tpu.memref_squeeze %dma_wait3A_34 : memref<1x128xi32, #tpu.memory_space<vmem>> -> memref<128xi32, #tpu.memory_space<vmem>>
      %dma_wait3A_36 = arith.constant 0 : i32
      %dma_wait3A_37 = arith.constant 0 : i32
      %dma_wait3A_38 = tpu.memref_slice %arg2[%dma_wait3A_36, %dma_wait3A_37] : memref<20000x144xf32, #tpu.memory_space<hbm>> -> memref<20000x144xf32, #tpu.memory_space<hbm>>
      tpu.wait_indirect_dma semaphore(%arg11 : memref<!tpu.dma_semaphore, #tpu.memory_space<semaphore_mem>>) src(%dma_wait3A_38 : memref<20000x144xf32, #tpu.memory_space<hbm>>) dst(%arg8 : memref<128x144xf32, #tpu.memory_space<vmem>>)
      %dma_start3A_39 = arith.constant 1 : i32
      %dma_start3A_40 = arith.constant 0 : i32
      %dma_start3A_41 = tpu.memref_slice %arg7[%dma_start3A_39, %dma_start3A_40] : memref<16x128xi32, #tpu.memory_space<vmem>> -> memref<1x128xi32, #tpu.memory_space<vmem>>
      %dma_start3A_42 = tpu.memref_squeeze %dma_start3A_41 : memref<1x128xi32, #tpu.memory_space<vmem>> -> memref<128xi32, #tpu.memory_space<vmem>>
      %dma_start3A_43 = arith.constant 0 : i32
      %dma_start3A_44 = arith.constant 0 : i32
      %dma_start3A_45 = tpu.memref_slice %arg10[%dma_start3A_43, %dma_start3A_44] : memref<10016x144xf32, #tpu.memory_space<vmem_shared>> -> memref<10016x144xf32, #tpu.memory_space<vmem_shared>>
      tpu.enqueue_indirect_dma source(%arg8 : memref<128x144xf32, #tpu.memory_space<vmem>>) target(%dma_start3A_45 : memref<10016x144xf32, #tpu.memory_space<vmem_shared>>) offsets(%dma_start3A_42 : memref<128xi32, #tpu.memory_space<vmem>>) semaphore(%arg13 : memref<!tpu.dma_semaphore, #tpu.memory_space<semaphore_mem>>) {add = true}
      %dma_wait3A_46 = arith.constant 1 : i32
      %dma_wait3A_47 = arith.constant 0 : i32
      %dma_wait3A_48 = tpu.memref_slice %arg7[%dma_wait3A_46, %dma_wait3A_47] : memref<16x128xi32, #tpu.memory_space<vmem>> -> memref<1x128xi32, #tpu.memory_space<vmem>>
      %dma_wait3A_49 = tpu.memref_squeeze %dma_wait3A_48 : memref<1x128xi32, #tpu.memory_space<vmem>> -> memref<128xi32, #tpu.memory_space<vmem>>
      %dma_wait3A_50 = arith.constant 0 : i32
      %dma_wait3A_51 = arith.constant 0 : i32
      %dma_wait3A_52 = tpu.memref_slice %arg10[%dma_wait3A_50, %dma_wait3A_51] : memref<10016x144xf32, #tpu.memory_space<vmem_shared>> -> memref<10016x144xf32, #tpu.memory_space<vmem_shared>>
      tpu.wait_indirect_dma semaphore(%arg13 : memref<!tpu.dma_semaphore, #tpu.memory_space<semaphore_mem>>) src(%arg8 : memref<128x144xf32, #tpu.memory_space<vmem>>) dst(%dma_wait3A_52 : memref<10016x144xf32, #tpu.memory_space<vmem_shared>>)
      %dma_start3A_53 = arith.constant 4 : i32
      %dma_start3A_54 = arith.constant 0 : i32
      %dma_start3A_55 = tpu.memref_slice %arg7[%dma_start3A_53, %dma_start3A_54] : memref<16x128xi32, #tpu.memory_space<vmem>> -> memref<1x128xi32, #tpu.memory_space<vmem>>
      %dma_start3A_56 = tpu.memref_squeeze %dma_start3A_55 : memref<1x128xi32, #tpu.memory_space<vmem>> -> memref<128xi32, #tpu.memory_space<vmem>>
      %dma_start3A_57 = arith.constant 0 : i32
      %dma_start3A_58 = arith.constant 0 : i32
      %dma_start3A_59 = tpu.memref_slice %arg2[%dma_start3A_57, %dma_start3A_58] : memref<20000x144xf32, #tpu.memory_space<hbm>> -> memref<20000x144xf32, #tpu.memory_space<hbm>>
      tpu.enqueue_indirect_dma source(%dma_start3A_59 : memref<20000x144xf32, #tpu.memory_space<hbm>>) target(%arg8 : memref<128x144xf32, #tpu.memory_space<vmem>>) offsets(%dma_start3A_56 : memref<128xi32, #tpu.memory_space<vmem>>) semaphore(%arg11 : memref<!tpu.dma_semaphore, #tpu.memory_space<semaphore_mem>>)
      %dma_wait3A_60 = arith.constant 2 : i32
      %dma_wait3A_61 = arith.constant 0 : i32
      %dma_wait3A_62 = tpu.memref_slice %arg7[%dma_wait3A_60, %dma_wait3A_61] : memref<16x128xi32, #tpu.memory_space<vmem>> -> memref<1x128xi32, #tpu.memory_space<vmem>>
      %dma_wait3A_63 = tpu.memref_squeeze %dma_wait3A_62 : memref<1x128xi32, #tpu.memory_space<vmem>> -> memref<128xi32, #tpu.memory_space<vmem>>
      %dma_wait3A_64 = arith.constant 0 : i32
      %dma_wait3A_65 = arith.constant 0 : i32
      %dma_wait3A_66 = tpu.memref_slice %arg2[%dma_wait3A_64, %dma_wait3A_65] : memref<20000x144xf32, #tpu.memory_space<hbm>> -> memref<20000x144xf32, #tpu.memory_space<hbm>>
      tpu.wait_indirect_dma semaphore(%arg12 : memref<!tpu.dma_semaphore, #tpu.memory_space<semaphore_mem>>) src(%dma_wait3A_66 : memref<20000x144xf32, #tpu.memory_space<hbm>>) dst(%arg9 : memref<128x144xf32, #tpu.memory_space<vmem>>)
      %dma_start3A_67 = arith.constant 3 : i32
      %dma_start3A_68 = arith.constant 0 : i32
      %dma_start3A_69 = tpu.memref_slice %arg7[%dma_start3A_67, %dma_start3A_68] : memref<16x128xi32, #tpu.memory_space<vmem>> -> memref<1x128xi32, #tpu.memory_space<vmem>>
      %dma_start3A_70 = tpu.memref_squeeze %dma_start3A_69 : memref<1x128xi32, #tpu.memory_space<vmem>> -> memref<128xi32, #tpu.memory_space<vmem>>
      %dma_start3A_71 = arith.constant 0 : i32
      %dma_start3A_72 = arith.constant 0 : i32
      %dma_start3A_73 = tpu.memref_slice %arg10[%dma_start3A_71, %dma_start3A_72] : memref<10016x144xf32, #tpu.memory_space<vmem_shared>> -> memref<10016x144xf32, #tpu.memory_space<vmem_shared>>
      tpu.enqueue_indirect_dma source(%arg9 : memref<128x144xf32, #tpu.memory_space<vmem>>) target(%dma_start3A_73 : memref<10016x144xf32, #tpu.memory_space<vmem_shared>>) offsets(%dma_start3A_70 : memref<128xi32, #tpu.memory_space<vmem>>) semaphore(%arg14 : memref<!tpu.dma_semaphore, #tpu.memory_space<semaphore_mem>>) {add = true}
      %dma_wait3A_74 = arith.constant 3 : i32
      %dma_wait3A_75 = arith.constant 0 : i32
      %dma_wait3A_76 = tpu.memref_slice %arg7[%dma_wait3A_74, %dma_wait3A_75] : memref<16x128xi32, #tpu.memory_space<vmem>> -> memref<1x128xi32, #tpu.memory_space<vmem>>
      %dma_wait3A_77 = tpu.memref_squeeze %dma_wait3A_76 : memref<1x128xi32, #tpu.memory_space<vmem>> -> memref<128xi32, #tpu.memory_space<vmem>>
      %dma_wait3A_78 = arith.constant 0 : i32
      %dma_wait3A_79 = arith.constant 0 : i32
      %dma_wait3A_80 = tpu.memref_slice %arg10[%dma_wait3A_78, %dma_wait3A_79] : memref<10016x144xf32, #tpu.memory_space<vmem_shared>> -> memref<10016x144xf32, #tpu.memory_space<vmem_shared>>
      tpu.wait_indirect_dma semaphore(%arg14 : memref<!tpu.dma_semaphore, #tpu.memory_space<semaphore_mem>>) src(%arg9 : memref<128x144xf32, #tpu.memory_space<vmem>>) dst(%dma_wait3A_80 : memref<10016x144xf32, #tpu.memory_space<vmem_shared>>)
      %dma_start3A_81 = arith.constant 6 : i32
      %dma_start3A_82 = arith.constant 0 : i32
      %dma_start3A_83 = tpu.memref_slice %arg7[%dma_start3A_81, %dma_start3A_82] : memref<16x128xi32, #tpu.memory_space<vmem>> -> memref<1x128xi32, #tpu.memory_space<vmem>>
      %dma_start3A_84 = tpu.memref_squeeze %dma_start3A_83 : memref<1x128xi32, #tpu.memory_space<vmem>> -> memref<128xi32, #tpu.memory_space<vmem>>
      %dma_start3A_85 = arith.constant 0 : i32
      %dma_start3A_86 = arith.constant 0 : i32
      %dma_start3A_87 = tpu.memref_slice %arg2[%dma_start3A_85, %dma_start3A_86] : memref<20000x144xf32, #tpu.memory_space<hbm>> -> memref<20000x144xf32, #tpu.memory_space<hbm>>
      tpu.enqueue_indirect_dma source(%dma_start3A_87 : memref<20000x144xf32, #tpu.memory_space<hbm>>) target(%arg9 : memref<128x144xf32, #tpu.memory_space<vmem>>) offsets(%dma_start3A_84 : memref<128xi32, #tpu.memory_space<vmem>>) semaphore(%arg12 : memref<!tpu.dma_semaphore, #tpu.memory_space<semaphore_mem>>)
      %dma_wait3A_88 = arith.constant 4 : i32
      %dma_wait3A_89 = arith.constant 0 : i32
      %dma_wait3A_90 = tpu.memref_slice %arg7[%dma_wait3A_88, %dma_wait3A_89] : memref<16x128xi32, #tpu.memory_space<vmem>> -> memref<1x128xi32, #tpu.memory_space<vmem>>
      %dma_wait3A_91 = tpu.memref_squeeze %dma_wait3A_90 : memref<1x128xi32, #tpu.memory_space<vmem>> -> memref<128xi32, #tpu.memory_space<vmem>>
      %dma_wait3A_92 = arith.constant 0 : i32
      %dma_wait3A_93 = arith.constant 0 : i32
      %dma_wait3A_94 = tpu.memref_slice %arg2[%dma_wait3A_92, %dma_wait3A_93] : memref<20000x144xf32, #tpu.memory_space<hbm>> -> memref<20000x144xf32, #tpu.memory_space<hbm>>
      tpu.wait_indirect_dma semaphore(%arg11 : memref<!tpu.dma_semaphore, #tpu.memory_space<semaphore_mem>>) src(%dma_wait3A_94 : memref<20000x144xf32, #tpu.memory_space<hbm>>) dst(%arg8 : memref<128x144xf32, #tpu.memory_space<vmem>>)
      %dma_start3A_95 = arith.constant 5 : i32
      %dma_start3A_96 = arith.constant 0 : i32
      %dma_start3A_97 = tpu.memref_slice %arg7[%dma_start3A_95, %dma_start3A_96] : memref<16x128xi32, #tpu.memory_space<vmem>> -> memref<1x128xi32, #tpu.memory_space<vmem>>
      %dma_start3A_98 = tpu.memref_squeeze %dma_start3A_97 : memref<1x128xi32, #tpu.memory_space<vmem>> -> memref<128xi32, #tpu.memory_space<vmem>>
      %dma_start3A_99 = arith.constant 0 : i32
      %dma_start3A_100 = arith.constant 0 : i32
      %dma_start3A_101 = tpu.memref_slice %arg10[%dma_start3A_99, %dma_start3A_100] : memref<10016x144xf32, #tpu.memory_space<vmem_shared>> -> memref<10016x144xf32, #tpu.memory_space<vmem_shared>>
      tpu.enqueue_indirect_dma source(%arg8 : memref<128x144xf32, #tpu.memory_space<vmem>>) target(%dma_start3A_101 : memref<10016x144xf32, #tpu.memory_space<vmem_shared>>) offsets(%dma_start3A_98 : memref<128xi32, #tpu.memory_space<vmem>>) semaphore(%arg13 : memref<!tpu.dma_semaphore, #tpu.memory_space<semaphore_mem>>) {add = true}
      %dma_wait3A_102 = arith.constant 5 : i32
      %dma_wait3A_103 = arith.constant 0 : i32
      %dma_wait3A_104 = tpu.memref_slice %arg7[%dma_wait3A_102, %dma_wait3A_103] : memref<16x128xi32, #tpu.memory_space<vmem>> -> memref<1x128xi32, #tpu.memory_space<vmem>>
      %dma_wait3A_105 = tpu.memref_squeeze %dma_wait3A_104 : memref<1x128xi32, #tpu.memory_space<vmem>> -> memref<128xi32, #tpu.memory_space<vmem>>
      %dma_wait3A_106 = arith.constant 0 : i32
      %dma_wait3A_107 = arith.constant 0 : i32
      %dma_wait3A_108 = tpu.memref_slice %arg10[%dma_wait3A_106, %dma_wait3A_107] : memref<10016x144xf32, #tpu.memory_space<vmem_shared>> -> memref<10016x144xf32, #tpu.memory_space<vmem_shared>>
      tpu.wait_indirect_dma semaphore(%arg13 : memref<!tpu.dma_semaphore, #tpu.memory_space<semaphore_mem>>) src(%arg8 : memref<128x144xf32, #tpu.memory_space<vmem>>) dst(%dma_wait3A_108 : memref<10016x144xf32, #tpu.memory_space<vmem_shared>>)
      %dma_start3A_109 = arith.constant 8 : i32
      %dma_start3A_110 = arith.constant 0 : i32
      %dma_start3A_111 = tpu.memref_slice %arg7[%dma_start3A_109, %dma_start3A_110] : memref<16x128xi32, #tpu.memory_space<vmem>> -> memref<1x128xi32, #tpu.memory_space<vmem>>
      %dma_start3A_112 = tpu.memref_squeeze %dma_start3A_111 : memref<1x128xi32, #tpu.memory_space<vmem>> -> memref<128xi32, #tpu.memory_space<vmem>>
      %dma_start3A_113 = arith.constant 0 : i32
      %dma_start3A_114 = arith.constant 0 : i32
      %dma_start3A_115 = tpu.memref_slice %arg2[%dma_start3A_113, %dma_start3A_114] : memref<20000x144xf32, #tpu.memory_space<hbm>> -> memref<20000x144xf32, #tpu.memory_space<hbm>>
      tpu.enqueue_indirect_dma source(%dma_start3A_115 : memref<20000x144xf32, #tpu.memory_space<hbm>>) target(%arg8 : memref<128x144xf32, #tpu.memory_space<vmem>>) offsets(%dma_start3A_112 : memref<128xi32, #tpu.memory_space<vmem>>) semaphore(%arg11 : memref<!tpu.dma_semaphore, #tpu.memory_space<semaphore_mem>>)
      %dma_wait3A_116 = arith.constant 6 : i32
      %dma_wait3A_117 = arith.constant 0 : i32
      %dma_wait3A_118 = tpu.memref_slice %arg7[%dma_wait3A_116, %dma_wait3A_117] : memref<16x128xi32, #tpu.memory_space<vmem>> -> memref<1x128xi32, #tpu.memory_space<vmem>>
      %dma_wait3A_119 = tpu.memref_squeeze %dma_wait3A_118 : memref<1x128xi32, #tpu.memory_space<vmem>> -> memref<128xi32, #tpu.memory_space<vmem>>
      %dma_wait3A_120 = arith.constant 0 : i32
      %dma_wait3A_121 = arith.constant 0 : i32
      %dma_wait3A_122 = tpu.memref_slice %arg2[%dma_wait3A_120, %dma_wait3A_121] : memref<20000x144xf32, #tpu.memory_space<hbm>> -> memref<20000x144xf32, #tpu.memory_space<hbm>>
      tpu.wait_indirect_dma semaphore(%arg12 : memref<!tpu.dma_semaphore, #tpu.memory_space<semaphore_mem>>) src(%dma_wait3A_122 : memref<20000x144xf32, #tpu.memory_space<hbm>>) dst(%arg9 : memref<128x144xf32, #tpu.memory_space<vmem>>)
      %dma_start3A_123 = arith.constant 7 : i32
      %dma_start3A_124 = arith.constant 0 : i32
      %dma_start3A_125 = tpu.memref_slice %arg7[%dma_start3A_123, %dma_start3A_124] : memref<16x128xi32, #tpu.memory_space<vmem>> -> memref<1x128xi32, #tpu.memory_space<vmem>>
      %dma_start3A_126 = tpu.memref_squeeze %dma_start3A_125 : memref<1x128xi32, #tpu.memory_space<vmem>> -> memref<128xi32, #tpu.memory_space<vmem>>
      %dma_start3A_127 = arith.constant 0 : i32
      %dma_start3A_128 = arith.constant 0 : i32
      %dma_start3A_129 = tpu.memref_slice %arg10[%dma_start3A_127, %dma_start3A_128] : memref<10016x144xf32, #tpu.memory_space<vmem_shared>> -> memref<10016x144xf32, #tpu.memory_space<vmem_shared>>
      tpu.enqueue_indirect_dma source(%arg9 : memref<128x144xf32, #tpu.memory_space<vmem>>) target(%dma_start3A_129 : memref<10016x144xf32, #tpu.memory_space<vmem_shared>>) offsets(%dma_start3A_126 : memref<128xi32, #tpu.memory_space<vmem>>) semaphore(%arg14 : memref<!tpu.dma_semaphore, #tpu.memory_space<semaphore_mem>>) {add = true}
      %dma_wait3A_130 = arith.constant 7 : i32
      %dma_wait3A_131 = arith.constant 0 : i32
      %dma_wait3A_132 = tpu.memref_slice %arg7[%dma_wait3A_130, %dma_wait3A_131] : memref<16x128xi32, #tpu.memory_space<vmem>> -> memref<1x128xi32, #tpu.memory_space<vmem>>
      %dma_wait3A_133 = tpu.memref_squeeze %dma_wait3A_132 : memref<1x128xi32, #tpu.memory_space<vmem>> -> memref<128xi32, #tpu.memory_space<vmem>>
      %dma_wait3A_134 = arith.constant 0 : i32
      %dma_wait3A_135 = arith.constant 0 : i32
      %dma_wait3A_136 = tpu.memref_slice %arg10[%dma_wait3A_134, %dma_wait3A_135] : memref<10016x144xf32, #tpu.memory_space<vmem_shared>> -> memref<10016x144xf32, #tpu.memory_space<vmem_shared>>
      tpu.wait_indirect_dma semaphore(%arg14 : memref<!tpu.dma_semaphore, #tpu.memory_space<semaphore_mem>>) src(%arg9 : memref<128x144xf32, #tpu.memory_space<vmem>>) dst(%dma_wait3A_136 : memref<10016x144xf32, #tpu.memory_space<vmem_shared>>)
      %dma_start3A_137 = arith.constant 10 : i32
      %dma_start3A_138 = arith.constant 0 : i32
      %dma_start3A_139 = tpu.memref_slice %arg7[%dma_start3A_137, %dma_start3A_138] : memref<16x128xi32, #tpu.memory_space<vmem>> -> memref<1x128xi32, #tpu.memory_space<vmem>>
      %dma_start3A_140 = tpu.memref_squeeze %dma_start3A_139 : memref<1x128xi32, #tpu.memory_space<vmem>> -> memref<128xi32, #tpu.memory_space<vmem>>
      %dma_start3A_141 = arith.constant 0 : i32
      %dma_start3A_142 = arith.constant 0 : i32
      %dma_start3A_143 = tpu.memref_slice %arg2[%dma_start3A_141, %dma_start3A_142] : memref<20000x144xf32, #tpu.memory_space<hbm>> -> memref<20000x144xf32, #tpu.memory_space<hbm>>
      tpu.enqueue_indirect_dma source(%dma_start3A_143 : memref<20000x144xf32, #tpu.memory_space<hbm>>) target(%arg9 : memref<128x144xf32, #tpu.memory_space<vmem>>) offsets(%dma_start3A_140 : memref<128xi32, #tpu.memory_space<vmem>>) semaphore(%arg12 : memref<!tpu.dma_semaphore, #tpu.memory_space<semaphore_mem>>)
      %dma_wait3A_144 = arith.constant 8 : i32
      %dma_wait3A_145 = arith.constant 0 : i32
      %dma_wait3A_146 = tpu.memref_slice %arg7[%dma_wait3A_144, %dma_wait3A_145] : memref<16x128xi32, #tpu.memory_space<vmem>> -> memref<1x128xi32, #tpu.memory_space<vmem>>
      %dma_wait3A_147 = tpu.memref_squeeze %dma_wait3A_146 : memref<1x128xi32, #tpu.memory_space<vmem>> -> memref<128xi32, #tpu.memory_space<vmem>>
      %dma_wait3A_148 = arith.constant 0 : i32
      %dma_wait3A_149 = arith.constant 0 : i32
      %dma_wait3A_150 = tpu.memref_slice %arg2[%dma_wait3A_148, %dma_wait3A_149] : memref<20000x144xf32, #tpu.memory_space<hbm>> -> memref<20000x144xf32, #tpu.memory_space<hbm>>
      tpu.wait_indirect_dma semaphore(%arg11 : memref<!tpu.dma_semaphore, #tpu.memory_space<semaphore_mem>>) src(%dma_wait3A_150 : memref<20000x144xf32, #tpu.memory_space<hbm>>) dst(%arg8 : memref<128x144xf32, #tpu.memory_space<vmem>>)
      %dma_start3A_151 = arith.constant 9 : i32
      %dma_start3A_152 = arith.constant 0 : i32
      %dma_start3A_153 = tpu.memref_slice %arg7[%dma_start3A_151, %dma_start3A_152] : memref<16x128xi32, #tpu.memory_space<vmem>> -> memref<1x128xi32, #tpu.memory_space<vmem>>
      %dma_start3A_154 = tpu.memref_squeeze %dma_start3A_153 : memref<1x128xi32, #tpu.memory_space<vmem>> -> memref<128xi32, #tpu.memory_space<vmem>>
      %dma_start3A_155 = arith.constant 0 : i32
      %dma_start3A_156 = arith.constant 0 : i32
      %dma_start3A_157 = tpu.memref_slice %arg10[%dma_start3A_155, %dma_start3A_156] : memref<10016x144xf32, #tpu.memory_space<vmem_shared>> -> memref<10016x144xf32, #tpu.memory_space<vmem_shared>>
      tpu.enqueue_indirect_dma source(%arg8 : memref<128x144xf32, #tpu.memory_space<vmem>>) target(%dma_start3A_157 : memref<10016x144xf32, #tpu.memory_space<vmem_shared>>) offsets(%dma_start3A_154 : memref<128xi32, #tpu.memory_space<vmem>>) semaphore(%arg13 : memref<!tpu.dma_semaphore, #tpu.memory_space<semaphore_mem>>) {add = true}
      %dma_wait3A_158 = arith.constant 9 : i32
      %dma_wait3A_159 = arith.constant 0 : i32
      %dma_wait3A_160 = tpu.memref_slice %arg7[%dma_wait3A_158, %dma_wait3A_159] : memref<16x128xi32, #tpu.memory_space<vmem>> -> memref<1x128xi32, #tpu.memory_space<vmem>>
      %dma_wait3A_161 = tpu.memref_squeeze %dma_wait3A_160 : memref<1x128xi32, #tpu.memory_space<vmem>> -> memref<128xi32, #tpu.memory_space<vmem>>
      %dma_wait3A_162 = arith.constant 0 : i32
      %dma_wait3A_163 = arith.constant 0 : i32
      %dma_wait3A_164 = tpu.memref_slice %arg10[%dma_wait3A_162, %dma_wait3A_163] : memref<10016x144xf32, #tpu.memory_space<vmem_shared>> -> memref<10016x144xf32, #tpu.memory_space<vmem_shared>>
      tpu.wait_indirect_dma semaphore(%arg13 : memref<!tpu.dma_semaphore, #tpu.memory_space<semaphore_mem>>) src(%arg8 : memref<128x144xf32, #tpu.memory_space<vmem>>) dst(%dma_wait3A_164 : memref<10016x144xf32, #tpu.memory_space<vmem_shared>>)
      %dma_start3A_165 = arith.constant 12 : i32
      %dma_start3A_166 = arith.constant 0 : i32
      %dma_start3A_167 = tpu.memref_slice %arg7[%dma_start3A_165, %dma_start3A_166] : memref<16x128xi32, #tpu.memory_space<vmem>> -> memref<1x128xi32, #tpu.memory_space<vmem>>
      %dma_start3A_168 = tpu.memref_squeeze %dma_start3A_167 : memref<1x128xi32, #tpu.memory_space<vmem>> -> memref<128xi32, #tpu.memory_space<vmem>>
      %dma_start3A_169 = arith.constant 0 : i32
      %dma_start3A_170 = arith.constant 0 : i32
      %dma_start3A_171 = tpu.memref_slice %arg2[%dma_start3A_169, %dma_start3A_170] : memref<20000x144xf32, #tpu.memory_space<hbm>> -> memref<20000x144xf32, #tpu.memory_space<hbm>>
      tpu.enqueue_indirect_dma source(%dma_start3A_171 : memref<20000x144xf32, #tpu.memory_space<hbm>>) target(%arg8 : memref<128x144xf32, #tpu.memory_space<vmem>>) offsets(%dma_start3A_168 : memref<128xi32, #tpu.memory_space<vmem>>) semaphore(%arg11 : memref<!tpu.dma_semaphore, #tpu.memory_space<semaphore_mem>>)
      %dma_wait3A_172 = arith.constant 10 : i32
      %dma_wait3A_173 = arith.constant 0 : i32
      %dma_wait3A_174 = tpu.memref_slice %arg7[%dma_wait3A_172, %dma_wait3A_173] : memref<16x128xi32, #tpu.memory_space<vmem>> -> memref<1x128xi32, #tpu.memory_space<vmem>>
      %dma_wait3A_175 = tpu.memref_squeeze %dma_wait3A_174 : memref<1x128xi32, #tpu.memory_space<vmem>> -> memref<128xi32, #tpu.memory_space<vmem>>
      %dma_wait3A_176 = arith.constant 0 : i32
      %dma_wait3A_177 = arith.constant 0 : i32
      %dma_wait3A_178 = tpu.memref_slice %arg2[%dma_wait3A_176, %dma_wait3A_177] : memref<20000x144xf32, #tpu.memory_space<hbm>> -> memref<20000x144xf32, #tpu.memory_space<hbm>>
      tpu.wait_indirect_dma semaphore(%arg12 : memref<!tpu.dma_semaphore, #tpu.memory_space<semaphore_mem>>) src(%dma_wait3A_178 : memref<20000x144xf32, #tpu.memory_space<hbm>>) dst(%arg9 : memref<128x144xf32, #tpu.memory_space<vmem>>)
      %dma_start3A_179 = arith.constant 11 : i32
      %dma_start3A_180 = arith.constant 0 : i32
      %dma_start3A_181 = tpu.memref_slice %arg7[%dma_start3A_179, %dma_start3A_180] : memref<16x128xi32, #tpu.memory_space<vmem>> -> memref<1x128xi32, #tpu.memory_space<vmem>>
      %dma_start3A_182 = tpu.memref_squeeze %dma_start3A_181 : memref<1x128xi32, #tpu.memory_space<vmem>> -> memref<128xi32, #tpu.memory_space<vmem>>
      %dma_start3A_183 = arith.constant 0 : i32
      %dma_start3A_184 = arith.constant 0 : i32
      %dma_start3A_185 = tpu.memref_slice %arg10[%dma_start3A_183, %dma_start3A_184] : memref<10016x144xf32, #tpu.memory_space<vmem_shared>> -> memref<10016x144xf32, #tpu.memory_space<vmem_shared>>
      tpu.enqueue_indirect_dma source(%arg9 : memref<128x144xf32, #tpu.memory_space<vmem>>) target(%dma_start3A_185 : memref<10016x144xf32, #tpu.memory_space<vmem_shared>>) offsets(%dma_start3A_182 : memref<128xi32, #tpu.memory_space<vmem>>) semaphore(%arg14 : memref<!tpu.dma_semaphore, #tpu.memory_space<semaphore_mem>>) {add = true}
      %dma_wait3A_186 = arith.constant 11 : i32
      %dma_wait3A_187 = arith.constant 0 : i32
      %dma_wait3A_188 = tpu.memref_slice %arg7[%dma_wait3A_186, %dma_wait3A_187] : memref<16x128xi32, #tpu.memory_space<vmem>> -> memref<1x128xi32, #tpu.memory_space<vmem>>
      %dma_wait3A_189 = tpu.memref_squeeze %dma_wait3A_188 : memref<1x128xi32, #tpu.memory_space<vmem>> -> memref<128xi32, #tpu.memory_space<vmem>>
      %dma_wait3A_190 = arith.constant 0 : i32
      %dma_wait3A_191 = arith.constant 0 : i32
      %dma_wait3A_192 = tpu.memref_slice %arg10[%dma_wait3A_190, %dma_wait3A_191] : memref<10016x144xf32, #tpu.memory_space<vmem_shared>> -> memref<10016x144xf32, #tpu.memory_space<vmem_shared>>
      tpu.wait_indirect_dma semaphore(%arg14 : memref<!tpu.dma_semaphore, #tpu.memory_space<semaphore_mem>>) src(%arg9 : memref<128x144xf32, #tpu.memory_space<vmem>>) dst(%dma_wait3A_192 : memref<10016x144xf32, #tpu.memory_space<vmem_shared>>)
      %dma_start3A_193 = arith.constant 14 : i32
      %dma_start3A_194 = arith.constant 0 : i32
      %dma_start3A_195 = tpu.memref_slice %arg7[%dma_start3A_193, %dma_start3A_194] : memref<16x128xi32, #tpu.memory_space<vmem>> -> memref<1x128xi32, #tpu.memory_space<vmem>>
      %dma_start3A_196 = tpu.memref_squeeze %dma_start3A_195 : memref<1x128xi32, #tpu.memory_space<vmem>> -> memref<128xi32, #tpu.memory_space<vmem>>
      %dma_start3A_197 = arith.constant 0 : i32
      %dma_start3A_198 = arith.constant 0 : i32
      %dma_start3A_199 = tpu.memref_slice %arg2[%dma_start3A_197, %dma_start3A_198] : memref<20000x144xf32, #tpu.memory_space<hbm>> -> memref<20000x144xf32, #tpu.memory_space<hbm>>
      tpu.enqueue_indirect_dma source(%dma_start3A_199 : memref<20000x144xf32, #tpu.memory_space<hbm>>) target(%arg9 : memref<128x144xf32, #tpu.memory_space<vmem>>) offsets(%dma_start3A_196 : memref<128xi32, #tpu.memory_space<vmem>>) semaphore(%arg12 : memref<!tpu.dma_semaphore, #tpu.memory_space<semaphore_mem>>)
      %dma_wait3A_200 = arith.constant 12 : i32
      %dma_wait3A_201 = arith.constant 0 : i32
      %dma_wait3A_202 = tpu.memref_slice %arg7[%dma_wait3A_200, %dma_wait3A_201] : memref<16x128xi32, #tpu.memory_space<vmem>> -> memref<1x128xi32, #tpu.memory_space<vmem>>
      %dma_wait3A_203 = tpu.memref_squeeze %dma_wait3A_202 : memref<1x128xi32, #tpu.memory_space<vmem>> -> memref<128xi32, #tpu.memory_space<vmem>>
      %dma_wait3A_204 = arith.constant 0 : i32
      %dma_wait3A_205 = arith.constant 0 : i32
      %dma_wait3A_206 = tpu.memref_slice %arg2[%dma_wait3A_204, %dma_wait3A_205] : memref<20000x144xf32, #tpu.memory_space<hbm>> -> memref<20000x144xf32, #tpu.memory_space<hbm>>
      tpu.wait_indirect_dma semaphore(%arg11 : memref<!tpu.dma_semaphore, #tpu.memory_space<semaphore_mem>>) src(%dma_wait3A_206 : memref<20000x144xf32, #tpu.memory_space<hbm>>) dst(%arg8 : memref<128x144xf32, #tpu.memory_space<vmem>>)
      %dma_start3A_207 = arith.constant 13 : i32
      %dma_start3A_208 = arith.constant 0 : i32
      %dma_start3A_209 = tpu.memref_slice %arg7[%dma_start3A_207, %dma_start3A_208] : memref<16x128xi32, #tpu.memory_space<vmem>> -> memref<1x128xi32, #tpu.memory_space<vmem>>
      %dma_start3A_210 = tpu.memref_squeeze %dma_start3A_209 : memref<1x128xi32, #tpu.memory_space<vmem>> -> memref<128xi32, #tpu.memory_space<vmem>>
      %dma_start3A_211 = arith.constant 0 : i32
      %dma_start3A_212 = arith.constant 0 : i32
      %dma_start3A_213 = tpu.memref_slice %arg10[%dma_start3A_211, %dma_start3A_212] : memref<10016x144xf32, #tpu.memory_space<vmem_shared>> -> memref<10016x144xf32, #tpu.memory_space<vmem_shared>>
      tpu.enqueue_indirect_dma source(%arg8 : memref<128x144xf32, #tpu.memory_space<vmem>>) target(%dma_start3A_213 : memref<10016x144xf32, #tpu.memory_space<vmem_shared>>) offsets(%dma_start3A_210 : memref<128xi32, #tpu.memory_space<vmem>>) semaphore(%arg13 : memref<!tpu.dma_semaphore, #tpu.memory_space<semaphore_mem>>) {add = true}
      %dma_wait3A_214 = arith.constant 13 : i32
      %dma_wait3A_215 = arith.constant 0 : i32
      %dma_wait3A_216 = tpu.memref_slice %arg7[%dma_wait3A_214, %dma_wait3A_215] : memref<16x128xi32, #tpu.memory_space<vmem>> -> memref<1x128xi32, #tpu.memory_space<vmem>>
      %dma_wait3A_217 = tpu.memref_squeeze %dma_wait3A_216 : memref<1x128xi32, #tpu.memory_space<vmem>> -> memref<128xi32, #tpu.memory_space<vmem>>
      %dma_wait3A_218 = arith.constant 0 : i32
      %dma_wait3A_219 = arith.constant 0 : i32
      %dma_wait3A_220 = tpu.memref_slice %arg10[%dma_wait3A_218, %dma_wait3A_219] : memref<10016x144xf32, #tpu.memory_space<vmem_shared>> -> memref<10016x144xf32, #tpu.memory_space<vmem_shared>>
      tpu.wait_indirect_dma semaphore(%arg13 : memref<!tpu.dma_semaphore, #tpu.memory_space<semaphore_mem>>) src(%arg8 : memref<128x144xf32, #tpu.memory_space<vmem>>) dst(%dma_wait3A_220 : memref<10016x144xf32, #tpu.memory_space<vmem_shared>>)
      %dma_wait3A_221 = arith.constant 14 : i32
      %dma_wait3A_222 = arith.constant 0 : i32
      %dma_wait3A_223 = tpu.memref_slice %arg7[%dma_wait3A_221, %dma_wait3A_222] : memref<16x128xi32, #tpu.memory_space<vmem>> -> memref<1x128xi32, #tpu.memory_space<vmem>>
      %dma_wait3A_224 = tpu.memref_squeeze %dma_wait3A_223 : memref<1x128xi32, #tpu.memory_space<vmem>> -> memref<128xi32, #tpu.memory_space<vmem>>
      %dma_wait3A_225 = arith.constant 0 : i32
      %dma_wait3A_226 = arith.constant 0 : i32
      %dma_wait3A_227 = tpu.memref_slice %arg2[%dma_wait3A_225, %dma_wait3A_226] : memref<20000x144xf32, #tpu.memory_space<hbm>> -> memref<20000x144xf32, #tpu.memory_space<hbm>>
      tpu.wait_indirect_dma semaphore(%arg12 : memref<!tpu.dma_semaphore, #tpu.memory_space<semaphore_mem>>) src(%dma_wait3A_227 : memref<20000x144xf32, #tpu.memory_space<hbm>>) dst(%arg9 : memref<128x144xf32, #tpu.memory_space<vmem>>)
      %dma_start3A_228 = arith.constant 15 : i32
      %dma_start3A_229 = arith.constant 0 : i32
      %dma_start3A_230 = tpu.memref_slice %arg7[%dma_start3A_228, %dma_start3A_229] : memref<16x128xi32, #tpu.memory_space<vmem>> -> memref<1x128xi32, #tpu.memory_space<vmem>>
      %dma_start3A_231 = tpu.memref_squeeze %dma_start3A_230 : memref<1x128xi32, #tpu.memory_space<vmem>> -> memref<128xi32, #tpu.memory_space<vmem>>
      %dma_start3A_232 = arith.constant 0 : i32
      %dma_start3A_233 = arith.constant 0 : i32
      %dma_start3A_234 = tpu.memref_slice %arg10[%dma_start3A_232, %dma_start3A_233] : memref<10016x144xf32, #tpu.memory_space<vmem_shared>> -> memref<10016x144xf32, #tpu.memory_space<vmem_shared>>
      tpu.enqueue_indirect_dma source(%arg9 : memref<128x144xf32, #tpu.memory_space<vmem>>) target(%dma_start3A_234 : memref<10016x144xf32, #tpu.memory_space<vmem_shared>>) offsets(%dma_start3A_231 : memref<128xi32, #tpu.memory_space<vmem>>) semaphore(%arg14 : memref<!tpu.dma_semaphore, #tpu.memory_space<semaphore_mem>>) {add = true}
      %dma_wait3A_235 = arith.constant 15 : i32
      %dma_wait3A_236 = arith.constant 0 : i32
      %dma_wait3A_237 = tpu.memref_slice %arg7[%dma_wait3A_235, %dma_wait3A_236] : memref<16x128xi32, #tpu.memory_space<vmem>> -> memref<1x128xi32, #tpu.memory_space<vmem>>
      %dma_wait3A_238 = tpu.memref_squeeze %dma_wait3A_237 : memref<1x128xi32, #tpu.memory_space<vmem>> -> memref<128xi32, #tpu.memory_space<vmem>>
      %dma_wait3A_239 = arith.constant 0 : i32
      %dma_wait3A_240 = arith.constant 0 : i32
      %dma_wait3A_241 = tpu.memref_slice %arg10[%dma_wait3A_239, %dma_wait3A_240] : memref<10016x144xf32, #tpu.memory_space<vmem_shared>> -> memref<10016x144xf32, #tpu.memory_space<vmem_shared>>
      tpu.wait_indirect_dma semaphore(%arg14 : memref<!tpu.dma_semaphore, #tpu.memory_space<semaphore_mem>>) src(%arg9 : memref<128x144xf32, #tpu.memory_space<vmem>>) dst(%dma_wait3A_241 : memref<10016x144xf32, #tpu.memory_space<vmem_shared>>)
    }
    %scan3A_9 = arith.constant 10 : i32
    %barrier3A_10 = arith.constant 0 : index
    tpu.barrier barrier_id(%barrier3A_10)
    %eq3A = arith.constant 0 : i32
    %eq3A_11 = arith.cmpi eq, %arg0, %eq3A : i32
    %convert_element_type3A = arith.extui %eq3A_11 : i1 to i32
    %cond3A = arith.constant 0 : i32
    %cond3A_12 = arith.cmpi ne, %convert_element_type3A, %cond3A : i32
    scf.if %cond3A_12 {
      %mul3A_18 = arith.constant 625 : i32
      %mul3A_19 = arith.muli %arg1, %mul3A_18 : i32
      %mul3A_20 = arith.constant 625 : i32
      %mul3A_21 = arith.muli %arg1, %mul3A_20 : i32
      "tpu.region"() ({
        %run_scoped3A = tpu.sem_alloc : memref<!tpu.dma_semaphore, #tpu.memory_space<semaphore_mem>>
        %dma_start3A = arith.constant 0 : i32
        %dma_start3A_22 = tpu.memref_slice %arg5[%mul3A_21, %dma_start3A] : memref<10000x144xf32, #tpu.memory_space<hbm>> -> memref<625x144xf32, #tpu.memory_space<hbm>>
        %dma_start3A_23 = arith.constant 0 : i32
        %dma_start3A_24 = tpu.memref_slice %arg10[%mul3A_19, %dma_start3A_23] : memref<10016x144xf32, #tpu.memory_space<vmem_shared>> -> memref<625x144xf32, #tpu.memory_space<vmem_shared>>
        tpu.enqueue_dma source(%dma_start3A_24 : memref<625x144xf32, #tpu.memory_space<vmem_shared>>) target(%dma_start3A_22 : memref<625x144xf32, #tpu.memory_space<hbm>>) target_semaphore(%run_scoped3A : memref<!tpu.dma_semaphore, #tpu.memory_space<semaphore_mem>>)
        %dma_wait3A = arith.constant 0 : i32
        %dma_wait3A_25 = tpu.memref_slice %arg5[%mul3A_21, %dma_wait3A] : memref<10000x144xf32, #tpu.memory_space<hbm>> -> memref<625x144xf32, #tpu.memory_space<hbm>>
        %dma_wait3A_26 = arith.constant 0 : i32
        %dma_wait3A_27 = tpu.memref_slice %arg10[%mul3A_19, %dma_wait3A_26] : memref<10016x144xf32, #tpu.memory_space<vmem_shared>> -> memref<625x144xf32, #tpu.memory_space<vmem_shared>>
        tpu.wait_dma2 semaphore(%run_scoped3A : memref<!tpu.dma_semaphore, #tpu.memory_space<semaphore_mem>>) src(%dma_wait3A_27 : memref<625x144xf32, #tpu.memory_space<vmem_shared>>) dst(%dma_wait3A_25 : memref<625x144xf32, #tpu.memory_space<hbm>>)
        tpu.yield
      }) : () -> ()
    } else {
    }
    %eq3A_13 = arith.constant 1 : i32
    %eq3A_14 = arith.cmpi eq, %arg0, %eq3A_13 : i32
    %convert_element_type3A_15 = arith.extui %eq3A_14 : i1 to i32
    %cond3A_16 = arith.constant 0 : i32
    %cond3A_17 = arith.cmpi ne, %convert_element_type3A_15, %cond3A_16 : i32
    scf.if %cond3A_17 {
      %mul3A_18 = arith.constant 625 : i32
      %mul3A_19 = arith.muli %arg1, %mul3A_18 : i32
      %mul3A_20 = arith.constant 625 : i32
      %mul3A_21 = arith.muli %arg1, %mul3A_20 : i32
      "tpu.region"() ({
        %run_scoped3A = tpu.sem_alloc : memref<!tpu.dma_semaphore, #tpu.memory_space<semaphore_mem>>
        %dma_start3A = arith.constant 0 : i32
        %dma_start3A_22 = tpu.memref_slice %arg6[%mul3A_21, %dma_start3A] : memref<10000x144xf32, #tpu.memory_space<hbm>> -> memref<625x144xf32, #tpu.memory_space<hbm>>
        %dma_start3A_23 = arith.constant 0 : i32
        %dma_start3A_24 = tpu.memref_slice %arg10[%mul3A_19, %dma_start3A_23] : memref<10016x144xf32, #tpu.memory_space<vmem_shared>> -> memref<625x144xf32, #tpu.memory_space<vmem_shared>>
        tpu.enqueue_dma source(%dma_start3A_24 : memref<625x144xf32, #tpu.memory_space<vmem_shared>>) target(%dma_start3A_22 : memref<625x144xf32, #tpu.memory_space<hbm>>) target_semaphore(%run_scoped3A : memref<!tpu.dma_semaphore, #tpu.memory_space<semaphore_mem>>)
        %dma_wait3A = arith.constant 0 : i32
        %dma_wait3A_25 = tpu.memref_slice %arg6[%mul3A_21, %dma_wait3A] : memref<10000x144xf32, #tpu.memory_space<hbm>> -> memref<625x144xf32, #tpu.memory_space<hbm>>
        %dma_wait3A_26 = arith.constant 0 : i32
        %dma_wait3A_27 = tpu.memref_slice %arg10[%mul3A_19, %dma_wait3A_26] : memref<10016x144xf32, #tpu.memory_space<vmem_shared>> -> memref<625x144xf32, #tpu.memory_space<vmem_shared>>
        tpu.wait_dma2 semaphore(%run_scoped3A : memref<!tpu.dma_semaphore, #tpu.memory_space<semaphore_mem>>) src(%dma_wait3A_27 : memref<625x144xf32, #tpu.memory_space<vmem_shared>>) dst(%dma_wait3A_25 : memref<625x144xf32, #tpu.memory_space<hbm>>)
        tpu.yield
      }) : () -> ()
    } else {
    }
    return
  }
}

#map = affine_map<(d0, d1) -> (0, 0)>
#map1 = affine_map<(d0, d1) -> (0, 0, 0)>
module attributes {stable_mosaic.version = 14 : i64} {
  func.func @k(%arg0: i32, %arg1: i32, %arg2: memref<20000x128xf32, #tpu.memory_space<hbm>>, %arg3: memref<320x16x128xi32, #tpu.memory_space<hbm>>, %arg4: memref<10000x128xf32, #tpu.memory_space<hbm>>, %arg5: memref<10000x128xf32, #tpu.memory_space<hbm>>, %arg6: memref<10000x256xf32, #tpu.memory_space<hbm>>, %arg7: memref<16x128xi32, #tpu.memory_space<vmem>>, %arg8: memref<128x128xf32, #tpu.memory_space<vmem>>, %arg9: memref<128x128xf32, #tpu.memory_space<vmem>>, %arg10: memref<10016x128xf32, #tpu.memory_space<vmem_shared>>, %arg11: memref<!tpu.dma_semaphore, #tpu.memory_space<semaphore_mem>>, %arg12: memref<!tpu.dma_semaphore, #tpu.memory_space<semaphore_mem>>, %arg13: memref<!tpu.dma_semaphore, #tpu.memory_space<semaphore_mem>>, %arg14: memref<!tpu.dma_semaphore, #tpu.memory_space<semaphore_mem>>) attributes {dimension_semantics = [#tpu.dimension_semantics<core_parallel>, #tpu.dimension_semantics<subcore_parallel>], iteration_bounds = array<i64: 2, 16>, scalar_prefetch = 0 : i64, scratch_operands = 8 : i64, tpu.core_type = #tpu.core_type<sc_vector_subcore>, window_params = [{transform_indices = #map}, {transform_indices = #map1}, {transform_indices = #map}, {transform_indices = #map}, {transform_indices = #map}]} {
    %eq3A = arith.constant 0 : i32
    %eq3A_0 = arith.cmpi eq, %arg0, %eq3A : i32
    %convert_element_type3A = arith.extui %eq3A_0 : i1 to i32
    %cond3A = arith.constant 0 : i32
    %cond3A_1 = arith.cmpi ne, %convert_element_type3A, %cond3A : i32
    scf.if %cond3A_1 {
      %mul3A_22 = arith.constant 625 : i32
      %mul3A_23 = arith.muli %arg1, %mul3A_22 : i32
      %mul3A_24 = arith.constant 625 : i32
      %mul3A_25 = arith.muli %arg1, %mul3A_24 : i32
      "tpu.region"() ({
        %run_scoped3A = tpu.sem_alloc : memref<!tpu.dma_semaphore, #tpu.memory_space<semaphore_mem>>
        %dma_start3A = arith.constant 0 : i32
        %dma_start3A_26 = tpu.memref_slice %arg10[%mul3A_25, %dma_start3A] : memref<10016x128xf32, #tpu.memory_space<vmem_shared>> -> memref<625x128xf32, #tpu.memory_space<vmem_shared>>
        %dma_start3A_27 = arith.constant 0 : i32
        %dma_start3A_28 = tpu.memref_slice %arg4[%mul3A_23, %dma_start3A_27] : memref<10000x128xf32, #tpu.memory_space<hbm>> -> memref<625x128xf32, #tpu.memory_space<hbm>>
        tpu.enqueue_dma source(%dma_start3A_28 : memref<625x128xf32, #tpu.memory_space<hbm>>) target(%dma_start3A_26 : memref<625x128xf32, #tpu.memory_space<vmem_shared>>) target_semaphore(%run_scoped3A : memref<!tpu.dma_semaphore, #tpu.memory_space<semaphore_mem>>)
        %dma_wait3A = arith.constant 0 : i32
        %dma_wait3A_29 = tpu.memref_slice %arg10[%mul3A_25, %dma_wait3A] : memref<10016x128xf32, #tpu.memory_space<vmem_shared>> -> memref<625x128xf32, #tpu.memory_space<vmem_shared>>
        %dma_wait3A_30 = arith.constant 0 : i32
        %dma_wait3A_31 = tpu.memref_slice %arg4[%mul3A_23, %dma_wait3A_30] : memref<10000x128xf32, #tpu.memory_space<hbm>> -> memref<625x128xf32, #tpu.memory_space<hbm>>
        tpu.wait_dma2 semaphore(%run_scoped3A : memref<!tpu.dma_semaphore, #tpu.memory_space<semaphore_mem>>) src(%dma_wait3A_31 : memref<625x128xf32, #tpu.memory_space<hbm>>) dst(%dma_wait3A_29 : memref<625x128xf32, #tpu.memory_space<vmem_shared>>)
        tpu.yield
      }) : () -> ()
    } else {
    }
    %eq3A_2 = arith.constant 1 : i32
    %eq3A_3 = arith.cmpi eq, %arg0, %eq3A_2 : i32
    %convert_element_type3A_4 = arith.extui %eq3A_3 : i1 to i32
    %cond3A_5 = arith.constant 0 : i32
    %cond3A_6 = arith.cmpi ne, %convert_element_type3A_4, %cond3A_5 : i32
    scf.if %cond3A_6 {
      %mul3A_22 = arith.constant 625 : i32
      %mul3A_23 = arith.muli %arg1, %mul3A_22 : i32
      %mul3A_24 = arith.constant 625 : i32
      %mul3A_25 = arith.muli %arg1, %mul3A_24 : i32
      "tpu.region"() ({
        %run_scoped3A = tpu.sem_alloc : memref<!tpu.dma_semaphore, #tpu.memory_space<semaphore_mem>>
        %dma_start3A = arith.constant 0 : i32
        %dma_start3A_26 = tpu.memref_slice %arg10[%mul3A_25, %dma_start3A] : memref<10016x128xf32, #tpu.memory_space<vmem_shared>> -> memref<625x128xf32, #tpu.memory_space<vmem_shared>>
        %dma_start3A_27 = arith.constant 0 : i32
        %dma_start3A_28 = tpu.memref_slice %arg5[%mul3A_23, %dma_start3A_27] : memref<10000x128xf32, #tpu.memory_space<hbm>> -> memref<625x128xf32, #tpu.memory_space<hbm>>
        tpu.enqueue_dma source(%dma_start3A_28 : memref<625x128xf32, #tpu.memory_space<hbm>>) target(%dma_start3A_26 : memref<625x128xf32, #tpu.memory_space<vmem_shared>>) target_semaphore(%run_scoped3A : memref<!tpu.dma_semaphore, #tpu.memory_space<semaphore_mem>>)
        %dma_wait3A = arith.constant 0 : i32
        %dma_wait3A_29 = tpu.memref_slice %arg10[%mul3A_25, %dma_wait3A] : memref<10016x128xf32, #tpu.memory_space<vmem_shared>> -> memref<625x128xf32, #tpu.memory_space<vmem_shared>>
        %dma_wait3A_30 = arith.constant 0 : i32
        %dma_wait3A_31 = tpu.memref_slice %arg5[%mul3A_23, %dma_wait3A_30] : memref<10000x128xf32, #tpu.memory_space<hbm>> -> memref<625x128xf32, #tpu.memory_space<hbm>>
        tpu.wait_dma2 semaphore(%run_scoped3A : memref<!tpu.dma_semaphore, #tpu.memory_space<semaphore_mem>>) src(%dma_wait3A_31 : memref<625x128xf32, #tpu.memory_space<hbm>>) dst(%dma_wait3A_29 : memref<625x128xf32, #tpu.memory_space<vmem_shared>>)
        tpu.yield
      }) : () -> ()
    } else {
    }
    %barrier3A = arith.constant 0 : index
    tpu.barrier barrier_id(%barrier3A)
    %mul3A = arith.constant 16 : i32
    %mul3A_7 = arith.muli %arg0, %mul3A : i32
    %add3A = arith.addi %mul3A_7, %arg1 : i32
    %mul3A_8 = arith.constant 10 : i32
    %mul3A_9 = arith.muli %add3A, %mul3A_8 : i32
    %scan3A = arith.constant 0 : i32
    %scan3A_10 = arith.constant 0 : i32
    %scan3A_11 = arith.constant 10 : i32
    %scan3A_12 = arith.addi %scan3A_10, %scan3A_11 : i32
    %scan3A_13 = arith.constant 1 : i32
    scf.for %scan3A_22 = %scan3A_10 to %scan3A_12 step %scan3A_13  : i32 {
      %add3A_23 = arith.addi %mul3A_9, %scan3A_22 : i32
      "tpu.region"() ({
        %run_scoped3A = tpu.sem_alloc : memref<!tpu.dma_semaphore, #tpu.memory_space<semaphore_mem>>
        %dma_start3A_246 = arith.constant 0 : i32
        %dma_start3A_247 = arith.constant 0 : i32
        %dma_start3A_248 = tpu.memref_slice %arg3[%add3A_23, %dma_start3A_246, %dma_start3A_247] : memref<320x16x128xi32, #tpu.memory_space<hbm>> -> memref<1x16x128xi32, #tpu.memory_space<hbm>>
        %dma_start3A_249 = tpu.memref_squeeze %dma_start3A_248 : memref<1x16x128xi32, #tpu.memory_space<hbm>> -> memref<16x128xi32, #tpu.memory_space<hbm>>
        %dma_start3A_250 = arith.constant 0 : i32
        %dma_start3A_251 = arith.constant 0 : i32
        %dma_start3A_252 = tpu.memref_slice %arg3[%add3A_23, %dma_start3A_250, %dma_start3A_251] : memref<320x16x128xi32, #tpu.memory_space<hbm>> -> memref<1x16x128xi32, #tpu.memory_space<hbm>>
        %dma_start3A_253 = tpu.memref_squeeze %dma_start3A_252 : memref<1x16x128xi32, #tpu.memory_space<hbm>> -> memref<16x128xi32, #tpu.memory_space<hbm>>
        tpu.enqueue_dma source(%dma_start3A_253 : memref<16x128xi32, #tpu.memory_space<hbm>>) target(%arg7 : memref<16x128xi32, #tpu.memory_space<vmem>>) target_semaphore(%run_scoped3A : memref<!tpu.dma_semaphore, #tpu.memory_space<semaphore_mem>>)
        %dma_wait3A_254 = arith.constant 0 : i32
        %dma_wait3A_255 = arith.constant 0 : i32
        %dma_wait3A_256 = tpu.memref_slice %arg3[%add3A_23, %dma_wait3A_254, %dma_wait3A_255] : memref<320x16x128xi32, #tpu.memory_space<hbm>> -> memref<1x16x128xi32, #tpu.memory_space<hbm>>
        %dma_wait3A_257 = tpu.memref_squeeze %dma_wait3A_256 : memref<1x16x128xi32, #tpu.memory_space<hbm>> -> memref<16x128xi32, #tpu.memory_space<hbm>>
        %dma_wait3A_258 = arith.constant 0 : i32
        %dma_wait3A_259 = arith.constant 0 : i32
        %dma_wait3A_260 = tpu.memref_slice %arg3[%add3A_23, %dma_wait3A_258, %dma_wait3A_259] : memref<320x16x128xi32, #tpu.memory_space<hbm>> -> memref<1x16x128xi32, #tpu.memory_space<hbm>>
        %dma_wait3A_261 = tpu.memref_squeeze %dma_wait3A_260 : memref<1x16x128xi32, #tpu.memory_space<hbm>> -> memref<16x128xi32, #tpu.memory_space<hbm>>
        tpu.wait_dma2 semaphore(%run_scoped3A : memref<!tpu.dma_semaphore, #tpu.memory_space<semaphore_mem>>) src(%dma_wait3A_261 : memref<16x128xi32, #tpu.memory_space<hbm>>) dst(%arg7 : memref<16x128xi32, #tpu.memory_space<vmem>>)
        tpu.yield
      }) : () -> ()
      %dma_start3A = arith.constant 0 : i32
      %dma_start3A_24 = arith.constant 0 : i32
      %dma_start3A_25 = tpu.memref_slice %arg7[%dma_start3A, %dma_start3A_24] : memref<16x128xi32, #tpu.memory_space<vmem>> -> memref<1x128xi32, #tpu.memory_space<vmem>>
      %dma_start3A_26 = tpu.memref_squeeze %dma_start3A_25 : memref<1x128xi32, #tpu.memory_space<vmem>> -> memref<128xi32, #tpu.memory_space<vmem>>
      %dma_start3A_27 = arith.constant 0 : i32
      %dma_start3A_28 = arith.constant 0 : i32
      %dma_start3A_29 = tpu.memref_slice %arg2[%dma_start3A_27, %dma_start3A_28] : memref<20000x128xf32, #tpu.memory_space<hbm>> -> memref<20000x128xf32, #tpu.memory_space<hbm>>
      tpu.enqueue_indirect_dma source(%dma_start3A_29 : memref<20000x128xf32, #tpu.memory_space<hbm>>) target(%arg8 : memref<128x128xf32, #tpu.memory_space<vmem>>) offsets(%dma_start3A_26 : memref<128xi32, #tpu.memory_space<vmem>>) semaphore(%arg11 : memref<!tpu.dma_semaphore, #tpu.memory_space<semaphore_mem>>)
      %dma_start3A_30 = arith.constant 2 : i32
      %dma_start3A_31 = arith.constant 0 : i32
      %dma_start3A_32 = tpu.memref_slice %arg7[%dma_start3A_30, %dma_start3A_31] : memref<16x128xi32, #tpu.memory_space<vmem>> -> memref<1x128xi32, #tpu.memory_space<vmem>>
      %dma_start3A_33 = tpu.memref_squeeze %dma_start3A_32 : memref<1x128xi32, #tpu.memory_space<vmem>> -> memref<128xi32, #tpu.memory_space<vmem>>
      %dma_start3A_34 = arith.constant 0 : i32
      %dma_start3A_35 = arith.constant 0 : i32
      %dma_start3A_36 = tpu.memref_slice %arg2[%dma_start3A_34, %dma_start3A_35] : memref<20000x128xf32, #tpu.memory_space<hbm>> -> memref<20000x128xf32, #tpu.memory_space<hbm>>
      tpu.enqueue_indirect_dma source(%dma_start3A_36 : memref<20000x128xf32, #tpu.memory_space<hbm>>) target(%arg9 : memref<128x128xf32, #tpu.memory_space<vmem>>) offsets(%dma_start3A_33 : memref<128xi32, #tpu.memory_space<vmem>>) semaphore(%arg12 : memref<!tpu.dma_semaphore, #tpu.memory_space<semaphore_mem>>)
      %dma_wait3A = arith.constant 0 : i32
      %dma_wait3A_37 = arith.constant 0 : i32
      %dma_wait3A_38 = tpu.memref_slice %arg7[%dma_wait3A, %dma_wait3A_37] : memref<16x128xi32, #tpu.memory_space<vmem>> -> memref<1x128xi32, #tpu.memory_space<vmem>>
      %dma_wait3A_39 = tpu.memref_squeeze %dma_wait3A_38 : memref<1x128xi32, #tpu.memory_space<vmem>> -> memref<128xi32, #tpu.memory_space<vmem>>
      %dma_wait3A_40 = arith.constant 0 : i32
      %dma_wait3A_41 = arith.constant 0 : i32
      %dma_wait3A_42 = tpu.memref_slice %arg2[%dma_wait3A_40, %dma_wait3A_41] : memref<20000x128xf32, #tpu.memory_space<hbm>> -> memref<20000x128xf32, #tpu.memory_space<hbm>>
      tpu.wait_indirect_dma semaphore(%arg11 : memref<!tpu.dma_semaphore, #tpu.memory_space<semaphore_mem>>) src(%dma_wait3A_42 : memref<20000x128xf32, #tpu.memory_space<hbm>>) dst(%arg8 : memref<128x128xf32, #tpu.memory_space<vmem>>)
      %dma_start3A_43 = arith.constant 1 : i32
      %dma_start3A_44 = arith.constant 0 : i32
      %dma_start3A_45 = tpu.memref_slice %arg7[%dma_start3A_43, %dma_start3A_44] : memref<16x128xi32, #tpu.memory_space<vmem>> -> memref<1x128xi32, #tpu.memory_space<vmem>>
      %dma_start3A_46 = tpu.memref_squeeze %dma_start3A_45 : memref<1x128xi32, #tpu.memory_space<vmem>> -> memref<128xi32, #tpu.memory_space<vmem>>
      %dma_start3A_47 = arith.constant 0 : i32
      %dma_start3A_48 = arith.constant 0 : i32
      %dma_start3A_49 = tpu.memref_slice %arg10[%dma_start3A_47, %dma_start3A_48] : memref<10016x128xf32, #tpu.memory_space<vmem_shared>> -> memref<10016x128xf32, #tpu.memory_space<vmem_shared>>
      tpu.enqueue_indirect_dma source(%arg8 : memref<128x128xf32, #tpu.memory_space<vmem>>) target(%dma_start3A_49 : memref<10016x128xf32, #tpu.memory_space<vmem_shared>>) offsets(%dma_start3A_46 : memref<128xi32, #tpu.memory_space<vmem>>) semaphore(%arg13 : memref<!tpu.dma_semaphore, #tpu.memory_space<semaphore_mem>>) {add = true}
      %dma_wait3A_50 = arith.constant 1 : i32
      %dma_wait3A_51 = arith.constant 0 : i32
      %dma_wait3A_52 = tpu.memref_slice %arg7[%dma_wait3A_50, %dma_wait3A_51] : memref<16x128xi32, #tpu.memory_space<vmem>> -> memref<1x128xi32, #tpu.memory_space<vmem>>
      %dma_wait3A_53 = tpu.memref_squeeze %dma_wait3A_52 : memref<1x128xi32, #tpu.memory_space<vmem>> -> memref<128xi32, #tpu.memory_space<vmem>>
      %dma_wait3A_54 = arith.constant 0 : i32
      %dma_wait3A_55 = arith.constant 0 : i32
      %dma_wait3A_56 = tpu.memref_slice %arg10[%dma_wait3A_54, %dma_wait3A_55] : memref<10016x128xf32, #tpu.memory_space<vmem_shared>> -> memref<10016x128xf32, #tpu.memory_space<vmem_shared>>
      tpu.wait_indirect_dma semaphore(%arg13 : memref<!tpu.dma_semaphore, #tpu.memory_space<semaphore_mem>>) src(%arg8 : memref<128x128xf32, #tpu.memory_space<vmem>>) dst(%dma_wait3A_56 : memref<10016x128xf32, #tpu.memory_space<vmem_shared>>)
      %dma_start3A_57 = arith.constant 4 : i32
      %dma_start3A_58 = arith.constant 0 : i32
      %dma_start3A_59 = tpu.memref_slice %arg7[%dma_start3A_57, %dma_start3A_58] : memref<16x128xi32, #tpu.memory_space<vmem>> -> memref<1x128xi32, #tpu.memory_space<vmem>>
      %dma_start3A_60 = tpu.memref_squeeze %dma_start3A_59 : memref<1x128xi32, #tpu.memory_space<vmem>> -> memref<128xi32, #tpu.memory_space<vmem>>
      %dma_start3A_61 = arith.constant 0 : i32
      %dma_start3A_62 = arith.constant 0 : i32
      %dma_start3A_63 = tpu.memref_slice %arg2[%dma_start3A_61, %dma_start3A_62] : memref<20000x128xf32, #tpu.memory_space<hbm>> -> memref<20000x128xf32, #tpu.memory_space<hbm>>
      tpu.enqueue_indirect_dma source(%dma_start3A_63 : memref<20000x128xf32, #tpu.memory_space<hbm>>) target(%arg8 : memref<128x128xf32, #tpu.memory_space<vmem>>) offsets(%dma_start3A_60 : memref<128xi32, #tpu.memory_space<vmem>>) semaphore(%arg11 : memref<!tpu.dma_semaphore, #tpu.memory_space<semaphore_mem>>)
      %dma_wait3A_64 = arith.constant 2 : i32
      %dma_wait3A_65 = arith.constant 0 : i32
      %dma_wait3A_66 = tpu.memref_slice %arg7[%dma_wait3A_64, %dma_wait3A_65] : memref<16x128xi32, #tpu.memory_space<vmem>> -> memref<1x128xi32, #tpu.memory_space<vmem>>
      %dma_wait3A_67 = tpu.memref_squeeze %dma_wait3A_66 : memref<1x128xi32, #tpu.memory_space<vmem>> -> memref<128xi32, #tpu.memory_space<vmem>>
      %dma_wait3A_68 = arith.constant 0 : i32
      %dma_wait3A_69 = arith.constant 0 : i32
      %dma_wait3A_70 = tpu.memref_slice %arg2[%dma_wait3A_68, %dma_wait3A_69] : memref<20000x128xf32, #tpu.memory_space<hbm>> -> memref<20000x128xf32, #tpu.memory_space<hbm>>
      tpu.wait_indirect_dma semaphore(%arg12 : memref<!tpu.dma_semaphore, #tpu.memory_space<semaphore_mem>>) src(%dma_wait3A_70 : memref<20000x128xf32, #tpu.memory_space<hbm>>) dst(%arg9 : memref<128x128xf32, #tpu.memory_space<vmem>>)
      %dma_start3A_71 = arith.constant 3 : i32
      %dma_start3A_72 = arith.constant 0 : i32
      %dma_start3A_73 = tpu.memref_slice %arg7[%dma_start3A_71, %dma_start3A_72] : memref<16x128xi32, #tpu.memory_space<vmem>> -> memref<1x128xi32, #tpu.memory_space<vmem>>
      %dma_start3A_74 = tpu.memref_squeeze %dma_start3A_73 : memref<1x128xi32, #tpu.memory_space<vmem>> -> memref<128xi32, #tpu.memory_space<vmem>>
      %dma_start3A_75 = arith.constant 0 : i32
      %dma_start3A_76 = arith.constant 0 : i32
      %dma_start3A_77 = tpu.memref_slice %arg10[%dma_start3A_75, %dma_start3A_76] : memref<10016x128xf32, #tpu.memory_space<vmem_shared>> -> memref<10016x128xf32, #tpu.memory_space<vmem_shared>>
      tpu.enqueue_indirect_dma source(%arg9 : memref<128x128xf32, #tpu.memory_space<vmem>>) target(%dma_start3A_77 : memref<10016x128xf32, #tpu.memory_space<vmem_shared>>) offsets(%dma_start3A_74 : memref<128xi32, #tpu.memory_space<vmem>>) semaphore(%arg14 : memref<!tpu.dma_semaphore, #tpu.memory_space<semaphore_mem>>) {add = true}
      %dma_wait3A_78 = arith.constant 3 : i32
      %dma_wait3A_79 = arith.constant 0 : i32
      %dma_wait3A_80 = tpu.memref_slice %arg7[%dma_wait3A_78, %dma_wait3A_79] : memref<16x128xi32, #tpu.memory_space<vmem>> -> memref<1x128xi32, #tpu.memory_space<vmem>>
      %dma_wait3A_81 = tpu.memref_squeeze %dma_wait3A_80 : memref<1x128xi32, #tpu.memory_space<vmem>> -> memref<128xi32, #tpu.memory_space<vmem>>
      %dma_wait3A_82 = arith.constant 0 : i32
      %dma_wait3A_83 = arith.constant 0 : i32
      %dma_wait3A_84 = tpu.memref_slice %arg10[%dma_wait3A_82, %dma_wait3A_83] : memref<10016x128xf32, #tpu.memory_space<vmem_shared>> -> memref<10016x128xf32, #tpu.memory_space<vmem_shared>>
      tpu.wait_indirect_dma semaphore(%arg14 : memref<!tpu.dma_semaphore, #tpu.memory_space<semaphore_mem>>) src(%arg9 : memref<128x128xf32, #tpu.memory_space<vmem>>) dst(%dma_wait3A_84 : memref<10016x128xf32, #tpu.memory_space<vmem_shared>>)
      %dma_start3A_85 = arith.constant 6 : i32
      %dma_start3A_86 = arith.constant 0 : i32
      %dma_start3A_87 = tpu.memref_slice %arg7[%dma_start3A_85, %dma_start3A_86] : memref<16x128xi32, #tpu.memory_space<vmem>> -> memref<1x128xi32, #tpu.memory_space<vmem>>
      %dma_start3A_88 = tpu.memref_squeeze %dma_start3A_87 : memref<1x128xi32, #tpu.memory_space<vmem>> -> memref<128xi32, #tpu.memory_space<vmem>>
      %dma_start3A_89 = arith.constant 0 : i32
      %dma_start3A_90 = arith.constant 0 : i32
      %dma_start3A_91 = tpu.memref_slice %arg2[%dma_start3A_89, %dma_start3A_90] : memref<20000x128xf32, #tpu.memory_space<hbm>> -> memref<20000x128xf32, #tpu.memory_space<hbm>>
      tpu.enqueue_indirect_dma source(%dma_start3A_91 : memref<20000x128xf32, #tpu.memory_space<hbm>>) target(%arg9 : memref<128x128xf32, #tpu.memory_space<vmem>>) offsets(%dma_start3A_88 : memref<128xi32, #tpu.memory_space<vmem>>) semaphore(%arg12 : memref<!tpu.dma_semaphore, #tpu.memory_space<semaphore_mem>>)
      %dma_wait3A_92 = arith.constant 4 : i32
      %dma_wait3A_93 = arith.constant 0 : i32
      %dma_wait3A_94 = tpu.memref_slice %arg7[%dma_wait3A_92, %dma_wait3A_93] : memref<16x128xi32, #tpu.memory_space<vmem>> -> memref<1x128xi32, #tpu.memory_space<vmem>>
      %dma_wait3A_95 = tpu.memref_squeeze %dma_wait3A_94 : memref<1x128xi32, #tpu.memory_space<vmem>> -> memref<128xi32, #tpu.memory_space<vmem>>
      %dma_wait3A_96 = arith.constant 0 : i32
      %dma_wait3A_97 = arith.constant 0 : i32
      %dma_wait3A_98 = tpu.memref_slice %arg2[%dma_wait3A_96, %dma_wait3A_97] : memref<20000x128xf32, #tpu.memory_space<hbm>> -> memref<20000x128xf32, #tpu.memory_space<hbm>>
      tpu.wait_indirect_dma semaphore(%arg11 : memref<!tpu.dma_semaphore, #tpu.memory_space<semaphore_mem>>) src(%dma_wait3A_98 : memref<20000x128xf32, #tpu.memory_space<hbm>>) dst(%arg8 : memref<128x128xf32, #tpu.memory_space<vmem>>)
      %dma_start3A_99 = arith.constant 5 : i32
      %dma_start3A_100 = arith.constant 0 : i32
      %dma_start3A_101 = tpu.memref_slice %arg7[%dma_start3A_99, %dma_start3A_100] : memref<16x128xi32, #tpu.memory_space<vmem>> -> memref<1x128xi32, #tpu.memory_space<vmem>>
      %dma_start3A_102 = tpu.memref_squeeze %dma_start3A_101 : memref<1x128xi32, #tpu.memory_space<vmem>> -> memref<128xi32, #tpu.memory_space<vmem>>
      %dma_start3A_103 = arith.constant 0 : i32
      %dma_start3A_104 = arith.constant 0 : i32
      %dma_start3A_105 = tpu.memref_slice %arg10[%dma_start3A_103, %dma_start3A_104] : memref<10016x128xf32, #tpu.memory_space<vmem_shared>> -> memref<10016x128xf32, #tpu.memory_space<vmem_shared>>
      tpu.enqueue_indirect_dma source(%arg8 : memref<128x128xf32, #tpu.memory_space<vmem>>) target(%dma_start3A_105 : memref<10016x128xf32, #tpu.memory_space<vmem_shared>>) offsets(%dma_start3A_102 : memref<128xi32, #tpu.memory_space<vmem>>) semaphore(%arg13 : memref<!tpu.dma_semaphore, #tpu.memory_space<semaphore_mem>>) {add = true}
      %dma_wait3A_106 = arith.constant 5 : i32
      %dma_wait3A_107 = arith.constant 0 : i32
      %dma_wait3A_108 = tpu.memref_slice %arg7[%dma_wait3A_106, %dma_wait3A_107] : memref<16x128xi32, #tpu.memory_space<vmem>> -> memref<1x128xi32, #tpu.memory_space<vmem>>
      %dma_wait3A_109 = tpu.memref_squeeze %dma_wait3A_108 : memref<1x128xi32, #tpu.memory_space<vmem>> -> memref<128xi32, #tpu.memory_space<vmem>>
      %dma_wait3A_110 = arith.constant 0 : i32
      %dma_wait3A_111 = arith.constant 0 : i32
      %dma_wait3A_112 = tpu.memref_slice %arg10[%dma_wait3A_110, %dma_wait3A_111] : memref<10016x128xf32, #tpu.memory_space<vmem_shared>> -> memref<10016x128xf32, #tpu.memory_space<vmem_shared>>
      tpu.wait_indirect_dma semaphore(%arg13 : memref<!tpu.dma_semaphore, #tpu.memory_space<semaphore_mem>>) src(%arg8 : memref<128x128xf32, #tpu.memory_space<vmem>>) dst(%dma_wait3A_112 : memref<10016x128xf32, #tpu.memory_space<vmem_shared>>)
      %dma_start3A_113 = arith.constant 8 : i32
      %dma_start3A_114 = arith.constant 0 : i32
      %dma_start3A_115 = tpu.memref_slice %arg7[%dma_start3A_113, %dma_start3A_114] : memref<16x128xi32, #tpu.memory_space<vmem>> -> memref<1x128xi32, #tpu.memory_space<vmem>>
      %dma_start3A_116 = tpu.memref_squeeze %dma_start3A_115 : memref<1x128xi32, #tpu.memory_space<vmem>> -> memref<128xi32, #tpu.memory_space<vmem>>
      %dma_start3A_117 = arith.constant 0 : i32
      %dma_start3A_118 = arith.constant 0 : i32
      %dma_start3A_119 = tpu.memref_slice %arg2[%dma_start3A_117, %dma_start3A_118] : memref<20000x128xf32, #tpu.memory_space<hbm>> -> memref<20000x128xf32, #tpu.memory_space<hbm>>
      tpu.enqueue_indirect_dma source(%dma_start3A_119 : memref<20000x128xf32, #tpu.memory_space<hbm>>) target(%arg8 : memref<128x128xf32, #tpu.memory_space<vmem>>) offsets(%dma_start3A_116 : memref<128xi32, #tpu.memory_space<vmem>>) semaphore(%arg11 : memref<!tpu.dma_semaphore, #tpu.memory_space<semaphore_mem>>)
      %dma_wait3A_120 = arith.constant 6 : i32
      %dma_wait3A_121 = arith.constant 0 : i32
      %dma_wait3A_122 = tpu.memref_slice %arg7[%dma_wait3A_120, %dma_wait3A_121] : memref<16x128xi32, #tpu.memory_space<vmem>> -> memref<1x128xi32, #tpu.memory_space<vmem>>
      %dma_wait3A_123 = tpu.memref_squeeze %dma_wait3A_122 : memref<1x128xi32, #tpu.memory_space<vmem>> -> memref<128xi32, #tpu.memory_space<vmem>>
      %dma_wait3A_124 = arith.constant 0 : i32
      %dma_wait3A_125 = arith.constant 0 : i32
      %dma_wait3A_126 = tpu.memref_slice %arg2[%dma_wait3A_124, %dma_wait3A_125] : memref<20000x128xf32, #tpu.memory_space<hbm>> -> memref<20000x128xf32, #tpu.memory_space<hbm>>
      tpu.wait_indirect_dma semaphore(%arg12 : memref<!tpu.dma_semaphore, #tpu.memory_space<semaphore_mem>>) src(%dma_wait3A_126 : memref<20000x128xf32, #tpu.memory_space<hbm>>) dst(%arg9 : memref<128x128xf32, #tpu.memory_space<vmem>>)
      %dma_start3A_127 = arith.constant 7 : i32
      %dma_start3A_128 = arith.constant 0 : i32
      %dma_start3A_129 = tpu.memref_slice %arg7[%dma_start3A_127, %dma_start3A_128] : memref<16x128xi32, #tpu.memory_space<vmem>> -> memref<1x128xi32, #tpu.memory_space<vmem>>
      %dma_start3A_130 = tpu.memref_squeeze %dma_start3A_129 : memref<1x128xi32, #tpu.memory_space<vmem>> -> memref<128xi32, #tpu.memory_space<vmem>>
      %dma_start3A_131 = arith.constant 0 : i32
      %dma_start3A_132 = arith.constant 0 : i32
      %dma_start3A_133 = tpu.memref_slice %arg10[%dma_start3A_131, %dma_start3A_132] : memref<10016x128xf32, #tpu.memory_space<vmem_shared>> -> memref<10016x128xf32, #tpu.memory_space<vmem_shared>>
      tpu.enqueue_indirect_dma source(%arg9 : memref<128x128xf32, #tpu.memory_space<vmem>>) target(%dma_start3A_133 : memref<10016x128xf32, #tpu.memory_space<vmem_shared>>) offsets(%dma_start3A_130 : memref<128xi32, #tpu.memory_space<vmem>>) semaphore(%arg14 : memref<!tpu.dma_semaphore, #tpu.memory_space<semaphore_mem>>) {add = true}
      %dma_wait3A_134 = arith.constant 7 : i32
      %dma_wait3A_135 = arith.constant 0 : i32
      %dma_wait3A_136 = tpu.memref_slice %arg7[%dma_wait3A_134, %dma_wait3A_135] : memref<16x128xi32, #tpu.memory_space<vmem>> -> memref<1x128xi32, #tpu.memory_space<vmem>>
      %dma_wait3A_137 = tpu.memref_squeeze %dma_wait3A_136 : memref<1x128xi32, #tpu.memory_space<vmem>> -> memref<128xi32, #tpu.memory_space<vmem>>
      %dma_wait3A_138 = arith.constant 0 : i32
      %dma_wait3A_139 = arith.constant 0 : i32
      %dma_wait3A_140 = tpu.memref_slice %arg10[%dma_wait3A_138, %dma_wait3A_139] : memref<10016x128xf32, #tpu.memory_space<vmem_shared>> -> memref<10016x128xf32, #tpu.memory_space<vmem_shared>>
      tpu.wait_indirect_dma semaphore(%arg14 : memref<!tpu.dma_semaphore, #tpu.memory_space<semaphore_mem>>) src(%arg9 : memref<128x128xf32, #tpu.memory_space<vmem>>) dst(%dma_wait3A_140 : memref<10016x128xf32, #tpu.memory_space<vmem_shared>>)
      %dma_start3A_141 = arith.constant 10 : i32
      %dma_start3A_142 = arith.constant 0 : i32
      %dma_start3A_143 = tpu.memref_slice %arg7[%dma_start3A_141, %dma_start3A_142] : memref<16x128xi32, #tpu.memory_space<vmem>> -> memref<1x128xi32, #tpu.memory_space<vmem>>
      %dma_start3A_144 = tpu.memref_squeeze %dma_start3A_143 : memref<1x128xi32, #tpu.memory_space<vmem>> -> memref<128xi32, #tpu.memory_space<vmem>>
      %dma_start3A_145 = arith.constant 0 : i32
      %dma_start3A_146 = arith.constant 0 : i32
      %dma_start3A_147 = tpu.memref_slice %arg2[%dma_start3A_145, %dma_start3A_146] : memref<20000x128xf32, #tpu.memory_space<hbm>> -> memref<20000x128xf32, #tpu.memory_space<hbm>>
      tpu.enqueue_indirect_dma source(%dma_start3A_147 : memref<20000x128xf32, #tpu.memory_space<hbm>>) target(%arg9 : memref<128x128xf32, #tpu.memory_space<vmem>>) offsets(%dma_start3A_144 : memref<128xi32, #tpu.memory_space<vmem>>) semaphore(%arg12 : memref<!tpu.dma_semaphore, #tpu.memory_space<semaphore_mem>>)
      %dma_wait3A_148 = arith.constant 8 : i32
      %dma_wait3A_149 = arith.constant 0 : i32
      %dma_wait3A_150 = tpu.memref_slice %arg7[%dma_wait3A_148, %dma_wait3A_149] : memref<16x128xi32, #tpu.memory_space<vmem>> -> memref<1x128xi32, #tpu.memory_space<vmem>>
      %dma_wait3A_151 = tpu.memref_squeeze %dma_wait3A_150 : memref<1x128xi32, #tpu.memory_space<vmem>> -> memref<128xi32, #tpu.memory_space<vmem>>
      %dma_wait3A_152 = arith.constant 0 : i32
      %dma_wait3A_153 = arith.constant 0 : i32
      %dma_wait3A_154 = tpu.memref_slice %arg2[%dma_wait3A_152, %dma_wait3A_153] : memref<20000x128xf32, #tpu.memory_space<hbm>> -> memref<20000x128xf32, #tpu.memory_space<hbm>>
      tpu.wait_indirect_dma semaphore(%arg11 : memref<!tpu.dma_semaphore, #tpu.memory_space<semaphore_mem>>) src(%dma_wait3A_154 : memref<20000x128xf32, #tpu.memory_space<hbm>>) dst(%arg8 : memref<128x128xf32, #tpu.memory_space<vmem>>)
      %dma_start3A_155 = arith.constant 9 : i32
      %dma_start3A_156 = arith.constant 0 : i32
      %dma_start3A_157 = tpu.memref_slice %arg7[%dma_start3A_155, %dma_start3A_156] : memref<16x128xi32, #tpu.memory_space<vmem>> -> memref<1x128xi32, #tpu.memory_space<vmem>>
      %dma_start3A_158 = tpu.memref_squeeze %dma_start3A_157 : memref<1x128xi32, #tpu.memory_space<vmem>> -> memref<128xi32, #tpu.memory_space<vmem>>
      %dma_start3A_159 = arith.constant 0 : i32
      %dma_start3A_160 = arith.constant 0 : i32
      %dma_start3A_161 = tpu.memref_slice %arg10[%dma_start3A_159, %dma_start3A_160] : memref<10016x128xf32, #tpu.memory_space<vmem_shared>> -> memref<10016x128xf32, #tpu.memory_space<vmem_shared>>
      tpu.enqueue_indirect_dma source(%arg8 : memref<128x128xf32, #tpu.memory_space<vmem>>) target(%dma_start3A_161 : memref<10016x128xf32, #tpu.memory_space<vmem_shared>>) offsets(%dma_start3A_158 : memref<128xi32, #tpu.memory_space<vmem>>) semaphore(%arg13 : memref<!tpu.dma_semaphore, #tpu.memory_space<semaphore_mem>>) {add = true}
      %dma_wait3A_162 = arith.constant 9 : i32
      %dma_wait3A_163 = arith.constant 0 : i32
      %dma_wait3A_164 = tpu.memref_slice %arg7[%dma_wait3A_162, %dma_wait3A_163] : memref<16x128xi32, #tpu.memory_space<vmem>> -> memref<1x128xi32, #tpu.memory_space<vmem>>
      %dma_wait3A_165 = tpu.memref_squeeze %dma_wait3A_164 : memref<1x128xi32, #tpu.memory_space<vmem>> -> memref<128xi32, #tpu.memory_space<vmem>>
      %dma_wait3A_166 = arith.constant 0 : i32
      %dma_wait3A_167 = arith.constant 0 : i32
      %dma_wait3A_168 = tpu.memref_slice %arg10[%dma_wait3A_166, %dma_wait3A_167] : memref<10016x128xf32, #tpu.memory_space<vmem_shared>> -> memref<10016x128xf32, #tpu.memory_space<vmem_shared>>
      tpu.wait_indirect_dma semaphore(%arg13 : memref<!tpu.dma_semaphore, #tpu.memory_space<semaphore_mem>>) src(%arg8 : memref<128x128xf32, #tpu.memory_space<vmem>>) dst(%dma_wait3A_168 : memref<10016x128xf32, #tpu.memory_space<vmem_shared>>)
      %dma_start3A_169 = arith.constant 12 : i32
      %dma_start3A_170 = arith.constant 0 : i32
      %dma_start3A_171 = tpu.memref_slice %arg7[%dma_start3A_169, %dma_start3A_170] : memref<16x128xi32, #tpu.memory_space<vmem>> -> memref<1x128xi32, #tpu.memory_space<vmem>>
      %dma_start3A_172 = tpu.memref_squeeze %dma_start3A_171 : memref<1x128xi32, #tpu.memory_space<vmem>> -> memref<128xi32, #tpu.memory_space<vmem>>
      %dma_start3A_173 = arith.constant 0 : i32
      %dma_start3A_174 = arith.constant 0 : i32
      %dma_start3A_175 = tpu.memref_slice %arg2[%dma_start3A_173, %dma_start3A_174] : memref<20000x128xf32, #tpu.memory_space<hbm>> -> memref<20000x128xf32, #tpu.memory_space<hbm>>
      tpu.enqueue_indirect_dma source(%dma_start3A_175 : memref<20000x128xf32, #tpu.memory_space<hbm>>) target(%arg8 : memref<128x128xf32, #tpu.memory_space<vmem>>) offsets(%dma_start3A_172 : memref<128xi32, #tpu.memory_space<vmem>>) semaphore(%arg11 : memref<!tpu.dma_semaphore, #tpu.memory_space<semaphore_mem>>)
      %dma_wait3A_176 = arith.constant 10 : i32
      %dma_wait3A_177 = arith.constant 0 : i32
      %dma_wait3A_178 = tpu.memref_slice %arg7[%dma_wait3A_176, %dma_wait3A_177] : memref<16x128xi32, #tpu.memory_space<vmem>> -> memref<1x128xi32, #tpu.memory_space<vmem>>
      %dma_wait3A_179 = tpu.memref_squeeze %dma_wait3A_178 : memref<1x128xi32, #tpu.memory_space<vmem>> -> memref<128xi32, #tpu.memory_space<vmem>>
      %dma_wait3A_180 = arith.constant 0 : i32
      %dma_wait3A_181 = arith.constant 0 : i32
      %dma_wait3A_182 = tpu.memref_slice %arg2[%dma_wait3A_180, %dma_wait3A_181] : memref<20000x128xf32, #tpu.memory_space<hbm>> -> memref<20000x128xf32, #tpu.memory_space<hbm>>
      tpu.wait_indirect_dma semaphore(%arg12 : memref<!tpu.dma_semaphore, #tpu.memory_space<semaphore_mem>>) src(%dma_wait3A_182 : memref<20000x128xf32, #tpu.memory_space<hbm>>) dst(%arg9 : memref<128x128xf32, #tpu.memory_space<vmem>>)
      %dma_start3A_183 = arith.constant 11 : i32
      %dma_start3A_184 = arith.constant 0 : i32
      %dma_start3A_185 = tpu.memref_slice %arg7[%dma_start3A_183, %dma_start3A_184] : memref<16x128xi32, #tpu.memory_space<vmem>> -> memref<1x128xi32, #tpu.memory_space<vmem>>
      %dma_start3A_186 = tpu.memref_squeeze %dma_start3A_185 : memref<1x128xi32, #tpu.memory_space<vmem>> -> memref<128xi32, #tpu.memory_space<vmem>>
      %dma_start3A_187 = arith.constant 0 : i32
      %dma_start3A_188 = arith.constant 0 : i32
      %dma_start3A_189 = tpu.memref_slice %arg10[%dma_start3A_187, %dma_start3A_188] : memref<10016x128xf32, #tpu.memory_space<vmem_shared>> -> memref<10016x128xf32, #tpu.memory_space<vmem_shared>>
      tpu.enqueue_indirect_dma source(%arg9 : memref<128x128xf32, #tpu.memory_space<vmem>>) target(%dma_start3A_189 : memref<10016x128xf32, #tpu.memory_space<vmem_shared>>) offsets(%dma_start3A_186 : memref<128xi32, #tpu.memory_space<vmem>>) semaphore(%arg14 : memref<!tpu.dma_semaphore, #tpu.memory_space<semaphore_mem>>) {add = true}
      %dma_wait3A_190 = arith.constant 11 : i32
      %dma_wait3A_191 = arith.constant 0 : i32
      %dma_wait3A_192 = tpu.memref_slice %arg7[%dma_wait3A_190, %dma_wait3A_191] : memref<16x128xi32, #tpu.memory_space<vmem>> -> memref<1x128xi32, #tpu.memory_space<vmem>>
      %dma_wait3A_193 = tpu.memref_squeeze %dma_wait3A_192 : memref<1x128xi32, #tpu.memory_space<vmem>> -> memref<128xi32, #tpu.memory_space<vmem>>
      %dma_wait3A_194 = arith.constant 0 : i32
      %dma_wait3A_195 = arith.constant 0 : i32
      %dma_wait3A_196 = tpu.memref_slice %arg10[%dma_wait3A_194, %dma_wait3A_195] : memref<10016x128xf32, #tpu.memory_space<vmem_shared>> -> memref<10016x128xf32, #tpu.memory_space<vmem_shared>>
      tpu.wait_indirect_dma semaphore(%arg14 : memref<!tpu.dma_semaphore, #tpu.memory_space<semaphore_mem>>) src(%arg9 : memref<128x128xf32, #tpu.memory_space<vmem>>) dst(%dma_wait3A_196 : memref<10016x128xf32, #tpu.memory_space<vmem_shared>>)
      %dma_start3A_197 = arith.constant 14 : i32
      %dma_start3A_198 = arith.constant 0 : i32
      %dma_start3A_199 = tpu.memref_slice %arg7[%dma_start3A_197, %dma_start3A_198] : memref<16x128xi32, #tpu.memory_space<vmem>> -> memref<1x128xi32, #tpu.memory_space<vmem>>
      %dma_start3A_200 = tpu.memref_squeeze %dma_start3A_199 : memref<1x128xi32, #tpu.memory_space<vmem>> -> memref<128xi32, #tpu.memory_space<vmem>>
      %dma_start3A_201 = arith.constant 0 : i32
      %dma_start3A_202 = arith.constant 0 : i32
      %dma_start3A_203 = tpu.memref_slice %arg2[%dma_start3A_201, %dma_start3A_202] : memref<20000x128xf32, #tpu.memory_space<hbm>> -> memref<20000x128xf32, #tpu.memory_space<hbm>>
      tpu.enqueue_indirect_dma source(%dma_start3A_203 : memref<20000x128xf32, #tpu.memory_space<hbm>>) target(%arg9 : memref<128x128xf32, #tpu.memory_space<vmem>>) offsets(%dma_start3A_200 : memref<128xi32, #tpu.memory_space<vmem>>) semaphore(%arg12 : memref<!tpu.dma_semaphore, #tpu.memory_space<semaphore_mem>>)
      %dma_wait3A_204 = arith.constant 12 : i32
      %dma_wait3A_205 = arith.constant 0 : i32
      %dma_wait3A_206 = tpu.memref_slice %arg7[%dma_wait3A_204, %dma_wait3A_205] : memref<16x128xi32, #tpu.memory_space<vmem>> -> memref<1x128xi32, #tpu.memory_space<vmem>>
      %dma_wait3A_207 = tpu.memref_squeeze %dma_wait3A_206 : memref<1x128xi32, #tpu.memory_space<vmem>> -> memref<128xi32, #tpu.memory_space<vmem>>
      %dma_wait3A_208 = arith.constant 0 : i32
      %dma_wait3A_209 = arith.constant 0 : i32
      %dma_wait3A_210 = tpu.memref_slice %arg2[%dma_wait3A_208, %dma_wait3A_209] : memref<20000x128xf32, #tpu.memory_space<hbm>> -> memref<20000x128xf32, #tpu.memory_space<hbm>>
      tpu.wait_indirect_dma semaphore(%arg11 : memref<!tpu.dma_semaphore, #tpu.memory_space<semaphore_mem>>) src(%dma_wait3A_210 : memref<20000x128xf32, #tpu.memory_space<hbm>>) dst(%arg8 : memref<128x128xf32, #tpu.memory_space<vmem>>)
      %dma_start3A_211 = arith.constant 13 : i32
      %dma_start3A_212 = arith.constant 0 : i32
      %dma_start3A_213 = tpu.memref_slice %arg7[%dma_start3A_211, %dma_start3A_212] : memref<16x128xi32, #tpu.memory_space<vmem>> -> memref<1x128xi32, #tpu.memory_space<vmem>>
      %dma_start3A_214 = tpu.memref_squeeze %dma_start3A_213 : memref<1x128xi32, #tpu.memory_space<vmem>> -> memref<128xi32, #tpu.memory_space<vmem>>
      %dma_start3A_215 = arith.constant 0 : i32
      %dma_start3A_216 = arith.constant 0 : i32
      %dma_start3A_217 = tpu.memref_slice %arg10[%dma_start3A_215, %dma_start3A_216] : memref<10016x128xf32, #tpu.memory_space<vmem_shared>> -> memref<10016x128xf32, #tpu.memory_space<vmem_shared>>
      tpu.enqueue_indirect_dma source(%arg8 : memref<128x128xf32, #tpu.memory_space<vmem>>) target(%dma_start3A_217 : memref<10016x128xf32, #tpu.memory_space<vmem_shared>>) offsets(%dma_start3A_214 : memref<128xi32, #tpu.memory_space<vmem>>) semaphore(%arg13 : memref<!tpu.dma_semaphore, #tpu.memory_space<semaphore_mem>>) {add = true}
      %dma_wait3A_218 = arith.constant 13 : i32
      %dma_wait3A_219 = arith.constant 0 : i32
      %dma_wait3A_220 = tpu.memref_slice %arg7[%dma_wait3A_218, %dma_wait3A_219] : memref<16x128xi32, #tpu.memory_space<vmem>> -> memref<1x128xi32, #tpu.memory_space<vmem>>
      %dma_wait3A_221 = tpu.memref_squeeze %dma_wait3A_220 : memref<1x128xi32, #tpu.memory_space<vmem>> -> memref<128xi32, #tpu.memory_space<vmem>>
      %dma_wait3A_222 = arith.constant 0 : i32
      %dma_wait3A_223 = arith.constant 0 : i32
      %dma_wait3A_224 = tpu.memref_slice %arg10[%dma_wait3A_222, %dma_wait3A_223] : memref<10016x128xf32, #tpu.memory_space<vmem_shared>> -> memref<10016x128xf32, #tpu.memory_space<vmem_shared>>
      tpu.wait_indirect_dma semaphore(%arg13 : memref<!tpu.dma_semaphore, #tpu.memory_space<semaphore_mem>>) src(%arg8 : memref<128x128xf32, #tpu.memory_space<vmem>>) dst(%dma_wait3A_224 : memref<10016x128xf32, #tpu.memory_space<vmem_shared>>)
      %dma_wait3A_225 = arith.constant 14 : i32
      %dma_wait3A_226 = arith.constant 0 : i32
      %dma_wait3A_227 = tpu.memref_slice %arg7[%dma_wait3A_225, %dma_wait3A_226] : memref<16x128xi32, #tpu.memory_space<vmem>> -> memref<1x128xi32, #tpu.memory_space<vmem>>
      %dma_wait3A_228 = tpu.memref_squeeze %dma_wait3A_227 : memref<1x128xi32, #tpu.memory_space<vmem>> -> memref<128xi32, #tpu.memory_space<vmem>>
      %dma_wait3A_229 = arith.constant 0 : i32
      %dma_wait3A_230 = arith.constant 0 : i32
      %dma_wait3A_231 = tpu.memref_slice %arg2[%dma_wait3A_229, %dma_wait3A_230] : memref<20000x128xf32, #tpu.memory_space<hbm>> -> memref<20000x128xf32, #tpu.memory_space<hbm>>
      tpu.wait_indirect_dma semaphore(%arg12 : memref<!tpu.dma_semaphore, #tpu.memory_space<semaphore_mem>>) src(%dma_wait3A_231 : memref<20000x128xf32, #tpu.memory_space<hbm>>) dst(%arg9 : memref<128x128xf32, #tpu.memory_space<vmem>>)
      %dma_start3A_232 = arith.constant 15 : i32
      %dma_start3A_233 = arith.constant 0 : i32
      %dma_start3A_234 = tpu.memref_slice %arg7[%dma_start3A_232, %dma_start3A_233] : memref<16x128xi32, #tpu.memory_space<vmem>> -> memref<1x128xi32, #tpu.memory_space<vmem>>
      %dma_start3A_235 = tpu.memref_squeeze %dma_start3A_234 : memref<1x128xi32, #tpu.memory_space<vmem>> -> memref<128xi32, #tpu.memory_space<vmem>>
      %dma_start3A_236 = arith.constant 0 : i32
      %dma_start3A_237 = arith.constant 0 : i32
      %dma_start3A_238 = tpu.memref_slice %arg10[%dma_start3A_236, %dma_start3A_237] : memref<10016x128xf32, #tpu.memory_space<vmem_shared>> -> memref<10016x128xf32, #tpu.memory_space<vmem_shared>>
      tpu.enqueue_indirect_dma source(%arg9 : memref<128x128xf32, #tpu.memory_space<vmem>>) target(%dma_start3A_238 : memref<10016x128xf32, #tpu.memory_space<vmem_shared>>) offsets(%dma_start3A_235 : memref<128xi32, #tpu.memory_space<vmem>>) semaphore(%arg14 : memref<!tpu.dma_semaphore, #tpu.memory_space<semaphore_mem>>) {add = true}
      %dma_wait3A_239 = arith.constant 15 : i32
      %dma_wait3A_240 = arith.constant 0 : i32
      %dma_wait3A_241 = tpu.memref_slice %arg7[%dma_wait3A_239, %dma_wait3A_240] : memref<16x128xi32, #tpu.memory_space<vmem>> -> memref<1x128xi32, #tpu.memory_space<vmem>>
      %dma_wait3A_242 = tpu.memref_squeeze %dma_wait3A_241 : memref<1x128xi32, #tpu.memory_space<vmem>> -> memref<128xi32, #tpu.memory_space<vmem>>
      %dma_wait3A_243 = arith.constant 0 : i32
      %dma_wait3A_244 = arith.constant 0 : i32
      %dma_wait3A_245 = tpu.memref_slice %arg10[%dma_wait3A_243, %dma_wait3A_244] : memref<10016x128xf32, #tpu.memory_space<vmem_shared>> -> memref<10016x128xf32, #tpu.memory_space<vmem_shared>>
      tpu.wait_indirect_dma semaphore(%arg14 : memref<!tpu.dma_semaphore, #tpu.memory_space<semaphore_mem>>) src(%arg9 : memref<128x128xf32, #tpu.memory_space<vmem>>) dst(%dma_wait3A_245 : memref<10016x128xf32, #tpu.memory_space<vmem_shared>>)
    }
    %scan3A_14 = arith.constant 10 : i32
    %barrier3A_15 = arith.constant 0 : index
    tpu.barrier barrier_id(%barrier3A_15)
    %mul3A_16 = arith.constant 625 : i32
    %mul3A_17 = arith.muli %arg1, %mul3A_16 : i32
    %mul3A_18 = arith.constant 625 : i32
    %mul3A_19 = arith.muli %arg1, %mul3A_18 : i32
    %mul3A_20 = arith.constant 128 : i32
    %mul3A_21 = arith.muli %arg0, %mul3A_20 : i32
    "tpu.region"() ({
      %run_scoped3A = tpu.sem_alloc : memref<!tpu.dma_semaphore, #tpu.memory_space<semaphore_mem>>
      %dma_start3A = tpu.memref_slice %arg6[%mul3A_19, %mul3A_21] : memref<10000x256xf32, #tpu.memory_space<hbm>> -> memref<625x128xf32, #tpu.memory_space<hbm>>
      %dma_start3A_22 = arith.constant 0 : i32
      %dma_start3A_23 = tpu.memref_slice %arg10[%mul3A_17, %dma_start3A_22] : memref<10016x128xf32, #tpu.memory_space<vmem_shared>> -> memref<625x128xf32, #tpu.memory_space<vmem_shared>>
      tpu.enqueue_dma source(%dma_start3A_23 : memref<625x128xf32, #tpu.memory_space<vmem_shared>>) target(%dma_start3A : memref<625x128xf32, #tpu.memory_space<hbm>>) target_semaphore(%run_scoped3A : memref<!tpu.dma_semaphore, #tpu.memory_space<semaphore_mem>>)
      %dma_wait3A = tpu.memref_slice %arg6[%mul3A_19, %mul3A_21] : memref<10000x256xf32, #tpu.memory_space<hbm>> -> memref<625x128xf32, #tpu.memory_space<hbm>>
      %dma_wait3A_24 = arith.constant 0 : i32
      %dma_wait3A_25 = tpu.memref_slice %arg10[%mul3A_17, %dma_wait3A_24] : memref<10016x128xf32, #tpu.memory_space<vmem_shared>> -> memref<625x128xf32, #tpu.memory_space<vmem_shared>>
      tpu.wait_dma2 semaphore(%run_scoped3A : memref<!tpu.dma_semaphore, #tpu.memory_space<semaphore_mem>>) src(%dma_wait3A_25 : memref<625x128xf32, #tpu.memory_space<vmem_shared>>) dst(%dma_wait3A : memref<625x128xf32, #tpu.memory_space<hbm>>)
      tpu.yield
    }) : () -> ()
    return
  }
}

#map = affine_map<(d0, d1) -> (0, 0)>
module attributes {stable_mosaic.version = 14 : i64} {
  func.func @k(%arg0: i32, %arg1: i32, %arg2: memref<160000x16xf32, #tpu.memory_space<hbm>>, %arg3: memref<1280x128xi32, #tpu.memory_space<hbm>>, %arg4: memref<626x16xf32, #tpu.memory_space<hbm>>, %arg5: memref<10000x16xf32, #tpu.memory_space<hbm>>, %arg6: memref<10000x16xf32, #tpu.memory_space<hbm>>, %arg7: memref<40x128xi32, #tpu.memory_space<vmem>>, %arg8: memref<128x16xf32, #tpu.memory_space<vmem>>, %arg9: memref<128x16xf32, #tpu.memory_space<vmem>>, %arg10: memref<10016x16xf32, #tpu.memory_space<vmem_shared>>, %arg11: memref<!tpu.dma_semaphore, #tpu.memory_space<semaphore_mem>>, %arg12: memref<!tpu.dma_semaphore, #tpu.memory_space<semaphore_mem>>, %arg13: memref<!tpu.dma_semaphore, #tpu.memory_space<semaphore_mem>>, %arg14: memref<!tpu.dma_semaphore, #tpu.memory_space<semaphore_mem>>) attributes {dimension_semantics = [#tpu.dimension_semantics<core_parallel>, #tpu.dimension_semantics<subcore_parallel>], iteration_bounds = array<i64: 2, 16>, scalar_prefetch = 0 : i64, scratch_operands = 8 : i64, tpu.core_type = #tpu.core_type<sc_vector_subcore>, window_params = [{transform_indices = #map}, {transform_indices = #map}, {transform_indices = #map}, {transform_indices = #map}, {transform_indices = #map}]} {
    %mul3A = arith.constant 626 : i32
    %mul3A_0 = arith.muli %arg1, %mul3A : i32
    "tpu.region"() ({
      %run_scoped3A = tpu.sem_alloc : memref<!tpu.dma_semaphore, #tpu.memory_space<semaphore_mem>>
      %dma_start3A = arith.constant 0 : i32
      %dma_start3A_71 = tpu.memref_slice %arg10[%mul3A_0, %dma_start3A] : memref<10016x16xf32, #tpu.memory_space<vmem_shared>> -> memref<626x16xf32, #tpu.memory_space<vmem_shared>>
      tpu.enqueue_dma source(%arg4 : memref<626x16xf32, #tpu.memory_space<hbm>>) target(%dma_start3A_71 : memref<626x16xf32, #tpu.memory_space<vmem_shared>>) target_semaphore(%run_scoped3A : memref<!tpu.dma_semaphore, #tpu.memory_space<semaphore_mem>>)
      %dma_wait3A = arith.constant 0 : i32
      %dma_wait3A_72 = tpu.memref_slice %arg10[%mul3A_0, %dma_wait3A] : memref<10016x16xf32, #tpu.memory_space<vmem_shared>> -> memref<626x16xf32, #tpu.memory_space<vmem_shared>>
      tpu.wait_dma2 semaphore(%run_scoped3A : memref<!tpu.dma_semaphore, #tpu.memory_space<semaphore_mem>>) src(%arg4 : memref<626x16xf32, #tpu.memory_space<hbm>>) dst(%dma_wait3A_72 : memref<626x16xf32, #tpu.memory_space<vmem_shared>>)
      tpu.yield
    }) : () -> ()
    %mul3A_1 = arith.constant 16 : i32
    %mul3A_2 = arith.muli %arg0, %mul3A_1 : i32
    %add3A = arith.addi %mul3A_2, %arg1 : i32
    %mul3A_3 = arith.constant 40 : i32
    %mul3A_4 = arith.muli %add3A, %mul3A_3 : i32
    "tpu.region"() ({
      %run_scoped3A = tpu.sem_alloc : memref<!tpu.dma_semaphore, #tpu.memory_space<semaphore_mem>>
      %dma_start3A = arith.constant 0 : i32
      %dma_start3A_71 = tpu.memref_slice %arg3[%mul3A_4, %dma_start3A] : memref<1280x128xi32, #tpu.memory_space<hbm>> -> memref<40x128xi32, #tpu.memory_space<hbm>>
      %dma_start3A_72 = arith.constant 0 : i32
      %dma_start3A_73 = tpu.memref_slice %arg3[%mul3A_4, %dma_start3A_72] : memref<1280x128xi32, #tpu.memory_space<hbm>> -> memref<40x128xi32, #tpu.memory_space<hbm>>
      tpu.enqueue_dma source(%dma_start3A_73 : memref<40x128xi32, #tpu.memory_space<hbm>>) target(%arg7 : memref<40x128xi32, #tpu.memory_space<vmem>>) target_semaphore(%run_scoped3A : memref<!tpu.dma_semaphore, #tpu.memory_space<semaphore_mem>>)
      %dma_wait3A = arith.constant 0 : i32
      %dma_wait3A_74 = tpu.memref_slice %arg3[%mul3A_4, %dma_wait3A] : memref<1280x128xi32, #tpu.memory_space<hbm>> -> memref<40x128xi32, #tpu.memory_space<hbm>>
      %dma_wait3A_75 = arith.constant 0 : i32
      %dma_wait3A_76 = tpu.memref_slice %arg3[%mul3A_4, %dma_wait3A_75] : memref<1280x128xi32, #tpu.memory_space<hbm>> -> memref<40x128xi32, #tpu.memory_space<hbm>>
      tpu.wait_dma2 semaphore(%run_scoped3A : memref<!tpu.dma_semaphore, #tpu.memory_space<semaphore_mem>>) src(%dma_wait3A_76 : memref<40x128xi32, #tpu.memory_space<hbm>>) dst(%arg7 : memref<40x128xi32, #tpu.memory_space<vmem>>)
      tpu.yield
    }) : () -> ()
    %barrier3A = arith.constant 0 : index
    tpu.barrier barrier_id(%barrier3A)
    %mul3A_5 = arith.constant 16 : i32
    %mul3A_6 = arith.muli %arg0, %mul3A_5 : i32
    %add3A_7 = arith.addi %mul3A_6, %arg1 : i32
    %mul3A_8 = arith.constant 5120 : i32
    %mul3A_9 = arith.muli %add3A_7, %mul3A_8 : i32
    %sub3A = arith.constant 160000 : i32
    %sub3A_10 = arith.subi %sub3A, %mul3A_9 : i32
    %jit3A = arith.constant 128 : i32
    %div3A = arith.divsi %sub3A_10, %jit3A : i32
    %sign3A = arith.constant 0 : i32
    %sign3A_11 = arith.cmpi sgt, %sub3A_10, %sign3A : i32
    %sign3A_12 = arith.extui %sign3A_11 : i1 to i32
    %sign3A_13 = arith.constant 0 : i32
    %sign3A_14 = arith.cmpi slt, %sub3A_10, %sign3A_13 : i32
    %sign3A_15 = arith.extui %sign3A_14 : i1 to i32
    %sign3A_16 = arith.subi %sign3A_12, %sign3A_15 : i32
    %sign3A_17 = arith.constant 0 : i32
    %sign3A_18 = arith.cmpi sgt, %jit3A, %sign3A_17 : i32
    %sign3A_19 = arith.extui %sign3A_18 : i1 to i32
    %sign3A_20 = arith.constant 0 : i32
    %sign3A_21 = arith.cmpi slt, %jit3A, %sign3A_20 : i32
    %sign3A_22 = arith.extui %sign3A_21 : i1 to i32
    %sign3A_23 = arith.subi %sign3A_19, %sign3A_22 : i32
    %ne3A = arith.cmpi ne, %sign3A_16, %sign3A_23 : i32
    %rem3A = arith.remsi %sub3A_10, %jit3A : i32
    %ne3A_24 = arith.constant 0 : i32
    %ne3A_25 = arith.cmpi ne, %rem3A, %ne3A_24 : i32
    %and3A = arith.andi %ne3A, %ne3A_25 : i1
    %sub3A_26 = arith.constant 1 : i32
    %sub3A_27 = arith.subi %div3A, %sub3A_26 : i32
    %select_n3A = arith.select %and3A, %sub3A_27, %div3A : i32
    %min3A = arith.constant 40 : i32
    %min3A_28 = arith.minsi %min3A, %select_n3A : i32
    %max3A = arith.constant 0 : i32
    %max3A_29 = arith.maxsi %max3A, %min3A_28 : i32
    %jit3A_30 = arith.constant 2 : i32
    %div3A_31 = arith.divsi %max3A_29, %jit3A_30 : i32
    %sign3A_32 = arith.constant 0 : i32
    %sign3A_33 = arith.cmpi sgt, %max3A_29, %sign3A_32 : i32
    %sign3A_34 = arith.extui %sign3A_33 : i1 to i32
    %sign3A_35 = arith.constant 0 : i32
    %sign3A_36 = arith.cmpi slt, %max3A_29, %sign3A_35 : i32
    %sign3A_37 = arith.extui %sign3A_36 : i1 to i32
    %sign3A_38 = arith.subi %sign3A_34, %sign3A_37 : i32
    %sign3A_39 = arith.constant 0 : i32
    %sign3A_40 = arith.cmpi sgt, %jit3A_30, %sign3A_39 : i32
    %sign3A_41 = arith.extui %sign3A_40 : i1 to i32
    %sign3A_42 = arith.constant 0 : i32
    %sign3A_43 = arith.cmpi slt, %jit3A_30, %sign3A_42 : i32
    %sign3A_44 = arith.extui %sign3A_43 : i1 to i32
    %sign3A_45 = arith.subi %sign3A_41, %sign3A_44 : i32
    %ne3A_46 = arith.cmpi ne, %sign3A_38, %sign3A_45 : i32
    %rem3A_47 = arith.remsi %max3A_29, %jit3A_30 : i32
    %ne3A_48 = arith.constant 0 : i32
    %ne3A_49 = arith.cmpi ne, %rem3A_47, %ne3A_48 : i32
    %and3A_50 = arith.andi %ne3A_46, %ne3A_49 : i1
    %sub3A_51 = arith.constant 1 : i32
    %sub3A_52 = arith.subi %div3A_31, %sub3A_51 : i32
    %select_n3A_53 = arith.select %and3A_50, %sub3A_52, %div3A_31 : i32
    %while3A = arith.constant 0 : i32
    %while3A_54 = arith.constant 0 : i32
    %while3A_55 = arith.subi %select_n3A_53, %while3A_54 : i32
    %while3A_56 = arith.addi %while3A_54, %while3A_55 : i32
    %while3A_57 = arith.constant 1 : i32
    %while3A_58 = arith.divsi %while3A_55, %while3A_57 : i32
    %while3A_59 = arith.muli %while3A_58, %while3A_57 : i32
    %while3A_60 = arith.addi %while3A_54, %while3A_59 : i32
    %while3A_61 = arith.constant 1 : i32
    scf.for %while3A_71 = %while3A_54 to %while3A_60 step %while3A_61  : i32 {
      %mul3A_72 = arith.constant 2 : i32
      %mul3A_73 = arith.muli %mul3A_72, %while3A_71 : i32
      %mul3A_74 = arith.constant 128 : i32
      %mul3A_75 = arith.muli %mul3A_73, %mul3A_74 : i32
      %add3A_76 = arith.addi %mul3A_9, %mul3A_75 : i32
      %dma_start3A = arith.constant 0 : i32
      %dma_start3A_77 = tpu.memref_slice %arg2[%add3A_76, %dma_start3A] : memref<160000x16xf32, #tpu.memory_space<hbm>> -> memref<128x16xf32, #tpu.memory_space<hbm>>
      %dma_start3A_78 = arith.constant 0 : i32
      %dma_start3A_79 = tpu.memref_slice %arg2[%add3A_76, %dma_start3A_78] : memref<160000x16xf32, #tpu.memory_space<hbm>> -> memref<128x16xf32, #tpu.memory_space<hbm>>
      tpu.enqueue_dma source(%dma_start3A_79 : memref<128x16xf32, #tpu.memory_space<hbm>>) target(%arg8 : memref<128x16xf32, #tpu.memory_space<vmem>>) target_semaphore(%arg11 : memref<!tpu.dma_semaphore, #tpu.memory_space<semaphore_mem>>)
      %add3A_80 = arith.constant 1 : i32
      %add3A_81 = arith.addi %mul3A_73, %add3A_80 : i32
      %mul3A_82 = arith.constant 128 : i32
      %mul3A_83 = arith.muli %add3A_81, %mul3A_82 : i32
      %add3A_84 = arith.addi %mul3A_9, %mul3A_83 : i32
      %dma_start3A_85 = arith.constant 0 : i32
      %dma_start3A_86 = tpu.memref_slice %arg2[%add3A_84, %dma_start3A_85] : memref<160000x16xf32, #tpu.memory_space<hbm>> -> memref<128x16xf32, #tpu.memory_space<hbm>>
      %dma_start3A_87 = arith.constant 0 : i32
      %dma_start3A_88 = tpu.memref_slice %arg2[%add3A_84, %dma_start3A_87] : memref<160000x16xf32, #tpu.memory_space<hbm>> -> memref<128x16xf32, #tpu.memory_space<hbm>>
      tpu.enqueue_dma source(%dma_start3A_88 : memref<128x16xf32, #tpu.memory_space<hbm>>) target(%arg9 : memref<128x16xf32, #tpu.memory_space<vmem>>) target_semaphore(%arg12 : memref<!tpu.dma_semaphore, #tpu.memory_space<semaphore_mem>>)
      %dma_wait3A = arith.constant 0 : i32
      %dma_wait3A_89 = tpu.memref_slice %arg2[%add3A_76, %dma_wait3A] : memref<160000x16xf32, #tpu.memory_space<hbm>> -> memref<128x16xf32, #tpu.memory_space<hbm>>
      %dma_wait3A_90 = arith.constant 0 : i32
      %dma_wait3A_91 = tpu.memref_slice %arg2[%add3A_76, %dma_wait3A_90] : memref<160000x16xf32, #tpu.memory_space<hbm>> -> memref<128x16xf32, #tpu.memory_space<hbm>>
      tpu.wait_dma2 semaphore(%arg11 : memref<!tpu.dma_semaphore, #tpu.memory_space<semaphore_mem>>) src(%dma_wait3A_91 : memref<128x16xf32, #tpu.memory_space<hbm>>) dst(%arg8 : memref<128x16xf32, #tpu.memory_space<vmem>>)
      %dma_start3A_92 = arith.constant 0 : i32
      %dma_start3A_93 = tpu.memref_slice %arg7[%mul3A_73, %dma_start3A_92] : memref<40x128xi32, #tpu.memory_space<vmem>> -> memref<1x128xi32, #tpu.memory_space<vmem>>
      %dma_start3A_94 = tpu.memref_squeeze %dma_start3A_93 : memref<1x128xi32, #tpu.memory_space<vmem>> -> memref<128xi32, #tpu.memory_space<vmem>>
      %dma_start3A_95 = arith.constant 0 : i32
      %dma_start3A_96 = arith.constant 0 : i32
      %dma_start3A_97 = tpu.memref_slice %arg10[%dma_start3A_95, %dma_start3A_96] : memref<10016x16xf32, #tpu.memory_space<vmem_shared>> -> memref<10016x16xf32, #tpu.memory_space<vmem_shared>>
      tpu.enqueue_indirect_dma source(%arg8 : memref<128x16xf32, #tpu.memory_space<vmem>>) target(%dma_start3A_97 : memref<10016x16xf32, #tpu.memory_space<vmem_shared>>) offsets(%dma_start3A_94 : memref<128xi32, #tpu.memory_space<vmem>>) semaphore(%arg13 : memref<!tpu.dma_semaphore, #tpu.memory_space<semaphore_mem>>) {add = true}
      %dma_wait3A_98 = arith.constant 0 : i32
      %dma_wait3A_99 = tpu.memref_slice %arg2[%add3A_84, %dma_wait3A_98] : memref<160000x16xf32, #tpu.memory_space<hbm>> -> memref<128x16xf32, #tpu.memory_space<hbm>>
      %dma_wait3A_100 = arith.constant 0 : i32
      %dma_wait3A_101 = tpu.memref_slice %arg2[%add3A_84, %dma_wait3A_100] : memref<160000x16xf32, #tpu.memory_space<hbm>> -> memref<128x16xf32, #tpu.memory_space<hbm>>
      tpu.wait_dma2 semaphore(%arg12 : memref<!tpu.dma_semaphore, #tpu.memory_space<semaphore_mem>>) src(%dma_wait3A_101 : memref<128x16xf32, #tpu.memory_space<hbm>>) dst(%arg9 : memref<128x16xf32, #tpu.memory_space<vmem>>)
      %add3A_102 = arith.constant 1 : i32
      %add3A_103 = arith.addi %mul3A_73, %add3A_102 : i32
      %dma_start3A_104 = arith.constant 0 : i32
      %dma_start3A_105 = tpu.memref_slice %arg7[%add3A_103, %dma_start3A_104] : memref<40x128xi32, #tpu.memory_space<vmem>> -> memref<1x128xi32, #tpu.memory_space<vmem>>
      %dma_start3A_106 = tpu.memref_squeeze %dma_start3A_105 : memref<1x128xi32, #tpu.memory_space<vmem>> -> memref<128xi32, #tpu.memory_space<vmem>>
      %dma_start3A_107 = arith.constant 0 : i32
      %dma_start3A_108 = arith.constant 0 : i32
      %dma_start3A_109 = tpu.memref_slice %arg10[%dma_start3A_107, %dma_start3A_108] : memref<10016x16xf32, #tpu.memory_space<vmem_shared>> -> memref<10016x16xf32, #tpu.memory_space<vmem_shared>>
      tpu.enqueue_indirect_dma source(%arg9 : memref<128x16xf32, #tpu.memory_space<vmem>>) target(%dma_start3A_109 : memref<10016x16xf32, #tpu.memory_space<vmem_shared>>) offsets(%dma_start3A_106 : memref<128xi32, #tpu.memory_space<vmem>>) semaphore(%arg14 : memref<!tpu.dma_semaphore, #tpu.memory_space<semaphore_mem>>) {add = true}
      %dma_wait3A_110 = arith.constant 0 : i32
      %dma_wait3A_111 = tpu.memref_slice %arg7[%mul3A_73, %dma_wait3A_110] : memref<40x128xi32, #tpu.memory_space<vmem>> -> memref<1x128xi32, #tpu.memory_space<vmem>>
      %dma_wait3A_112 = tpu.memref_squeeze %dma_wait3A_111 : memref<1x128xi32, #tpu.memory_space<vmem>> -> memref<128xi32, #tpu.memory_space<vmem>>
      %dma_wait3A_113 = arith.constant 0 : i32
      %dma_wait3A_114 = arith.constant 0 : i32
      %dma_wait3A_115 = tpu.memref_slice %arg10[%dma_wait3A_113, %dma_wait3A_114] : memref<10016x16xf32, #tpu.memory_space<vmem_shared>> -> memref<10016x16xf32, #tpu.memory_space<vmem_shared>>
      tpu.wait_indirect_dma semaphore(%arg13 : memref<!tpu.dma_semaphore, #tpu.memory_space<semaphore_mem>>) src(%arg8 : memref<128x16xf32, #tpu.memory_space<vmem>>) dst(%dma_wait3A_115 : memref<10016x16xf32, #tpu.memory_space<vmem_shared>>)
      %dma_wait3A_116 = arith.constant 0 : i32
      %dma_wait3A_117 = tpu.memref_slice %arg7[%add3A_103, %dma_wait3A_116] : memref<40x128xi32, #tpu.memory_space<vmem>> -> memref<1x128xi32, #tpu.memory_space<vmem>>
      %dma_wait3A_118 = tpu.memref_squeeze %dma_wait3A_117 : memref<1x128xi32, #tpu.memory_space<vmem>> -> memref<128xi32, #tpu.memory_space<vmem>>
      %dma_wait3A_119 = arith.constant 0 : i32
      %dma_wait3A_120 = arith.constant 0 : i32
      %dma_wait3A_121 = tpu.memref_slice %arg10[%dma_wait3A_119, %dma_wait3A_120] : memref<10016x16xf32, #tpu.memory_space<vmem_shared>> -> memref<10016x16xf32, #tpu.memory_space<vmem_shared>>
      tpu.wait_indirect_dma semaphore(%arg14 : memref<!tpu.dma_semaphore, #tpu.memory_space<semaphore_mem>>) src(%arg9 : memref<128x16xf32, #tpu.memory_space<vmem>>) dst(%dma_wait3A_121 : memref<10016x16xf32, #tpu.memory_space<vmem_shared>>)
    }
    %while3A_62 = arith.constant 1 : i32
    scf.for %while3A_71 = %while3A_60 to %while3A_56 step %while3A_62  : i32 {
      %mul3A_72 = arith.constant 2 : i32
      %mul3A_73 = arith.muli %mul3A_72, %while3A_71 : i32
      %mul3A_74 = arith.constant 128 : i32
      %mul3A_75 = arith.muli %mul3A_73, %mul3A_74 : i32
      %add3A_76 = arith.addi %mul3A_9, %mul3A_75 : i32
      %dma_start3A = arith.constant 0 : i32
      %dma_start3A_77 = tpu.memref_slice %arg2[%add3A_76, %dma_start3A] : memref<160000x16xf32, #tpu.memory_space<hbm>> -> memref<128x16xf32, #tpu.memory_space<hbm>>
      %dma_start3A_78 = arith.constant 0 : i32
      %dma_start3A_79 = tpu.memref_slice %arg2[%add3A_76, %dma_start3A_78] : memref<160000x16xf32, #tpu.memory_space<hbm>> -> memref<128x16xf32, #tpu.memory_space<hbm>>
      tpu.enqueue_dma source(%dma_start3A_79 : memref<128x16xf32, #tpu.memory_space<hbm>>) target(%arg8 : memref<128x16xf32, #tpu.memory_space<vmem>>) target_semaphore(%arg11 : memref<!tpu.dma_semaphore, #tpu.memory_space<semaphore_mem>>)
      %add3A_80 = arith.constant 1 : i32
      %add3A_81 = arith.addi %mul3A_73, %add3A_80 : i32
      %mul3A_82 = arith.constant 128 : i32
      %mul3A_83 = arith.muli %add3A_81, %mul3A_82 : i32
      %add3A_84 = arith.addi %mul3A_9, %mul3A_83 : i32
      %dma_start3A_85 = arith.constant 0 : i32
      %dma_start3A_86 = tpu.memref_slice %arg2[%add3A_84, %dma_start3A_85] : memref<160000x16xf32, #tpu.memory_space<hbm>> -> memref<128x16xf32, #tpu.memory_space<hbm>>
      %dma_start3A_87 = arith.constant 0 : i32
      %dma_start3A_88 = tpu.memref_slice %arg2[%add3A_84, %dma_start3A_87] : memref<160000x16xf32, #tpu.memory_space<hbm>> -> memref<128x16xf32, #tpu.memory_space<hbm>>
      tpu.enqueue_dma source(%dma_start3A_88 : memref<128x16xf32, #tpu.memory_space<hbm>>) target(%arg9 : memref<128x16xf32, #tpu.memory_space<vmem>>) target_semaphore(%arg12 : memref<!tpu.dma_semaphore, #tpu.memory_space<semaphore_mem>>)
      %dma_wait3A = arith.constant 0 : i32
      %dma_wait3A_89 = tpu.memref_slice %arg2[%add3A_76, %dma_wait3A] : memref<160000x16xf32, #tpu.memory_space<hbm>> -> memref<128x16xf32, #tpu.memory_space<hbm>>
      %dma_wait3A_90 = arith.constant 0 : i32
      %dma_wait3A_91 = tpu.memref_slice %arg2[%add3A_76, %dma_wait3A_90] : memref<160000x16xf32, #tpu.memory_space<hbm>> -> memref<128x16xf32, #tpu.memory_space<hbm>>
      tpu.wait_dma2 semaphore(%arg11 : memref<!tpu.dma_semaphore, #tpu.memory_space<semaphore_mem>>) src(%dma_wait3A_91 : memref<128x16xf32, #tpu.memory_space<hbm>>) dst(%arg8 : memref<128x16xf32, #tpu.memory_space<vmem>>)
      %dma_start3A_92 = arith.constant 0 : i32
      %dma_start3A_93 = tpu.memref_slice %arg7[%mul3A_73, %dma_start3A_92] : memref<40x128xi32, #tpu.memory_space<vmem>> -> memref<1x128xi32, #tpu.memory_space<vmem>>
      %dma_start3A_94 = tpu.memref_squeeze %dma_start3A_93 : memref<1x128xi32, #tpu.memory_space<vmem>> -> memref<128xi32, #tpu.memory_space<vmem>>
      %dma_start3A_95 = arith.constant 0 : i32
      %dma_start3A_96 = arith.constant 0 : i32
      %dma_start3A_97 = tpu.memref_slice %arg10[%dma_start3A_95, %dma_start3A_96] : memref<10016x16xf32, #tpu.memory_space<vmem_shared>> -> memref<10016x16xf32, #tpu.memory_space<vmem_shared>>
      tpu.enqueue_indirect_dma source(%arg8 : memref<128x16xf32, #tpu.memory_space<vmem>>) target(%dma_start3A_97 : memref<10016x16xf32, #tpu.memory_space<vmem_shared>>) offsets(%dma_start3A_94 : memref<128xi32, #tpu.memory_space<vmem>>) semaphore(%arg13 : memref<!tpu.dma_semaphore, #tpu.memory_space<semaphore_mem>>) {add = true}
      %dma_wait3A_98 = arith.constant 0 : i32
      %dma_wait3A_99 = tpu.memref_slice %arg2[%add3A_84, %dma_wait3A_98] : memref<160000x16xf32, #tpu.memory_space<hbm>> -> memref<128x16xf32, #tpu.memory_space<hbm>>
      %dma_wait3A_100 = arith.constant 0 : i32
      %dma_wait3A_101 = tpu.memref_slice %arg2[%add3A_84, %dma_wait3A_100] : memref<160000x16xf32, #tpu.memory_space<hbm>> -> memref<128x16xf32, #tpu.memory_space<hbm>>
      tpu.wait_dma2 semaphore(%arg12 : memref<!tpu.dma_semaphore, #tpu.memory_space<semaphore_mem>>) src(%dma_wait3A_101 : memref<128x16xf32, #tpu.memory_space<hbm>>) dst(%arg9 : memref<128x16xf32, #tpu.memory_space<vmem>>)
      %add3A_102 = arith.constant 1 : i32
      %add3A_103 = arith.addi %mul3A_73, %add3A_102 : i32
      %dma_start3A_104 = arith.constant 0 : i32
      %dma_start3A_105 = tpu.memref_slice %arg7[%add3A_103, %dma_start3A_104] : memref<40x128xi32, #tpu.memory_space<vmem>> -> memref<1x128xi32, #tpu.memory_space<vmem>>
      %dma_start3A_106 = tpu.memref_squeeze %dma_start3A_105 : memref<1x128xi32, #tpu.memory_space<vmem>> -> memref<128xi32, #tpu.memory_space<vmem>>
      %dma_start3A_107 = arith.constant 0 : i32
      %dma_start3A_108 = arith.constant 0 : i32
      %dma_start3A_109 = tpu.memref_slice %arg10[%dma_start3A_107, %dma_start3A_108] : memref<10016x16xf32, #tpu.memory_space<vmem_shared>> -> memref<10016x16xf32, #tpu.memory_space<vmem_shared>>
      tpu.enqueue_indirect_dma source(%arg9 : memref<128x16xf32, #tpu.memory_space<vmem>>) target(%dma_start3A_109 : memref<10016x16xf32, #tpu.memory_space<vmem_shared>>) offsets(%dma_start3A_106 : memref<128xi32, #tpu.memory_space<vmem>>) semaphore(%arg14 : memref<!tpu.dma_semaphore, #tpu.memory_space<semaphore_mem>>) {add = true}
      %dma_wait3A_110 = arith.constant 0 : i32
      %dma_wait3A_111 = tpu.memref_slice %arg7[%mul3A_73, %dma_wait3A_110] : memref<40x128xi32, #tpu.memory_space<vmem>> -> memref<1x128xi32, #tpu.memory_space<vmem>>
      %dma_wait3A_112 = tpu.memref_squeeze %dma_wait3A_111 : memref<1x128xi32, #tpu.memory_space<vmem>> -> memref<128xi32, #tpu.memory_space<vmem>>
      %dma_wait3A_113 = arith.constant 0 : i32
      %dma_wait3A_114 = arith.constant 0 : i32
      %dma_wait3A_115 = tpu.memref_slice %arg10[%dma_wait3A_113, %dma_wait3A_114] : memref<10016x16xf32, #tpu.memory_space<vmem_shared>> -> memref<10016x16xf32, #tpu.memory_space<vmem_shared>>
      tpu.wait_indirect_dma semaphore(%arg13 : memref<!tpu.dma_semaphore, #tpu.memory_space<semaphore_mem>>) src(%arg8 : memref<128x16xf32, #tpu.memory_space<vmem>>) dst(%dma_wait3A_115 : memref<10016x16xf32, #tpu.memory_space<vmem_shared>>)
      %dma_wait3A_116 = arith.constant 0 : i32
      %dma_wait3A_117 = tpu.memref_slice %arg7[%add3A_103, %dma_wait3A_116] : memref<40x128xi32, #tpu.memory_space<vmem>> -> memref<1x128xi32, #tpu.memory_space<vmem>>
      %dma_wait3A_118 = tpu.memref_squeeze %dma_wait3A_117 : memref<1x128xi32, #tpu.memory_space<vmem>> -> memref<128xi32, #tpu.memory_space<vmem>>
      %dma_wait3A_119 = arith.constant 0 : i32
      %dma_wait3A_120 = arith.constant 0 : i32
      %dma_wait3A_121 = tpu.memref_slice %arg10[%dma_wait3A_119, %dma_wait3A_120] : memref<10016x16xf32, #tpu.memory_space<vmem_shared>> -> memref<10016x16xf32, #tpu.memory_space<vmem_shared>>
      tpu.wait_indirect_dma semaphore(%arg14 : memref<!tpu.dma_semaphore, #tpu.memory_space<semaphore_mem>>) src(%arg9 : memref<128x16xf32, #tpu.memory_space<vmem>>) dst(%dma_wait3A_121 : memref<10016x16xf32, #tpu.memory_space<vmem_shared>>)
    }
    %barrier3A_63 = arith.constant 0 : index
    tpu.barrier barrier_id(%barrier3A_63)
    %eq3A = arith.constant 0 : i32
    %eq3A_64 = arith.cmpi eq, %arg0, %eq3A : i32
    %convert_element_type3A = arith.extui %eq3A_64 : i1 to i32
    %cond3A = arith.constant 0 : i32
    %cond3A_65 = arith.cmpi ne, %convert_element_type3A, %cond3A : i32
    scf.if %cond3A_65 {
      %mul3A_71 = arith.constant 625 : i32
      %mul3A_72 = arith.muli %arg1, %mul3A_71 : i32
      %mul3A_73 = arith.constant 625 : i32
      %mul3A_74 = arith.muli %arg1, %mul3A_73 : i32
      "tpu.region"() ({
        %run_scoped3A = tpu.sem_alloc : memref<!tpu.dma_semaphore, #tpu.memory_space<semaphore_mem>>
        %dma_start3A = arith.constant 0 : i32
        %dma_start3A_75 = tpu.memref_slice %arg5[%mul3A_74, %dma_start3A] : memref<10000x16xf32, #tpu.memory_space<hbm>> -> memref<625x16xf32, #tpu.memory_space<hbm>>
        %dma_start3A_76 = arith.constant 0 : i32
        %dma_start3A_77 = tpu.memref_slice %arg10[%mul3A_72, %dma_start3A_76] : memref<10016x16xf32, #tpu.memory_space<vmem_shared>> -> memref<625x16xf32, #tpu.memory_space<vmem_shared>>
        tpu.enqueue_dma source(%dma_start3A_77 : memref<625x16xf32, #tpu.memory_space<vmem_shared>>) target(%dma_start3A_75 : memref<625x16xf32, #tpu.memory_space<hbm>>) target_semaphore(%run_scoped3A : memref<!tpu.dma_semaphore, #tpu.memory_space<semaphore_mem>>)
        %dma_wait3A = arith.constant 0 : i32
        %dma_wait3A_78 = tpu.memref_slice %arg5[%mul3A_74, %dma_wait3A] : memref<10000x16xf32, #tpu.memory_space<hbm>> -> memref<625x16xf32, #tpu.memory_space<hbm>>
        %dma_wait3A_79 = arith.constant 0 : i32
        %dma_wait3A_80 = tpu.memref_slice %arg10[%mul3A_72, %dma_wait3A_79] : memref<10016x16xf32, #tpu.memory_space<vmem_shared>> -> memref<625x16xf32, #tpu.memory_space<vmem_shared>>
        tpu.wait_dma2 semaphore(%run_scoped3A : memref<!tpu.dma_semaphore, #tpu.memory_space<semaphore_mem>>) src(%dma_wait3A_80 : memref<625x16xf32, #tpu.memory_space<vmem_shared>>) dst(%dma_wait3A_78 : memref<625x16xf32, #tpu.memory_space<hbm>>)
        tpu.yield
      }) : () -> ()
    } else {
    }
    %eq3A_66 = arith.constant 1 : i32
    %eq3A_67 = arith.cmpi eq, %arg0, %eq3A_66 : i32
    %convert_element_type3A_68 = arith.extui %eq3A_67 : i1 to i32
    %cond3A_69 = arith.constant 0 : i32
    %cond3A_70 = arith.cmpi ne, %convert_element_type3A_68, %cond3A_69 : i32
    scf.if %cond3A_70 {
      %mul3A_71 = arith.constant 625 : i32
      %mul3A_72 = arith.muli %arg1, %mul3A_71 : i32
      %mul3A_73 = arith.constant 625 : i32
      %mul3A_74 = arith.muli %arg1, %mul3A_73 : i32
      "tpu.region"() ({
        %run_scoped3A = tpu.sem_alloc : memref<!tpu.dma_semaphore, #tpu.memory_space<semaphore_mem>>
        %dma_start3A = arith.constant 0 : i32
        %dma_start3A_75 = tpu.memref_slice %arg6[%mul3A_74, %dma_start3A] : memref<10000x16xf32, #tpu.memory_space<hbm>> -> memref<625x16xf32, #tpu.memory_space<hbm>>
        %dma_start3A_76 = arith.constant 0 : i32
        %dma_start3A_77 = tpu.memref_slice %arg10[%mul3A_72, %dma_start3A_76] : memref<10016x16xf32, #tpu.memory_space<vmem_shared>> -> memref<625x16xf32, #tpu.memory_space<vmem_shared>>
        tpu.enqueue_dma source(%dma_start3A_77 : memref<625x16xf32, #tpu.memory_space<vmem_shared>>) target(%dma_start3A_75 : memref<625x16xf32, #tpu.memory_space<hbm>>) target_semaphore(%run_scoped3A : memref<!tpu.dma_semaphore, #tpu.memory_space<semaphore_mem>>)
        %dma_wait3A = arith.constant 0 : i32
        %dma_wait3A_78 = tpu.memref_slice %arg6[%mul3A_74, %dma_wait3A] : memref<10000x16xf32, #tpu.memory_space<hbm>> -> memref<625x16xf32, #tpu.memory_space<hbm>>
        %dma_wait3A_79 = arith.constant 0 : i32
        %dma_wait3A_80 = tpu.memref_slice %arg10[%mul3A_72, %dma_wait3A_79] : memref<10016x16xf32, #tpu.memory_space<vmem_shared>> -> memref<625x16xf32, #tpu.memory_space<vmem_shared>>
        tpu.wait_dma2 semaphore(%run_scoped3A : memref<!tpu.dma_semaphore, #tpu.memory_space<semaphore_mem>>) src(%dma_wait3A_80 : memref<625x16xf32, #tpu.memory_space<vmem_shared>>) dst(%dma_wait3A_78 : memref<625x16xf32, #tpu.memory_space<hbm>>)
        tpu.yield
      }) : () -> ()
    } else {
    }
    return
  }
}

module attributes {stable_mosaic.version = 14 : i64} {
  func.func @body(%arg0: memref<32x1xf32, #tpu.memory_space<vmem>>, %arg1: memref<768x512xf32, #tpu.memory_space<vmem>>, %arg2: memref<16x384xf32, #tpu.memory_space<vmem>>, %arg3: memref<1x384xf32, #tpu.memory_space<vmem>>, %arg4: memref<1024x512xf32, #tpu.memory_space<vmem>>, %arg5: memref<1x512xf32, #tpu.memory_space<vmem>>, %arg6: memref<512x256xf32, #tpu.memory_space<vmem>>, %arg7: memref<1x256xf32, #tpu.memory_space<vmem>>, %arg8: memref<16x512xf32, #tpu.memory_space<vmem>>, %arg9: memref<1x512xf32, #tpu.memory_space<vmem>>, %arg10: memref<32x512xf32, #tpu.memory_space<vmem>>, %arg11: memref<16x512xf32, #tpu.memory_space<vmem>>, %arg12: memref<1x512xf32, #tpu.memory_space<vmem>>, %arg13: memref<512x256xf32, #tpu.memory_space<vmem>>, %arg14: memref<16x256xf32, #tpu.memory_space<vmem>>, %arg15: memref<1x256xf32, #tpu.memory_space<vmem>>, %arg16: memref<1x256xf32, #tpu.memory_space<vmem>>) attributes {dimension_semantics = [], scalar_prefetch = 0 : i64, scratch_operands = 0 : i64, tpu.core_type = #tpu.core_type<tc>} {
    %iota3A = tpu.iota {dimensions = array<i32: 1>} : vector<1x64xi32>
    %convert_element_type3A = arith.sitofp %iota3A : vector<1x64xi32> to vector<1x64xf32>
    %neg3A = arith.constant 0.000000e+00 : f32
    %neg3A_0 = vector.broadcast %neg3A : f32 to vector<1x64xf32>
    %neg3A_1 = arith.subf %neg3A_0, %convert_element_type3A : vector<1x64xf32>
    %mul3A = arith.constant 0.749894201 : f32
    %mul3A_2 = vector.broadcast %mul3A : f32 to vector<1x64xf32>
    %mul3A_3 = arith.mulf %neg3A_1, %mul3A_2 : vector<1x64xf32>
    %exp3A = math.exp %mul3A_3 : vector<1x64xf32>
    %get3A = arith.constant 0 : index
    %get3A_4 = arith.constant 0 : index
    %get3A_5 = vector.load %arg0[%get3A, %get3A_4] : memref<32x1xf32, #tpu.memory_space<vmem>>, vector<32x1xf32>
    %mul3A_6 = vector.broadcast %get3A_5 : vector<32x1xf32> to vector<32x64xf32>
    %mul3A_7 = vector.broadcast %exp3A : vector<1x64xf32> to vector<32x64xf32>
    %mul3A_8 = arith.mulf %mul3A_6, %mul3A_7 : vector<32x64xf32>
    %sin3A = math.sin %mul3A_8 : vector<32x64xf32>
    %cos3A = math.cos %mul3A_8 : vector<32x64xf32>
    %concatenate3A = tpu.concatenate %sin3A, %cos3A in 1 : vector<32x64xf32>, vector<32x64xf32> -> vector<32x128xf32>
    %get3A_9 = arith.constant 0 : index
    %get3A_10 = arith.constant 0 : index
    %get3A_11 = vector.load %arg1[%get3A_9, %get3A_10] : memref<768x512xf32, #tpu.memory_space<vmem>>, vector<768x512xf32>
    %slice3A = vector.extract_strided_slice %get3A_11 {offsets = [256, 0], sizes = [128, 512], strides = [1, 1]} : vector<768x512xf32> to vector<128x512xf32>
    %slice3A_12 = vector.extract_strided_slice %get3A_11 {offsets = [384, 0], sizes = [384, 512], strides = [1, 1]} : vector<768x512xf32> to vector<384x512xf32>
    %dot_general3A = arith.constant dense<0.000000e+00> : vector<32x512xf32>
    %dot_general3A_13 = tpu.matmul %concatenate3A, %slice3A, %dot_general3A {dimension_numbers = #tpu.dot_dimension_numbers<[1], [0], [0], [1], [0, 0, 1, 1], [], []>, transpose_lhs_hint = false} : vector<32x128xf32>, vector<128x512xf32>, vector<32x512xf32> -> vector<32x512xf32>
    %swap3A = arith.constant 0 : index
    %swap3A_14 = arith.constant 0 : index
    %swap3A_15 = vector.load %arg10[%swap3A, %swap3A_14] : memref<32x512xf32, #tpu.memory_space<vmem>>, vector<32x512xf32>
    tpu.vector_store %arg10[%swap3A, %swap3A_14], %dot_general3A_13 {strides = array<i32>} : memref<32x512xf32, #tpu.memory_space<vmem>>, vector<32x512xf32>,
    %get3A_16 = arith.constant 0 : index
    %get3A_17 = arith.constant 0 : index
    %get3A_18 = vector.load %arg2[%get3A_16, %get3A_17] : memref<16x384xf32, #tpu.memory_space<vmem>>, vector<16x384xf32>
    %dot_general3A_19 = arith.constant dense<0.000000e+00> : vector<16x512xf32>
    %dot_general3A_20 = tpu.matmul %get3A_18, %slice3A_12, %dot_general3A_19 {dimension_numbers = #tpu.dot_dimension_numbers<[1], [0], [0], [1], [0, 0, 1, 1], [], []>, transpose_lhs_hint = false} : vector<16x384xf32>, vector<384x512xf32>, vector<16x512xf32> -> vector<16x512xf32>
    %swap3A_21 = arith.constant 0 : index
    %swap3A_22 = arith.constant 0 : index
    %swap3A_23 = vector.load %arg11[%swap3A_21, %swap3A_22] : memref<16x512xf32, #tpu.memory_space<vmem>>, vector<16x512xf32>
    tpu.vector_store %arg11[%swap3A_21, %swap3A_22], %dot_general3A_20 {strides = array<i32>} : memref<16x512xf32, #tpu.memory_space<vmem>>, vector<16x512xf32>,
    %get3A_24 = arith.constant 0 : index
    %get3A_25 = arith.constant 0 : index
    %get3A_26 = vector.load %arg3[%get3A_24, %get3A_25] : memref<1x384xf32, #tpu.memory_space<vmem>>, vector<1x384xf32>
    %dot_general3A_27 = arith.constant dense<0.000000e+00> : vector<1x512xf32>
    %dot_general3A_28 = tpu.matmul %get3A_26, %slice3A_12, %dot_general3A_27 {dimension_numbers = #tpu.dot_dimension_numbers<[1], [0], [0], [1], [0, 0, 1, 1], [], []>, transpose_lhs_hint = false} : vector<1x384xf32>, vector<384x512xf32>, vector<1x512xf32> -> vector<1x512xf32>
    %swap3A_29 = arith.constant 0 : index
    %swap3A_30 = arith.constant 0 : index
    %swap3A_31 = vector.load %arg12[%swap3A_29, %swap3A_30] : memref<1x512xf32, #tpu.memory_space<vmem>>, vector<1x512xf32>
    tpu.vector_store %arg12[%swap3A_29, %swap3A_30], %dot_general3A_28 {strides = array<i32>} : memref<1x512xf32, #tpu.memory_space<vmem>>, vector<1x512xf32>,
    %get3A_32 = arith.constant 0 : index
    %get3A_33 = arith.constant 0 : index
    %get3A_34 = vector.load %arg4[%get3A_32, %get3A_33] : memref<1024x512xf32, #tpu.memory_space<vmem>>, vector<1024x512xf32>
    %get3A_35 = arith.constant 0 : index
    %get3A_36 = arith.constant 0 : index
    %get3A_37 = vector.load %arg6[%get3A_35, %get3A_36] : memref<512x256xf32, #tpu.memory_space<vmem>>, vector<512x256xf32>
    %slice3A_38 = vector.extract_strided_slice %get3A_34 {offsets = [0, 0], sizes = [512, 512], strides = [1, 1]} : vector<1024x512xf32> to vector<512x512xf32>
    %dot_general3A_39 = arith.constant dense<0.000000e+00> : vector<512x256xf32>
    %dot_general3A_40 = tpu.matmul %slice3A_38, %get3A_37, %dot_general3A_39 {dimension_numbers = #tpu.dot_dimension_numbers<[1], [0], [0], [1], [0, 0, 1, 1], [], []>, transpose_lhs_hint = false} : vector<512x512xf32>, vector<512x256xf32>, vector<512x256xf32> -> vector<512x256xf32>
    %swap3A_41 = arith.constant 0 : index
    %swap3A_42 = arith.constant 0 : index
    %swap3A_43 = vector.load %arg13[%swap3A_41, %swap3A_42] : memref<512x256xf32, #tpu.memory_space<vmem>>, vector<512x256xf32>
    tpu.vector_store %arg13[%swap3A_41, %swap3A_42], %dot_general3A_40 {strides = array<i32>} : memref<512x256xf32, #tpu.memory_space<vmem>>, vector<512x256xf32>,
    %slice3A_44 = vector.extract_strided_slice %get3A_34 {offsets = [512, 0], sizes = [512, 512], strides = [1, 1]} : vector<1024x512xf32> to vector<512x512xf32>
    %dot_general3A_45 = arith.constant dense<0.000000e+00> : vector<512x256xf32>
    %dot_general3A_46 = tpu.matmul %slice3A_44, %get3A_37, %dot_general3A_45 {dimension_numbers = #tpu.dot_dimension_numbers<[1], [0], [0], [1], [0, 0, 1, 1], [], []>, transpose_lhs_hint = false} : vector<512x512xf32>, vector<512x256xf32>, vector<512x256xf32> -> vector<512x256xf32>
    %get3A_47 = arith.constant 0 : index
    %get3A_48 = arith.constant 0 : index
    %get3A_49 = vector.load %arg8[%get3A_47, %get3A_48] : memref<16x512xf32, #tpu.memory_space<vmem>>, vector<16x512xf32>
    %dot_general3A_50 = arith.constant dense<0.000000e+00> : vector<16x256xf32>
    %dot_general3A_51 = tpu.matmul %get3A_49, %dot_general3A_46, %dot_general3A_50 {dimension_numbers = #tpu.dot_dimension_numbers<[1], [0], [0], [1], [0, 0, 1, 1], [], []>, transpose_lhs_hint = false} : vector<16x512xf32>, vector<512x256xf32>, vector<16x256xf32> -> vector<16x256xf32>
    %swap3A_52 = arith.constant 0 : index
    %swap3A_53 = arith.constant 0 : index
    %swap3A_54 = vector.load %arg14[%swap3A_52, %swap3A_53] : memref<16x256xf32, #tpu.memory_space<vmem>>, vector<16x256xf32>
    tpu.vector_store %arg14[%swap3A_52, %swap3A_53], %dot_general3A_51 {strides = array<i32>} : memref<16x256xf32, #tpu.memory_space<vmem>>, vector<16x256xf32>,
    %get3A_55 = arith.constant 0 : index
    %get3A_56 = arith.constant 0 : index
    %get3A_57 = vector.load %arg9[%get3A_55, %get3A_56] : memref<1x512xf32, #tpu.memory_space<vmem>>, vector<1x512xf32>
    %dot_general3A_58 = arith.constant dense<0.000000e+00> : vector<1x256xf32>
    %dot_general3A_59 = tpu.matmul %get3A_57, %dot_general3A_46, %dot_general3A_58 {dimension_numbers = #tpu.dot_dimension_numbers<[1], [0], [0], [1], [0, 0, 1, 1], [], []>, transpose_lhs_hint = false} : vector<1x512xf32>, vector<512x256xf32>, vector<1x256xf32> -> vector<1x256xf32>
    %swap3A_60 = arith.constant 0 : index
    %swap3A_61 = arith.constant 0 : index
    %swap3A_62 = vector.load %arg15[%swap3A_60, %swap3A_61] : memref<1x256xf32, #tpu.memory_space<vmem>>, vector<1x256xf32>
    tpu.vector_store %arg15[%swap3A_60, %swap3A_61], %dot_general3A_59 {strides = array<i32>} : memref<1x256xf32, #tpu.memory_space<vmem>>, vector<1x256xf32>,
    %get3A_63 = arith.constant 0 : index
    %get3A_64 = arith.constant 0 : index
    %get3A_65 = vector.load %arg5[%get3A_63, %get3A_64] : memref<1x512xf32, #tpu.memory_space<vmem>>, vector<1x512xf32>
    %dot_general3A_66 = arith.constant dense<0.000000e+00> : vector<1x256xf32>
    %dot_general3A_67 = tpu.matmul %get3A_65, %get3A_37, %dot_general3A_66 {dimension_numbers = #tpu.dot_dimension_numbers<[1], [0], [0], [1], [0, 0, 1, 1], [], []>, transpose_lhs_hint = false} : vector<1x512xf32>, vector<512x256xf32>, vector<1x256xf32> -> vector<1x256xf32>
    %get3A_68 = arith.constant 0 : index
    %get3A_69 = arith.constant 0 : index
    %get3A_70 = vector.load %arg7[%get3A_68, %get3A_69] : memref<1x256xf32, #tpu.memory_space<vmem>>, vector<1x256xf32>
    %add3A = arith.addf %dot_general3A_67, %get3A_70 : vector<1x256xf32>
    %swap3A_71 = arith.constant 0 : index
    %swap3A_72 = arith.constant 0 : index
    %swap3A_73 = vector.load %arg16[%swap3A_71, %swap3A_72] : memref<1x256xf32, #tpu.memory_space<vmem>>, vector<1x256xf32>
    tpu.vector_store %arg16[%swap3A_71, %swap3A_72], %add3A {strides = array<i32>} : memref<1x256xf32, #tpu.memory_space<vmem>>, vector<1x256xf32>,
    return
  }
}

module attributes {stable_mosaic.version = 14 : i64} {
  func.func @body(%arg0: i32, %arg1: memref<400x144xf32, #tpu.memory_space<vmem>>, %arg2: memref<400x144xf32, #tpu.memory_space<vmem>>, %arg3: memref<400x16xf32, #tpu.memory_space<vmem>>, %arg4: memref<400x16xf32, #tpu.memory_space<vmem>>, %arg5: memref<144x512xf32, #tpu.memory_space<vmem>>, %arg6: memref<144x512xf32, #tpu.memory_space<vmem>>, %arg7: memref<16x512xf32, #tpu.memory_space<vmem>>, %arg8: memref<1x512xf32, #tpu.memory_space<vmem>>, %arg9: memref<1x512xf32, #tpu.memory_space<vmem>>, %arg10: memref<512x256xf32, #tpu.memory_space<vmem>>, %arg11: memref<16x256xf32, #tpu.memory_space<vmem>>, %arg12: memref<1x256xf32, #tpu.memory_space<vmem>>, %arg13: memref<1x256xf32, #tpu.memory_space<vmem>>, %arg14: memref<400x256xf32, #tpu.memory_space<vmem>>, %arg15: memref<400x128xf32, #tpu.memory_space<vmem>>, %arg16: memref<400x128xf32, #tpu.memory_space<vmem>>) attributes {dimension_semantics = [#tpu.dimension_semantics<arbitrary>], iteration_bounds = array<i64: 25>, scalar_prefetch = 0 : i64, scratch_operands = 0 : i64, tpu.core_type = #tpu.core_type<tc>, window_params = [{transform_indices = @transform_0, window_bounds = array<i64: 400, 144>}, {transform_indices = @transform_1, window_bounds = array<i64: 400, 144>}, {transform_indices = @transform_2, window_bounds = array<i64: 400, 16>}, {transform_indices = @transform_3, window_bounds = array<i64: 400, 16>}, {pipeline_mode = #tpu.pipeline_mode<synchronous>, transform_indices = @transform_4, window_bounds = array<i64: 144, 512>}, {pipeline_mode = #tpu.pipeline_mode<synchronous>, transform_indices = @transform_5, window_bounds = array<i64: 144, 512>}, {pipeline_mode = #tpu.pipeline_mode<synchronous>, transform_indices = @transform_6, window_bounds = array<i64: 16, 512>}, {pipeline_mode = #tpu.pipeline_mode<synchronous>, transform_indices = @transform_7, window_bounds = array<i64: 1, 512>}, {pipeline_mode = #tpu.pipeline_mode<synchronous>, transform_indices = @transform_8, window_bounds = array<i64: 1, 512>}, {pipeline_mode = #tpu.pipeline_mode<synchronous>, transform_indices = @transform_9, window_bounds = array<i64: 512, 256>}, {pipeline_mode = #tpu.pipeline_mode<synchronous>, transform_indices = @transform_10, window_bounds = array<i64: 16, 256>}, {pipeline_mode = #tpu.pipeline_mode<synchronous>, transform_indices = @transform_11, window_bounds = array<i64: 1, 256>}, {pipeline_mode = #tpu.pipeline_mode<synchronous>, transform_indices = @transform_12, window_bounds = array<i64: 1, 256>}, {transform_indices = @transform_13, window_bounds = array<i64: 400, 256>}, {transform_indices = @transform_14, window_bounds = array<i64: 400, 128>}, {transform_indices = @transform_15, window_bounds = array<i64: 400, 128>}]} {
    %get3A = arith.constant 0 : index
    %get3A_0 = arith.constant 0 : index
    %get3A_1 = vector.load %arg1[%get3A, %get3A_0] : memref<400x144xf32, #tpu.memory_space<vmem>>, vector<400x144xf32>
    %get3A_2 = arith.constant 0 : index
    %get3A_3 = arith.constant 0 : index
    %get3A_4 = vector.load %arg2[%get3A_2, %get3A_3] : memref<400x144xf32, #tpu.memory_space<vmem>>, vector<400x144xf32>
    %get3A_5 = arith.constant 0 : index
    %get3A_6 = arith.constant 0 : index
    %get3A_7 = vector.load %arg3[%get3A_5, %get3A_6] : memref<400x16xf32, #tpu.memory_space<vmem>>, vector<400x16xf32>
    %get3A_8 = arith.constant 0 : index
    %get3A_9 = arith.constant 0 : index
    %get3A_10 = vector.load %arg4[%get3A_8, %get3A_9] : memref<400x16xf32, #tpu.memory_space<vmem>>, vector<400x16xf32>
    %add3A = arith.addf %get3A_7, %get3A_10 : vector<400x16xf32>
    %slice3A = vector.extract_strided_slice %get3A_4 {offsets = [0, 112], sizes = [400, 32], strides = [1, 1]} : vector<400x144xf32> to vector<400x32xf32>
    %reduce_sum3A = arith.constant dense<0.000000e+00> : vector<400xf32>
    %reduce_sum3A_11 = vector.multi_reduction <add>, %slice3A, %reduce_sum3A [1] : vector<400x32xf32> to vector<400xf32>
    %broadcast_in_dim3A = vector.shape_cast %reduce_sum3A_11 : vector<400xf32> to vector<400x1xf32>
    %get3A_12 = arith.constant 0 : index
    %get3A_13 = arith.constant 0 : index
    %get3A_14 = vector.load %arg5[%get3A_12, %get3A_13] : memref<144x512xf32, #tpu.memory_space<vmem>>, vector<144x512xf32>
    %dot_general3A = arith.constant dense<0.000000e+00> : vector<400x512xf32>
    %dot_general3A_15 = tpu.matmul %get3A_1, %get3A_14, %dot_general3A {dimension_numbers = #tpu.dot_dimension_numbers<[1], [0], [0], [1], [0, 0, 1, 1], [], []>, transpose_lhs_hint = false} : vector<400x144xf32>, vector<144x512xf32>, vector<400x512xf32> -> vector<400x512xf32>
    %get3A_16 = arith.constant 0 : index
    %get3A_17 = arith.constant 0 : index
    %get3A_18 = vector.load %arg6[%get3A_16, %get3A_17] : memref<144x512xf32, #tpu.memory_space<vmem>>, vector<144x512xf32>
    %dot_general3A_19 = arith.constant dense<0.000000e+00> : vector<400x512xf32>
    %dot_general3A_20 = tpu.matmul %get3A_4, %get3A_18, %dot_general3A_19 {dimension_numbers = #tpu.dot_dimension_numbers<[1], [0], [0], [1], [0, 0, 1, 1], [], []>, transpose_lhs_hint = false} : vector<400x144xf32>, vector<144x512xf32>, vector<400x512xf32> -> vector<400x512xf32>
    %add3A_21 = arith.addf %dot_general3A_15, %dot_general3A_20 : vector<400x512xf32>
    %get3A_22 = arith.constant 0 : index
    %get3A_23 = arith.constant 0 : index
    %get3A_24 = vector.load %arg7[%get3A_22, %get3A_23] : memref<16x512xf32, #tpu.memory_space<vmem>>, vector<16x512xf32>
    %dot_general3A_25 = arith.constant dense<0.000000e+00> : vector<400x512xf32>
    %dot_general3A_26 = tpu.matmul %add3A, %get3A_24, %dot_general3A_25 {dimension_numbers = #tpu.dot_dimension_numbers<[1], [0], [0], [1], [0, 0, 1, 1], [], []>, transpose_lhs_hint = false} : vector<400x16xf32>, vector<16x512xf32>, vector<400x512xf32> -> vector<400x512xf32>
    %add3A_27 = arith.addf %add3A_21, %dot_general3A_26 : vector<400x512xf32>
    %get3A_28 = arith.constant 0 : index
    %get3A_29 = arith.constant 0 : index
    %get3A_30 = vector.load %arg8[%get3A_28, %get3A_29] : memref<1x512xf32, #tpu.memory_space<vmem>>, vector<1x512xf32>
    %mul3A = vector.broadcast %broadcast_in_dim3A : vector<400x1xf32> to vector<400x512xf32>
    %mul3A_31 = vector.broadcast %get3A_30 : vector<1x512xf32> to vector<400x512xf32>
    %mul3A_32 = arith.mulf %mul3A, %mul3A_31 : vector<400x512xf32>
    %add3A_33 = arith.addf %add3A_27, %mul3A_32 : vector<400x512xf32>
    %get3A_34 = arith.constant 0 : index
    %get3A_35 = arith.constant 0 : index
    %get3A_36 = vector.load %arg9[%get3A_34, %get3A_35] : memref<1x512xf32, #tpu.memory_space<vmem>>, vector<1x512xf32>
    %add3A_37 = vector.broadcast %get3A_36 : vector<1x512xf32> to vector<400x512xf32>
    %add3A_38 = arith.addf %add3A_33, %add3A_37 : vector<400x512xf32>
    %get3A_39 = arith.constant 0 : index
    %get3A_40 = arith.constant 0 : index
    %get3A_41 = vector.load %arg10[%get3A_39, %get3A_40] : memref<512x256xf32, #tpu.memory_space<vmem>>, vector<512x256xf32>
    %dot_general3A_42 = arith.constant dense<0.000000e+00> : vector<400x256xf32>
    %dot_general3A_43 = tpu.matmul %add3A_38, %get3A_41, %dot_general3A_42 {dimension_numbers = #tpu.dot_dimension_numbers<[1], [0], [0], [1], [0, 0, 1, 1], [], []>, transpose_lhs_hint = false} : vector<400x512xf32>, vector<512x256xf32>, vector<400x256xf32> -> vector<400x256xf32>
    %swap3A = arith.constant 0 : index
    %swap3A_44 = arith.constant 0 : index
    %swap3A_45 = vector.load %arg14[%swap3A, %swap3A_44] : memref<400x256xf32, #tpu.memory_space<vmem>>, vector<400x256xf32>
    tpu.vector_store %arg14[%swap3A, %swap3A_44], %dot_general3A_43 {strides = array<i32>} : memref<400x256xf32, #tpu.memory_space<vmem>>, vector<400x256xf32>,
    %get3A_46 = arith.constant 0 : index
    %get3A_47 = arith.constant 0 : index
    %get3A_48 = vector.load %arg11[%get3A_46, %get3A_47] : memref<16x256xf32, #tpu.memory_space<vmem>>, vector<16x256xf32>
    %dot_general3A_49 = arith.constant dense<0.000000e+00> : vector<400x256xf32>
    %dot_general3A_50 = tpu.matmul %add3A, %get3A_48, %dot_general3A_49 {dimension_numbers = #tpu.dot_dimension_numbers<[1], [0], [0], [1], [0, 0, 1, 1], [], []>, transpose_lhs_hint = false} : vector<400x16xf32>, vector<16x256xf32>, vector<400x256xf32> -> vector<400x256xf32>
    %get3A_51 = arith.constant 0 : index
    %get3A_52 = arith.constant 0 : index
    %get3A_53 = vector.load %arg12[%get3A_51, %get3A_52] : memref<1x256xf32, #tpu.memory_space<vmem>>, vector<1x256xf32>
    %mul3A_54 = vector.broadcast %broadcast_in_dim3A : vector<400x1xf32> to vector<400x256xf32>
    %mul3A_55 = vector.broadcast %get3A_53 : vector<1x256xf32> to vector<400x256xf32>
    %mul3A_56 = arith.mulf %mul3A_54, %mul3A_55 : vector<400x256xf32>
    %add3A_57 = arith.addf %dot_general3A_50, %mul3A_56 : vector<400x256xf32>
    %get3A_58 = arith.constant 0 : index
    %get3A_59 = arith.constant 0 : index
    %get3A_60 = vector.load %arg13[%get3A_58, %get3A_59] : memref<1x256xf32, #tpu.memory_space<vmem>>, vector<1x256xf32>
    %add3A_61 = vector.broadcast %get3A_60 : vector<1x256xf32> to vector<400x256xf32>
    %add3A_62 = arith.addf %add3A_57, %add3A_61 : vector<400x256xf32>
    %slice3A_63 = vector.extract_strided_slice %add3A_62 {offsets = [0, 0], sizes = [400, 128], strides = [1, 1]} : vector<400x256xf32> to vector<400x128xf32>
    %swap3A_64 = arith.constant 0 : index
    %swap3A_65 = arith.constant 0 : index
    %swap3A_66 = vector.load %arg15[%swap3A_64, %swap3A_65] : memref<400x128xf32, #tpu.memory_space<vmem>>, vector<400x128xf32>
    tpu.vector_store %arg15[%swap3A_64, %swap3A_65], %slice3A_63 {strides = array<i32>} : memref<400x128xf32, #tpu.memory_space<vmem>>, vector<400x128xf32>,
    %slice3A_67 = vector.extract_strided_slice %add3A_62 {offsets = [0, 128], sizes = [400, 128], strides = [1, 1]} : vector<400x256xf32> to vector<400x128xf32>
    %swap3A_68 = arith.constant 0 : index
    %swap3A_69 = arith.constant 0 : index
    %swap3A_70 = vector.load %arg16[%swap3A_68, %swap3A_69] : memref<400x128xf32, #tpu.memory_space<vmem>>, vector<400x128xf32>
    tpu.vector_store %arg16[%swap3A_68, %swap3A_69], %slice3A_67 {strides = array<i32>} : memref<400x128xf32, #tpu.memory_space<vmem>>, vector<400x128xf32>,
    return
  }
  func.func @transform_0(%arg0: i32) -> (i32, i32) {
    %c0_i32 = arith.constant 0 : i32
    %c0_i32_0 = arith.constant 0 : i32
    return %arg0, %c0_i32 : i32, i32
  }
  func.func @transform_1(%arg0: i32) -> (i32, i32) {
    %c0_i32 = arith.constant 0 : i32
    %c0_i32_0 = arith.constant 0 : i32
    return %arg0, %c0_i32 : i32, i32
  }
  func.func @transform_2(%arg0: i32) -> (i32, i32) {
    %c0_i32 = arith.constant 0 : i32
    %c0_i32_0 = arith.constant 0 : i32
    return %arg0, %c0_i32 : i32, i32
  }
  func.func @transform_3(%arg0: i32) -> (i32, i32) {
    %c0_i32 = arith.constant 0 : i32
    %c0_i32_0 = arith.constant 0 : i32
    return %arg0, %c0_i32 : i32, i32
  }
  func.func @transform_4(%arg0: i32) -> (i32, i32) {
    %c0_i32 = arith.constant 0 : i32
    %c0_i32_0 = arith.constant 0 : i32
    %c0_i32_1 = arith.constant 0 : i32
    return %c0_i32, %c0_i32_0 : i32, i32
  }
  func.func @transform_5(%arg0: i32) -> (i32, i32) {
    %c0_i32 = arith.constant 0 : i32
    %c0_i32_0 = arith.constant 0 : i32
    %c0_i32_1 = arith.constant 0 : i32
    return %c0_i32, %c0_i32_0 : i32, i32
  }
  func.func @transform_6(%arg0: i32) -> (i32, i32) {
    %c0_i32 = arith.constant 0 : i32
    %c0_i32_0 = arith.constant 0 : i32
    %c0_i32_1 = arith.constant 0 : i32
    return %c0_i32, %c0_i32_0 : i32, i32
  }
  func.func @transform_7(%arg0: i32) -> (i32, i32) {
    %c0_i32 = arith.constant 0 : i32
    %c0_i32_0 = arith.constant 0 : i32
    %c0_i32_1 = arith.constant 0 : i32
    return %c0_i32, %c0_i32_0 : i32, i32
  }
  func.func @transform_8(%arg0: i32) -> (i32, i32) {
    %c0_i32 = arith.constant 0 : i32
    %c0_i32_0 = arith.constant 0 : i32
    %c0_i32_1 = arith.constant 0 : i32
    return %c0_i32, %c0_i32_0 : i32, i32
  }
  func.func @transform_9(%arg0: i32) -> (i32, i32) {
    %c0_i32 = arith.constant 0 : i32
    %c0_i32_0 = arith.constant 0 : i32
    %c0_i32_1 = arith.constant 0 : i32
    return %c0_i32, %c0_i32_0 : i32, i32
  }
  func.func @transform_10(%arg0: i32) -> (i32, i32) {
    %c0_i32 = arith.constant 0 : i32
    %c0_i32_0 = arith.constant 0 : i32
    %c0_i32_1 = arith.constant 0 : i32
    return %c0_i32, %c0_i32_0 : i32, i32
  }
  func.func @transform_11(%arg0: i32) -> (i32, i32) {
    %c0_i32 = arith.constant 0 : i32
    %c0_i32_0 = arith.constant 0 : i32
    %c0_i32_1 = arith.constant 0 : i32
    return %c0_i32, %c0_i32_0 : i32, i32
  }
  func.func @transform_12(%arg0: i32) -> (i32, i32) {
    %c0_i32 = arith.constant 0 : i32
    %c0_i32_0 = arith.constant 0 : i32
    %c0_i32_1 = arith.constant 0 : i32
    return %c0_i32, %c0_i32_0 : i32, i32
  }
  func.func @transform_13(%arg0: i32) -> (i32, i32) {
    %c0_i32 = arith.constant 0 : i32
    %c0_i32_0 = arith.constant 0 : i32
    return %arg0, %c0_i32 : i32, i32
  }
  func.func @transform_14(%arg0: i32) -> (i32, i32) {
    %c0_i32 = arith.constant 0 : i32
    %c0_i32_0 = arith.constant 0 : i32
    return %arg0, %c0_i32 : i32, i32
  }
  func.func @transform_15(%arg0: i32) -> (i32, i32) {
    %c0_i32 = arith.constant 0 : i32
    %c0_i32_0 = arith.constant 0 : i32
    return %arg0, %c0_i32 : i32, i32
  }
}

</mosaic_0001>

<sc_bundles>
// kernel: kernel.10.cloned.1.call-start
scs
__scs_entry_jumppad:
0x0: {  	(pc) =	sbr.rel $0x88, $3  }
0x1: {  	(tag) =	ssettag $0x0;
	lr =	simm.s32 $0x1  }
0x2: {  	[smem:$0x3F92] =	sst lr;
	_ =	strace $0xD0000000  }
0x3: {  	_ = 	snop  }
0x4: {  	_ = 	snop  }
0x5: {  	_ = 	snop  }
0x6: {  	_ = 	snop  }
0x7: {  	_ = 	snop  }
__scs_overlays_trampoline_lowered:
0x8: {  	[smem:$0x3FA1] =	sst s0  }
0x9: {  	[smem:$0x3FA2] =	sst s1  }
0xa: {  	[smem:$0x3FA3] =	sst s2  }
0xb: {  	[smem:$0x3FA4] =	sst s3  }
0xc: {  	[smem:$0x3FA5] =	sst s4  }
0xd: {  	[smem:$0x3FA6] =	sst s5  }
0xe: {  	[smem:$0x3FA7] =	sst s6  }
0xf: {  	[smem:$0x3FA8] =	sst s7  }
0x10: {  	[smem:$0x3FA9] =	sst s8  }
0x11: {  	[smem:$0x3FAA] =	sst s9;
	s0 =	simm.s32 @!p0 $0x0  }
0x12: {  	s1 =	sld [smem:$0x3F90];
	s0 =	simm.s32 @p0 $0x1  }
0x13: {  	[smem:$0x3FAB] =	sst s0;
	s0 =	simm.s32 @!p1 $0x0  }
0x14: {  	s2 =	sld [smem:$0x3F8F];
	s0 =	simm.s32 @p1 $0x1  }
0x15: {  	[smem:$0x3FAC] =	sst s0;
	s0 =	simm.s32 @!p2 $0x0  }
0x16: {  	s3 =	sld [smem:$0x3FDB];
	s0 =	simm.s32 @p2 $0x1  }
0x17: {  	s4 =	simm.s32 $0x1BF5;
	[smem:$0x3FAE] =	sst s0  }
0x18: {  	s0 =	sld [smem:$0x3F91];
	_ =	swait.ge [sflag:s4], $0x0  }
0x19: {  	s7 =	sld [smem:$0x3F92]  }
0x1a: {  	s8 =	sadd.s32 $0xFFFFE003, lr  }
0x1b: {  	s9 =	sadd.s32 $0xFFFFFEF7, lr;
	s5 =	simm.s32 $0xFFFFFFFF;
	p2 =	slt.u32 s8, $0xFFFFF086  }
0x1c: {  	p1 =	slt.u32 s9, $0xF7A;
	s5 =	simm.s32 @!p2 $0x0  }
0x1d: {  	s5 =	simm.s32 @p1 $0x1;
	p0 =	seq.s32 s7, s2  }
0x1e: {  	s7 =	smul.u32 @!p0 $0xF7A, s2;
	p2 =	seq.s32 @!p0 s5, $0x0  }
0x1f: {  	s9 =	smul.u32 $0xF7A, s1;
	s8 =	simm.s32 @!p0 $0x1BF5;
	p2 =	por !p2, p0  }
0x20: {  	[sflag:s8] =	ssyncset.s32 @!p0 $0xFFFFF086;
	s6 =	sadd.s32 @!p0 s3, s7;
	s7 =	simm.s32 @!p0 $0x108  }
0x21: {  	s3 =	sadd.s32 s3, s9;
	s6 =	sadd.s32 @!p0 $0x88, s6;
	s7 =	simm.s32 @p2 $0x1082  }
0x22: {  	[simem:s7], [sflag:s8] =	dma.local @!p0 [hbm:s6], $0xF7A  }
0x23: {  	s9 =	sor.u32 $0xD0000000, s2;
	s6 =	simm.s32 $0x108;
	_ =	swait.ge @!p0 [sflag:s8], $0x0  }
0x24: {  	s3 =	sadd.s32 $0x88, s3;
	s6 =	simm.s32 @!p1 $0x1082;
	[sflag:s4] =	ssyncset.s32 $0xFFFFF086  }
0x25: {  	[simem:s6], [sflag:s4] =	dma.local [hbm:s3], $0xF7A  }
0x26: {  	[smem:$0x3F92] =	sst s1;
	(tag) =	ssettag s2;
	_ =	strace s9  }
0x27: {  	s1 =	sld [smem:$0x3FA2]  }
0x28: {  	s2 =	sld [smem:$0x3FA3]  }
0x29: {  	s4 =	sld [smem:$0x3FA5]  }
0x2a: {  	p0 =	seq.s32 s5, $0x0;
	s5 =	sld [smem:$0x3FA6]  }
0x2b: {  	s6 =	sld [smem:$0x3FA7]  }
0x2c: {  	s7 =	sld [smem:$0x3FA8]  }
0x2d: {  	s3 =	simm.s32 $0x108;
	s8 =	sld [smem:$0x3FA9]  }
0x2e: {  	s3 =	simm.s32 @!p0 $0x1082;
	s9 =	sld [smem:$0x3FAA]  }
0x2f: {  	lr =	sadd.s32 s0, s3;
	s0 =	sld [smem:$0x3FA1]  }
0x30: {  	s3 =	sld [smem:$0x3FA4]  }
0x31: {  	[smem:$0x3FAD] =	sst s10  }
0x32: {  	s10 =	sld [smem:$0x3FAB];
	_ =	sdelay $0x3  }
0x33: {  	p0 =	seq.s32 s10, $0x1;
	s10 =	sld [smem:$0x3FAD];
	_ =	sdelay $0x3  }
0x34: {  	[smem:$0x3FAD] =	sst s10  }
0x35: {  	s10 =	sld [smem:$0x3FAC];
	_ =	sdelay $0x3  }
0x36: {  	p1 =	seq.s32 s10, $0x1;
	s10 =	sld [smem:$0x3FAD];
	_ =	sdelay $0x3  }
0x37: {  	[smem:$0x3FAD] =	sst s10  }
0x38: {  	s10 =	sld [smem:$0x3FAE]  }
0x39: {  	_ = 	snop;
	(pc) =	sbr.ind lr, $3  }
0x3a: {  	_ = 	snop  }
0x3b: {  	_ = 	snop  }
0x3c: {  	p2 =	seq.s32 s10, $0x1;
	s10 =	sld [smem:$0x3FAD]  }
0x3d: {  	_ =	shalt  }
0x3e: {  	_ =	shalt  }
0x3f: {  	_ =	shalt  }
0x40: {  	_ =	shalt  }
0x41: {  	_ =	shalt  }
0x42: {  	_ =	shalt  }
0x43: {  	_ =	shalt  }
0x44: {  	_ =	shalt  }
0x45: {  	_ =	shalt  }
0x46: {  	_ =	shalt  }
0x47: {  	_ =	shalt  }
0x48: {  	_ =	shalt  }
0x49: {  	_ =	shalt  }
0x4a: {  	_ =	shalt  }
0x4b: {  	_ =	shalt  }
0x4c: {  	_ =	shalt  }
0x4d: {  	_ =	shalt  }
0x4e: {  	_ =	shalt  }
0x4f: {  	_ =	shalt  }
0x50: {  	_ =	shalt  }
0x51: {  	_ =	shalt  }
0x52: {  	_ =	shalt  }
0x53: {  	_ =	shalt  }
0x54: {  	_ =	shalt  }
0x55: {  	_ =	shalt  }
0x56: {  	_ =	shalt  }
0x57: {  	_ =	shalt  }
0x58: {  	_ =	shalt  }
0x59: {  	_ =	shalt  }
0x5a: {  	_ =	shalt  }
0x5b: {  	_ =	shalt  }
0x5c: {  	_ =	shalt  }
0x5d: {  	_ =	shalt  }
0x5e: {  	_ =	shalt  }
0x5f: {  	_ =	shalt  }
0x60: {  	_ =	shalt  }
0x61: {  	_ =	shalt  }
0x62: {  	_ =	shalt  }
0x63: {  	_ =	shalt  }
0x64: {  	_ =	shalt  }
0x65: {  	_ =	shalt  }
0x66: {  	_ =	shalt  }
0x67: {  	_ =	shalt  }
0x68: {  	_ =	shalt  }
0x69: {  	_ =	shalt  }
0x6a: {  	_ =	shalt  }
0x6b: {  	_ =	shalt  }
0x6c: {  	_ =	shalt  }
0x6d: {  	_ =	shalt  }
0x6e: {  	_ =	shalt  }
0x6f: {  	_ =	shalt  }
0x70: {  	_ =	shalt  }
0x71: {  	_ =	shalt  }
0x72: {  	_ =	shalt  }
0x73: {  	_ =	shalt  }
0x74: {  	_ =	shalt  }
0x75: {  	_ =	shalt  }
0x76: {  	_ =	shalt  }
0x77: {  	_ =	shalt  }
0x78: {  	_ =	shalt  }
0x79: {  	_ =	shalt  }
0x7a: {  	_ =	shalt  }
0x7b: {  	_ =	shalt  }
0x7c: {  	_ =	shalt  }
0x7d: {  	_ =	shalt  }
0x7e: {  	_ =	shalt  }
0x7f: {  	_ =	shalt  }
0x80: {  	_ =	shalt  }
0x81: {  	_ =	shalt  }
0x82: {  	_ =	shalt  }
0x83: {  	_ =	shalt  }
0x84: {  	_ =	shalt  }
0x85: {  	_ =	shalt  }
0x86: {  	_ =	shalt  }
0x87: {  	_ =	shalt  }
.Lfunc_end0:
.L_simem_size_0:
called_computation.1_lowered:
.L_overlay_start_0:
0x88: {  	s2 =	sld [smem:$0x3FD9]  }
0x89: {  	s3 =	sld [smem:$0x3FFE];
	_ =	sdelay $0x1  }
0x8a: {  	s1 =	srdreg.scid  }
0x8b: {  	s0 =	sand.u32 $0x1, s1  }
0x8c: {  	s17 =	sshll.u32 s0, $0xA;
	s2 =	sadd.s32 s3, s2  }
0x8d: {  	s2 =	sadd.s32 s2, s17  }
0x8e: {  	[smem:$0x3FB9] =	sst s2  }
0x8f: {  	_ = 	snop  }
0x90: {  	(tm) =	ssettm $0x1  }
0x91: {  	s18 =	sld [smem:$0x3FFB];
	_ =	sdelay $0x3  }
0x92: {  	_ =	strace s18  }
0x93: {  	s2 =	sld [smem:$0x3FFC];
	_ =	sdelay $0x3  }
0x94: {  	_ =	strace s2  }
0x95: {  	s2 =	sld [smem:$0x3FFD];
	_ =	sdelay $0x3  }
0x96: {  	_ =	strace s2  }
0x97: {  	_ =	strace $0x8FFFFFFF  }
0x98: {  	s19 =	sld [smem:$0x3FDB];
	_ =	sdelay $0x1  }
0x99: {  	s20 =	simm.s32 $_scs_section_size  }
0x9a: {  	s4 =	simm.s32 $_size__tile_overlayer_lowered;
	s5 =	simm.s32 $_tile_overlayer_lowered  }
0x9b: {  	s6 =	simm.s32 $0x1BFF;
	s21 =	sshll.u32 s5, $0x1;
	s3 =	sadd.s32 s20, s19  }
0x9c: {  	s22 =	simm.s32 $0x0;
	s4 =	sshll.u32 s4, $0x1;
	s5 =	sadd.s32 s21, s3  }
0x9d: {  	[timem:s22], [sflag:s6] =	dma.local [hbm:s5], s4  }
0x9e: {  	_ =	swait.ge [sflag:s6], s4  }
0x9f: {  	s4 =	ssub.s32 $0x0, s4;
	[sflag:s6] =	ssyncset.done $0x0  }
0xa0: {  	[sflag:s6] =	ssyncadd.s32 s4;
	_ =	sdelay $0x1  }
0xa1: {  	s23 =	simm.s32 $0x1B8B  }
0xa2: {  	_ =	swait.ge [sflag:s23], $0x1  }
0xa3: {  	[sflag:s23] =	ssyncset.done $0x0  }
0xa4: {  	[sflag:s23] =	ssyncadd.s32 $0xFFFFFFFF  }
0xa5: {  	s4 =	sld [smem:$0x0]  }
0xa6: {  	s5 =	sand.u32 $0xFFFFFFFE, s1  }
0xa7: {  	p0 =	sne.s32 s1, s5  }
0xa8: {  	s5 =	sshll.u32 @p0 s5, $0xE  }
0xa9: {  	s5 =	sadd.s32 @p0 $0x11B8D, s5;
	s6 =	sshll.u32 @p0 s4, $0x11  }
0xaa: {  	s5 =	sor.u32 @p0 s6, s5  }
0xab: {  	[sflag:s5] =	ssyncadd.remote.s32 @p0 $0x1;
	_ =	sdelay $0x1  }
0xac: {  	s5 =	simm.s32 @p0 $0x1B8D  }
0xad: {  	_ =	swait.eq @p0 [sflag:s5], $0x1  }
0xae: {  	[sflag:s5] =	ssyncadd.s32 @p0 $0xFFFFFFFF  }
0xaf: {  	s6 =	sshll.u32 @!p0 s1, $0xE  }
0xb0: {  	s6 =	sor.u32 @!p0 $0x4000, s6;
	s5 =	simm.s32 @!p0 $0x1B8D  }
0xb1: {  	s4 =	sshll.u32 @!p0 s4, $0x11;
	s6 =	sadd.s32 @!p0 $0x11B8D, s6;
	_ =	swait.eq @!p0 [sflag:s5], $0x1  }
0xb2: {  	s4 =	sor.u32 @!p0 s4, s6;
	[sflag:s5] =	ssyncadd.s32 @!p0 $0xFFFFFFFF  }
0xb3: {  	s25 =	simm.s32 $0x1B8E;
	s24 =	sld [smem:$0x3FFE];
	[sflag:s4] =	ssyncadd.remote.s32 @!p0 $0x1  }
0xb4: {  	s26 =	simm.s32 $execute0_lowered;
	[smem:$0x3FD2] =	sst s25  }
0xb5: {  	s5 =	sshll.u32 s26, $0x1;
	_ =	strace $0x80000049;
	[dreg:$0x1] =	wrdreg $0xFFFFFFFF  }
0xb6: {  	s28 =	simm.s32 $_size_execute0_lowered;
	s3 =	sadd.s32 s3, s5;
	[dreg:$0x0] =	wrdreg $0x0  }
0xb7: {  	s5 =	sshll.u32 s28, $0x1;
	[dreg:$0x2] =	wrdreg s3  }
0xb8: {  	[dreg:$0x3] =	wrdreg s5  }
0xb9: {  	[dreg:$0x4] =	wrdreg $0xC0  }
0xba: {  	_ =	task [dreg:s22], $0x5FFFF  }
0xbb: {  	[dreg:$0x1] =	wrdreg $0xFFFFFFFF  }
0xbc: {  	[dreg:$0x0] =	wrdreg $0x60  }
0xbd: {  	[dreg:$0x2] =	wrdreg s24  }
0xbe: {  	[dreg:$0x3] =	wrdreg $0x24000  }
0xbf: {  	[dreg:$0x4] =	wrdreg $0xA  }
0xc0: {  	_ =	task.clear_ibuf [dreg:s22], $0x5FFFF;
	_ =	strace $0x90000049  }
0xc1: {  	s29 =	simm.s32 $0xA;
	_ =	strace $0x8000004B  }
0xc2: {  	_ =	swait.ge [sflag:s29], $0x1  }
0xc3: {  	[sflag:s29] =	ssyncadd.s32 $0xFFFFFFFF  }
0xc4: {  	_ =	strace $0x9000004B  }
0xc5: {  	_ =	sfence  }
0xc6: {  	s30 =	sld [smem:$0x0];
	_ =	sdelay $0x2  }
0xc7: {  	s31 =	sshll.u32 s1, $0xD;
	s1 =	sshrl.u32 s1, $0x2  }
0xc8: {  	s4 =	sand.u32 $0x4000, s31;
	s1 =	sadd.s32 s1, s30  }
0xc9: {  	s0 =	sor.u32 s4, s0;
	s1 =	sshll.u32 s1, $0x11  }
0xca: {  	s0 =	sor.u32 s1, s0  }
0xcb: {  	s0 =	sadd.s32 $0x8F2B, s0  }
0xcc: {  	[sflag:s0] =	ssyncadd.remote.s32 $0x1  }
0xcd: {  	_ =	sfence.sel $0xFFFF  }
0xce: {  	[dreg:$0x0] =	wrdreg $0xFFFFFFFF;
	(pc) =	sbr.abs _section_cstart, $3  }
0xcf: {  	[dreg:$0x1] =	wrdreg $0xFFFFFFFF  }
0xd0: {  	_ =	task.clear_ibuf [dreg:s22], $0x2FFFF;
	_ =	strace $0x9FFFFFFF  }
0xd1: {  	(tm) =	ssettm $0x7FFFFFFF  }
tec
execute0_lowered:
.L_overlay_start_1:
0x0: {  	(tag) =	ssettag $0x1  }
0x1: {  	s0 =	srdreg.scid  }
0x2: {  	s9 =	rddreg [dreg:$0x0];
	s1 =	stileid.u32  }
0x3: {  	s2 =	rddreg [dreg:$0x1];
	s10 =	smul.u32 $0x9C80, s1  }
0x4: {  	s3 =	simm.s32 $0x0;
	s18 =	simm.s32 $0x2;
	s12 =	smul.u32 $0xFFFFEC00, s1  }
0x5: {  	s19 =	simm.s32 $0x3;
	s20 =	simm.s32 $0x4;
	s25 =	smul.u32 $0x2710, s1  }
0x6: {  	s7 =	sand.u32 $0x1, s0;
	s0 =	rddreg [dreg:$0x2];
	s15 =	smul.u32 $0x14000, s1  }
0x7: {  	s22 =	simm.s32 $0x0;
	[smem:$0x7FF] =	sst s3;
	s29 =	smul.u32 $0x1400, s1  }
0x8: {  	s11 =	sadd.s32 $0x33E400, s9;
	s24 =	sshll.u32 s1, $0x6;
	s13 =	smul.u32 $0xFFFEC000, s7  }
0x9: {  	s4 =	sshll.u32 s7, $0x4;
	_ =	strace $0x8000004A;
	s26 =	smul.u32 $0x140000, s7  }
0xa: {  	s5 =	ssub.s32 $0x2, s7;
	p0 =	seq.s32 s7, $0x1;
	s17 =	smul.u32 $0x14000, s7  }
0xb: {  	s4 =	sor.u32 s1, s4;
	s8 =	sshrl.u32 s5, $0x1;
	s23 =	sshrl.u32 s10, $0x2  }
0xc: {  	s16 =	sshrl.u32 s25, $0x3;
	s21 =	sadd.s32 s25, s2;
	s4 =	smul.u32 $0x280, s4  }
0xd: {  	s8 =	ssub.s32 s5, s8;
	s14 =	sadd.s32 s23, s2;
	s5 =	sor.u32 $0x1C05, s24  }
0xe: {  	s12 =	sadd.s32 s13, s12;
	s13 =	sadd.s32 s15, s26;
	s10 =	sadd.s32 s29, s17  }
0xf: {  	s15 =	simm.s32 $0x1C00;
	s17 =	simm.s32 $0x80;
	s21 =	sshrl.u32 s21, $0x3  }
0x10: {  	s12 =	sadd.s32 $0x27100, s12;
	s8 =	smax.u32 s8, $0x1;
	s30 =	sshrl.u32 s13, $0x3  }
0x11: {  	s31 =	sshll.u32 s10, $0x1;
	s13 =	simm.s32 $0x5;
	s6 =	sadd.s32 s4, s9  }
0x12: {  	s4 =	sadd.s32 $0xCD400, s9;
	s12 =	sshrl.u32 s12, $0x7;
	s10 =	sadd.s32 s30, s11  }
0x13: {  	s11 =	sadd.s32 s31, s11;
	s28 =	smin.u32 s12, $0x28;
	s12 =	simm.s32 $0xD2A00  }
0x14: {  	s6 =	sadd.s32 $0x5C400, s6;
	s11 =	sadd.s32 $0x100, s11;
	s12 =	simm.s32 @!p0 $0xCDA00  }
0x15: {  	s7 =	sshrl.u32 s28, $0x1;
	s9 =	sadd.s32 s12, s9;
	s12 =	sshrl.u32 s14, $0x3  }
0x16: {  	s14 =	simm.s32 $0x1400;
	s9 =	sadd.s32 s9, s16;
	s16 =	simm.s32 $0x1  }
.LBB2_1:
0x17: {  	[spmem:s12], [sflag:s5] =	dma.local [hbm:s4], $0x4E4  }
0x18: {  	_ =	swait.ge [sflag:s13], $0x4E4  }
0x19: {  	[sflag:s13] =	ssyncset.done $0x0  }
0x1a: {  	[sflag:s13] =	ssyncadd.s32 $0xFFFFFB1C  }
0x1b: {  	[tilespmem:s3], [sflag:$0x5] =	stream.linear.gather [hbm4b:s6+s3], $0x1400, $0x38;
	[tilespmem:$0x4B20] =	vst v63  }
0x1c: {  	_ =	swait.ge [sflag:s13], $0x1400  }
0x1d: {  	[sflag:s13] =	ssyncset.done $0x0  }
0x1e: {  	[sflag:s13] =	ssyncadd.s32 $0xFFFFEC00  }
0x1f: {  	[bflag:$0x0] =	sbarrier.arrive $0xFFFF  }
0x20: {  	[tilespmem:s14], [sflag:$0x1] =	stream.linear.gather [hbm4b:s10+s3], $0x800, $0x38;
	[tilespmem:$0x4B20] =	vst v63  }
0x21: {  	_ = 	snop  }
0x22: {  	[tilespmem:s15], [sflag:$0x2] =	stream.linear.gather [hbm4b:s11+s3], $0x800, $0x38;
	[tilespmem:$0x4B20] =	vst v63  }
0x23: {  	_ =	swait.ge [sflag:s16], $0x800  }
0x24: {  	[sflag:s16] =	ssyncset.done $0x0  }
0x25: {  	[sflag:s16] =	ssyncadd.s32 $0xFFFFF800  }
0x26: {  	[spmem:s2] =	stream.indirect.scatter.add.f32 [tilespmem:s14], [sflag:$0x3], $0x10, s3, s17, $0xb8;
	[tilespmem:$0x4B20] =	vst v63  }
0x27: {  	_ =	swait.ge [sflag:s18], $0x800  }
0x28: {  	[sflag:s18] =	ssyncset.done $0x0  }
0x29: {  	s23 =	simm.s32 $0x80;
	p0 =	sne.s32 s7, $0x1;
	[sflag:s18] =	ssyncadd.s32 $0xFFFFF800  }
0x2a: {  	[spmem:s2] =	stream.indirect.scatter.add.f32 [tilespmem:s15], [sflag:$0x4], $0x10, s23, s17, $0xb8;
	[tilespmem:$0x4B20] =	vst v63  }
.Ltmp0:
0x2b: {  	_ =	swait.ge [sflag:s19], $0x800;
	(pc) =	sbr.rel @!p0 .LBB2_3-.Ltmp0, $4  }
0x2c: {  	[sflag:s19] =	ssyncset.done $0x0  }
0x2d: {  	[sflag:s19] =	ssyncadd.s32 $0xFFFFF800  }
0x2e: {  	s24 =	sadd.s32 $0x200, s11;
	s25 =	smov.u32 s10;
	_ =	swait.ge [sflag:s20], $0x800  }
0x2f: {  	s26 =	simm.s32 $0x0;
	s23 =	sadd.s32 $0xFFFFFFFF, s7;
	[sflag:s20] =	ssyncset.done $0x0  }
.LBB2_2:
0x30: {  	[sflag:s20] =	ssyncadd.s32 $0xFFFFF800;
	s25 =	sadd.s32 $0x200, s25;
	s26 =	sadd.s32 $0x100, s26  }
0x31: {  	[tilespmem:s14], [sflag:$0x1] =	stream.linear.gather [hbm4b:s25+s3], $0x800, $0x38;
	[tilespmem:$0x4B20] =	vst v63  }
0x32: {  	p0 =	sne.s32 s23, $0x1;
	s23 =	sadd.s32 $0xFFFFFFFF, s23  }
0x33: {  	[tilespmem:s15], [sflag:$0x2] =	stream.linear.gather [hbm4b:s24+s3], $0x800, $0x38;
	[tilespmem:$0x4B20] =	vst v63  }
0x34: {  	_ =	swait.ge [sflag:s16], $0x800  }
0x35: {  	[sflag:s16] =	ssyncset.done $0x0  }
0x36: {  	[sflag:s16] =	ssyncadd.s32 $0xFFFFF800  }
0x37: {  	[spmem:s2] =	stream.indirect.scatter.add.f32 [tilespmem:s14], [sflag:$0x3], $0x10, s26, s17, $0xb8;
	[tilespmem:$0x4B20] =	vst v63  }
0x38: {  	_ =	swait.ge [sflag:s18], $0x800  }
0x39: {  	[sflag:s18] =	ssyncset.done $0x0  }
0x3a: {  	s28 =	sadd.s32 $0x80, s26;
	[sflag:s18] =	ssyncadd.s32 $0xFFFFF800  }
0x3b: {  	[spmem:s2] =	stream.indirect.scatter.add.f32 [tilespmem:s15], [sflag:$0x4], $0x10, s28, s17, $0xb8;
	[tilespmem:$0x4B20] =	vst v63  }
.Ltmp1:
0x3c: {  	_ =	swait.ge [sflag:s19], $0x800;
	(pc) =	sbr.rel @p0 .LBB2_2-.Ltmp1, $4  }
0x3d: {  	[sflag:s19] =	ssyncset.done $0x0  }
0x3e: {  	[sflag:s19] =	ssyncadd.s32 $0xFFFFF800  }
0x3f: {  	_ =	swait.ge [sflag:s20], $0x800  }
0x40: {  	s24 =	sadd.s32 $0x200, s24;
	[sflag:s20] =	ssyncset.done $0x0  }
.LBB2_3:
0x41: {  	s22 =	sadd.s32 $0x1, s22  }
0x42: {  	[sflag:s20] =	ssyncadd.s32 $0xFFFFF800;
	p0 =	sne.s32 s22, s8  }
.Ltmp2:
0x43: {  	[bflag:$0x0] =	sbarrier.arrive $0xFFFF;
	(pc) =	sbr.rel @p0 .LBB2_1-.Ltmp2, $4  }
0x44: {  	[hbm:s9], [sflag:s5] =	dma.local [spmem:s21], $0x4E2  }
0x45: {  	_ =	swait.ge [sflag:s13], $0x4E2  }
0x46: {  	[sflag:s13] =	ssyncset.done $0x0  }
0x47: {  	[sflag:s13] =	ssyncadd.s32 $0xFFFFFB1E  }
0x48: {  	_ =	sfence.sel $0x180000  }
0x49: {  	[bflag:$0x0] =	sbarrier.arrive $0xFFFF  }
0x4a: {  	p0 =	sne.s32 s1, $0x0;
	_ =	strace $0x9000004A  }
0x4b: {  	s0 =	sadd.s32 @!p0 $0x100000, s0;
	[bflag:$0x2] =	sbarrier.arrive $0xFFFF  }
0x4c: {  	[sflag:s0] =	ssyncadd.tile.s32 @!p0 $0x1;
	_ =	shalt  }
.Lfunc_end2:
_tile_overlayer_lowered:
.L_overlay_start_2:
0x4d: {  	(tag) =	ssettag $0x2  }
0x4e: {  	s0 =	rddreg [dreg:$0x0];
	s2 =	stileid.u32  }
0x4f: {  	s1 =	rddreg [dreg:$0x1];
	p0 =	sne.s32 s2, $0x0  }
0x50: {  	s3 =	rddreg [dreg:$0x2];
	[bflag:$0x3] =	sbarrier.arrive $0xFFFF;
	s2 =	simm.s32 @!p0 $0x1C05  }
0x51: {  	[timem:s3], [sflag:s2] =	dma.local @!p0 [hbm:s0], s1  }
0x52: {  	s0 =	simm.s32 @!p0 $0x5  }
0x53: {  	_ =	swait.ge @!p0 [sflag:s0], s1  }
0x54: {  	s1 =	ssub.s32 @!p0 $0x0, s1;
	[sflag:s0] =	ssyncset.done @!p0 $0x0  }
0x55: {  	[sflag:s0] =	ssyncadd.s32 @!p0 s1  }
0x56: {  	[bflag:$0x3] =	sbarrier.arrive $0xFFFF  }
0x57: {  	_ =	shalt  }

// kernel: kernel.13.cloned.1.call-start
scs
__scs_entry_jumppad:
0x0: {  	(pc) =	sbr.rel $0x88, $3  }
0x1: {  	(tag) =	ssettag $0x0;
	lr =	simm.s32 $0x1  }
0x2: {  	[smem:$0x3F92] =	sst lr;
	_ =	strace $0xD0000000  }
0x3: {  	_ = 	snop  }
0x4: {  	_ = 	snop  }
0x5: {  	_ = 	snop  }
0x6: {  	_ = 	snop  }
0x7: {  	_ = 	snop  }
__scs_overlays_trampoline_lowered:
0x8: {  	[smem:$0x3FA1] =	sst s0  }
0x9: {  	[smem:$0x3FA2] =	sst s1  }
0xa: {  	[smem:$0x3FA3] =	sst s2  }
0xb: {  	[smem:$0x3FA4] =	sst s3  }
0xc: {  	[smem:$0x3FA5] =	sst s4  }
0xd: {  	[smem:$0x3FA6] =	sst s5  }
0xe: {  	[smem:$0x3FA7] =	sst s6  }
0xf: {  	[smem:$0x3FA8] =	sst s7  }
0x10: {  	[smem:$0x3FA9] =	sst s8  }
0x11: {  	[smem:$0x3FAA] =	sst s9;
	s0 =	simm.s32 @!p0 $0x0  }
0x12: {  	s1 =	sld [smem:$0x3F90];
	s0 =	simm.s32 @p0 $0x1  }
0x13: {  	[smem:$0x3FAB] =	sst s0;
	s0 =	simm.s32 @!p1 $0x0  }
0x14: {  	s2 =	sld [smem:$0x3F8F];
	s0 =	simm.s32 @p1 $0x1  }
0x15: {  	[smem:$0x3FAC] =	sst s0;
	s0 =	simm.s32 @!p2 $0x0  }
0x16: {  	s3 =	sld [smem:$0x3FDB];
	s0 =	simm.s32 @p2 $0x1  }
0x17: {  	s4 =	simm.s32 $0x1BF5;
	[smem:$0x3FAE] =	sst s0  }
0x18: {  	s0 =	sld [smem:$0x3F91];
	_ =	swait.ge [sflag:s4], $0x0  }
0x19: {  	s7 =	sld [smem:$0x3F92]  }
0x1a: {  	s8 =	sadd.s32 $0xFFFFE003, lr  }
0x1b: {  	s9 =	sadd.s32 $0xFFFFFEF7, lr;
	s5 =	simm.s32 $0xFFFFFFFF;
	p2 =	slt.u32 s8, $0xFFFFF086  }
0x1c: {  	p1 =	slt.u32 s9, $0xF7A;
	s5 =	simm.s32 @!p2 $0x0  }
0x1d: {  	s5 =	simm.s32 @p1 $0x1;
	p0 =	seq.s32 s7, s2  }
0x1e: {  	s7 =	smul.u32 @!p0 $0xF7A, s2;
	p2 =	seq.s32 @!p0 s5, $0x0  }
0x1f: {  	s9 =	smul.u32 $0xF7A, s1;
	s8 =	simm.s32 @!p0 $0x1BF5;
	p2 =	por !p2, p0  }
0x20: {  	[sflag:s8] =	ssyncset.s32 @!p0 $0xFFFFF086;
	s6 =	sadd.s32 @!p0 s3, s7;
	s7 =	simm.s32 @!p0 $0x108  }
0x21: {  	s3 =	sadd.s32 s3, s9;
	s6 =	sadd.s32 @!p0 $0x88, s6;
	s7 =	simm.s32 @p2 $0x1082  }
0x22: {  	[simem:s7], [sflag:s8] =	dma.local @!p0 [hbm:s6], $0xF7A  }
0x23: {  	s9 =	sor.u32 $0xD0000000, s2;
	s6 =	simm.s32 $0x108;
	_ =	swait.ge @!p0 [sflag:s8], $0x0  }
0x24: {  	s3 =	sadd.s32 $0x88, s3;
	s6 =	simm.s32 @!p1 $0x1082;
	[sflag:s4] =	ssyncset.s32 $0xFFFFF086  }
0x25: {  	[simem:s6], [sflag:s4] =	dma.local [hbm:s3], $0xF7A  }
0x26: {  	[smem:$0x3F92] =	sst s1;
	(tag) =	ssettag s2;
	_ =	strace s9  }
0x27: {  	s1 =	sld [smem:$0x3FA2]  }
0x28: {  	s2 =	sld [smem:$0x3FA3]  }
0x29: {  	s4 =	sld [smem:$0x3FA5]  }
0x2a: {  	p0 =	seq.s32 s5, $0x0;
	s5 =	sld [smem:$0x3FA6]  }
0x2b: {  	s6 =	sld [smem:$0x3FA7]  }
0x2c: {  	s7 =	sld [smem:$0x3FA8]  }
0x2d: {  	s3 =	simm.s32 $0x108;
	s8 =	sld [smem:$0x3FA9]  }
0x2e: {  	s3 =	simm.s32 @!p0 $0x1082;
	s9 =	sld [smem:$0x3FAA]  }
0x2f: {  	lr =	sadd.s32 s0, s3;
	s0 =	sld [smem:$0x3FA1]  }
0x30: {  	s3 =	sld [smem:$0x3FA4]  }
0x31: {  	[smem:$0x3FAD] =	sst s10  }
0x32: {  	s10 =	sld [smem:$0x3FAB];
	_ =	sdelay $0x3  }
0x33: {  	p0 =	seq.s32 s10, $0x1;
	s10 =	sld [smem:$0x3FAD];
	_ =	sdelay $0x3  }
0x34: {  	[smem:$0x3FAD] =	sst s10  }
0x35: {  	s10 =	sld [smem:$0x3FAC];
	_ =	sdelay $0x3  }
0x36: {  	p1 =	seq.s32 s10, $0x1;
	s10 =	sld [smem:$0x3FAD];
	_ =	sdelay $0x3  }
0x37: {  	[smem:$0x3FAD] =	sst s10  }
0x38: {  	s10 =	sld [smem:$0x3FAE]  }
0x39: {  	_ = 	snop;
	(pc) =	sbr.ind lr, $3  }
0x3a: {  	_ = 	snop  }
0x3b: {  	_ = 	snop  }
0x3c: {  	p2 =	seq.s32 s10, $0x1;
	s10 =	sld [smem:$0x3FAD]  }
0x3d: {  	_ =	shalt  }
0x3e: {  	_ =	shalt  }
0x3f: {  	_ =	shalt  }
0x40: {  	_ =	shalt  }
0x41: {  	_ =	shalt  }
0x42: {  	_ =	shalt  }
0x43: {  	_ =	shalt  }
0x44: {  	_ =	shalt  }
0x45: {  	_ =	shalt  }
0x46: {  	_ =	shalt  }
0x47: {  	_ =	shalt  }
0x48: {  	_ =	shalt  }
0x49: {  	_ =	shalt  }
0x4a: {  	_ =	shalt  }
0x4b: {  	_ =	shalt  }
0x4c: {  	_ =	shalt  }
0x4d: {  	_ =	shalt  }
0x4e: {  	_ =	shalt  }
0x4f: {  	_ =	shalt  }
0x50: {  	_ =	shalt  }
0x51: {  	_ =	shalt  }
0x52: {  	_ =	shalt  }
0x53: {  	_ =	shalt  }
0x54: {  	_ =	shalt  }
0x55: {  	_ =	shalt  }
0x56: {  	_ =	shalt  }
0x57: {  	_ =	shalt  }
0x58: {  	_ =	shalt  }
0x59: {  	_ =	shalt  }
0x5a: {  	_ =	shalt  }
0x5b: {  	_ =	shalt  }
0x5c: {  	_ =	shalt  }
0x5d: {  	_ =	shalt  }
0x5e: {  	_ =	shalt  }
0x5f: {  	_ =	shalt  }
0x60: {  	_ =	shalt  }
0x61: {  	_ =	shalt  }
0x62: {  	_ =	shalt  }
0x63: {  	_ =	shalt  }
0x64: {  	_ =	shalt  }
0x65: {  	_ =	shalt  }
0x66: {  	_ =	shalt  }
0x67: {  	_ =	shalt  }
0x68: {  	_ =	shalt  }
0x69: {  	_ =	shalt  }
0x6a: {  	_ =	shalt  }
0x6b: {  	_ =	shalt  }
0x6c: {  	_ =	shalt  }
0x6d: {  	_ =	shalt  }
0x6e: {  	_ =	shalt  }
0x6f: {  	_ =	shalt  }
0x70: {  	_ =	shalt  }
0x71: {  	_ =	shalt  }
0x72: {  	_ =	shalt  }
0x73: {  	_ =	shalt  }
0x74: {  	_ =	shalt  }
0x75: {  	_ =	shalt  }
0x76: {  	_ =	shalt  }
0x77: {  	_ =	shalt  }
0x78: {  	_ =	shalt  }
0x79: {  	_ =	shalt  }
0x7a: {  	_ =	shalt  }
0x7b: {  	_ =	shalt  }
0x7c: {  	_ =	shalt  }
0x7d: {  	_ =	shalt  }
0x7e: {  	_ =	shalt  }
0x7f: {  	_ =	shalt  }
0x80: {  	_ =	shalt  }
0x81: {  	_ =	shalt  }
0x82: {  	_ =	shalt  }
0x83: {  	_ =	shalt  }
0x84: {  	_ =	shalt  }
0x85: {  	_ =	shalt  }
0x86: {  	_ =	shalt  }
0x87: {  	_ =	shalt  }
.Lfunc_end0:
.L_simem_size_0:
called_computation.2_lowered:
.L_overlay_start_0:
0x88: {  	s2 =	sld [smem:$0x3FD9]  }
0x89: {  	s3 =	sld [smem:$0x3FFE];
	_ =	sdelay $0x1  }
0x8a: {  	s1 =	srdreg.scid  }
0x8b: {  	s0 =	sand.u32 $0x1, s1  }
0x8c: {  	s17 =	sshll.u32 s0, $0xA;
	s2 =	sadd.s32 s3, s2  }
0x8d: {  	s2 =	sadd.s32 s2, s17  }
0x8e: {  	[smem:$0x3FB9] =	sst s2  }
0x8f: {  	_ = 	snop  }
0x90: {  	s2 =	sld [smem:$0x3FD0];
	(tm) =	ssettm $0x1  }
0x91: {  	s18 =	sld [smem:$0x3FFB];
	_ =	sdelay $0x3  }
0x92: {  	_ =	strace s18  }
0x93: {  	s3 =	sld [smem:$0x3FFC];
	_ =	sdelay $0x3  }
0x94: {  	_ =	strace s3  }
0x95: {  	s3 =	sld [smem:$0x3FFD];
	_ =	sdelay $0x3  }
0x96: {  	_ =	strace s3  }
0x97: {  	_ =	strace $0x8FFFFFFF  }
0x98: {  	s19 =	sld [smem:$0x3FDB];
	_ =	sdelay $0x1  }
0x99: {  	s4 =	simm.s32 $_scs_section_size  }
0x9a: {  	s5 =	simm.s32 $_size__tile_overlayer_lowered;
	s6 =	simm.s32 $_tile_overlayer_lowered  }
0x9b: {  	s22 =	simm.s32 $0x1BFF;
	s21 =	sshll.u32 s6, $0x1;
	s3 =	sadd.s32 s4, s19  }
0x9c: {  	s7 =	simm.s32 $0x0;
	s20 =	sshll.u32 s5, $0x1;
	s5 =	sadd.s32 s21, s3  }
0x9d: {  	[timem:s7], [sflag:s22] =	dma.local [hbm:s5], s20  }
0x9e: {  	_ =	swait.ge [sflag:s22], s20  }
0x9f: {  	s4 =	ssub.s32 $0x0, s20;
	[sflag:s22] =	ssyncset.done $0x0  }
0xa0: {  	[sflag:s22] =	ssyncadd.s32 s4;
	_ =	sdelay $0x1  }
0xa1: {  	s23 =	simm.s32 $0x1B8B  }
0xa2: {  	_ =	swait.ge [sflag:s23], $0x1  }
0xa3: {  	[sflag:s23] =	ssyncset.done $0x0  }
0xa4: {  	s25 =	simm.s32 $0x1B8E;
	s24 =	sld [smem:$0x3FFE];
	[sflag:s23] =	ssyncadd.s32 $0xFFFFFFFF  }
0xa5: {  	s26 =	simm.s32 $execute0_lowered;
	[smem:$0x3FD2] =	sst s25  }
0xa6: {  	s5 =	sshll.u32 s26, $0x1;
	_ =	strace $0x8000004C;
	[dreg:$0x1] =	wrdreg $0xFFFFFFFF  }
0xa7: {  	s28 =	simm.s32 $_size_execute0_lowered;
	s3 =	sadd.s32 s3, s5;
	[dreg:$0x0] =	wrdreg $0x0  }
0xa8: {  	s5 =	sshll.u32 s28, $0x1;
	[dreg:$0x2] =	wrdreg s3  }
0xa9: {  	[dreg:$0x3] =	wrdreg s5  }
0xaa: {  	[dreg:$0x4] =	wrdreg $0xC0  }
0xab: {  	_ =	task [dreg:s7], $0x5FFFF  }
0xac: {  	[dreg:$0x1] =	wrdreg $0xFFFFFFFF  }
0xad: {  	[dreg:$0x0] =	wrdreg $0x60  }
0xae: {  	[dreg:$0x2] =	wrdreg s2  }
0xaf: {  	[dreg:$0x3] =	wrdreg s24  }
0xb0: {  	[dreg:$0x4] =	wrdreg $0x88000  }
0xb1: {  	[dreg:$0x5] =	wrdreg $0x9  }
0xb2: {  	_ =	task.clear_ibuf [dreg:s7], $0x6FFFF;
	_ =	strace $0x9000004C  }
0xb3: {  	s29 =	simm.s32 $0x9;
	_ =	strace $0x8000004E  }
0xb4: {  	_ =	swait.ge [sflag:s29], $0x1  }
0xb5: {  	[sflag:s29] =	ssyncadd.s32 $0xFFFFFFFF  }
0xb6: {  	_ =	strace $0x9000004E  }
0xb7: {  	_ =	sfence  }
0xb8: {  	s30 =	sld [smem:$0x0];
	_ =	sdelay $0x2  }
0xb9: {  	s31 =	sshll.u32 s1, $0xD;
	s1 =	sshrl.u32 s1, $0x2  }
0xba: {  	s3 =	sand.u32 $0x4000, s31;
	s1 =	sadd.s32 s1, s30  }
0xbb: {  	s0 =	sor.u32 s3, s0;
	s1 =	sshll.u32 s1, $0x11  }
0xbc: {  	s0 =	sor.u32 s1, s0  }
0xbd: {  	s0 =	sadd.s32 $0x8F2B, s0  }
0xbe: {  	[sflag:s0] =	ssyncadd.remote.s32 $0x1  }
0xbf: {  	_ =	sfence.sel $0xFFFF  }
0xc0: {  	[dreg:$0x0] =	wrdreg $0xFFFFFFFF;
	(pc) =	sbr.abs _section_cstart, $3  }
0xc1: {  	[dreg:$0x1] =	wrdreg $0xFFFFFFFF  }
0xc2: {  	_ =	task.clear_ibuf [dreg:s7], $0x2FFFF;
	_ =	strace $0x9FFFFFFF  }
0xc3: {  	(tm) =	ssettm $0x7FFFFFFF  }
tec
execute0_lowered:
.L_overlay_start_1:
0x0: {  	(tag) =	ssettag $0x1  }
0x1: {  	s1 =	rddreg [dreg:$0x0]  }
0x2: {  	s0 =	rddreg [dreg:$0x1]  }
0x3: {  	s3 =	rddreg [dreg:$0x2]  }
0x4: {  	s2 =	srdreg.scid;
	s11 =	stileid.u32  }
0x5: {  	s4 =	simm.s32 $0x0;
	s12 =	simm.s32 $0x80;
	s13 =	simm.s32 $0x800  }
0x6: {  	s14 =	simm.s32 $0x100;
	s15 =	simm.s32 $0x4800;
	s16 =	simm.s32 $0x1  }
0x7: {  	s17 =	simm.s32 $0x3;
	s18 =	simm.s32 $0x200;
	s19 =	simm.s32 $0x2  }
0x8: {  	s28 =	simm.s32 $0x500;
	s29 =	simm.s32 $0x480;
	s5 =	smul.u32 $0x27100, s11  }
0x9: {  	s30 =	simm.s32 $0x600;
	s31 =	simm.s32 $0x580;
	s9 =	smul.u32 $0x13880, s11  }
0xa: {  	s2 =	sand.u32 $0x1, s2;
	[smem:$0x7FF] =	sst s4;
	s21 =	smul.u32 $0x4E200, s11  }
0xb: {  	s23 =	smul.u32 $0xA00, s11;
	s24 =	sshll.u32 s11, $0x6;
	s11 =	simm.s32 $0x5  }
0xc: {  	s6 =	smul.u32 $0xA000, s2;
	s7 =	sshll.u32 s2, $0x7;
	_ =	strace $0x8000004D  }
0xd: {  	s20 =	ssub.s32 $0x2, s2;
	p0 =	seq.s32 s2, $0x1;
	s5 =	sor.u32 s7, s5  }
0xe: {  	s8 =	sshrl.u32 s20, $0x1;
	s10 =	sadd.s32 s9, s3;
	s22 =	sshrl.u32 s9, $0x3  }
0xf: {  	s2 =	sshrl.u32 s21, $0x2;
	s21 =	simm.s32 $0x4;
	s6 =	sadd.s32 s6, s0  }
0x10: {  	s5 =	sshrl.u32 s5, $0x3;
	s7 =	ssub.s32 s20, s8;
	s2 =	sadd.s32 s2, s3  }
0x11: {  	s8 =	sor.u32 $0x1C05, s24;
	s25 =	sshrl.u32 s10, $0x3;
	s20 =	simm.s32 $0x180  }
0x12: {  	s24 =	simm.s32 $0x400;
	s5 =	sadd.s32 s5, s0;
	s7 =	smax.u32 s7, $0x1  }
0x13: {  	s6 =	sadd.s32 s23, s6;
	[dreg:$0x8] =	wrdreg s25;
	s23 =	simm.s32 $0x280  }
0x14: {  	s26 =	sshrl.u32 s2, $0x3;
	[dreg:$0x7] =	wrdreg s8;
	s5 =	sadd.s32 $0x75400, s5  }
0x15: {  	s2 =	simm.s32 $0x680;
	[dreg:$0x4] =	wrdreg s5;
	s5 =	simm.s32 $0x2B600  }
0x16: {  	[dreg:$0x5] =	wrdreg s7;
	s9 =	sadd.s32 $0x61400, s6;
	s5 =	simm.s32 @!p0 $0x4400  }
0x17: {  	[dreg:$0x9] =	wrdreg s26;
	s26 =	simm.s32 $0x380;
	s0 =	sadd.s32 s5, s0  }
0x18: {  	s6 =	simm.s32 $0x0;
	s5 =	simm.s32 $0x780;
	s0 =	sadd.s32 s0, s22  }
0x19: {  	s22 =	simm.s32 $0x300;
	[dreg:$0x6] =	wrdreg s0;
	s0 =	simm.s32 $0x700  }
.LBB2_1:
0x1a: {  	[dreg:$0xa] =	wrdreg s6  }
0x1b: {  	s7 =	rddreg [dreg:$0x6]  }
0x1c: {  	s10 =	rddreg [dreg:$0x8]  }
0x1d: {  	[spmem:s10], [sflag:s8] =	dma.local [hbm:s7], $0x2710  }
0x1e: {  	_ =	swait.ge [sflag:s11], $0x2710  }
0x1f: {  	[sflag:s11] =	ssyncset.done $0x0  }
0x20: {  	[sflag:s11] =	ssyncadd.s32 $0xFFFFD8F0  }
0x21: {  	s25 =	sadd.s32 $0x0, s9;
	[bflag:$0x0] =	sbarrier.arrive $0xFFFF  }
0x22: {  	[tilespmem:s4], [sflag:$0x5] =	stream.linear.gather [hbm4b:s25+s4], $0x800, $0x38;
	[tilespmem:$0x1C100] =	vst v63  }
0x23: {  	_ =	swait.ge [sflag:s11], $0x800  }
0x24: {  	[sflag:s11] =	ssyncset.done $0x0  }
0x25: {  	[sflag:s11] =	ssyncadd.s32 $0xFFFFF800  }
0x26: {  	[tilespmem:s13], [sflag:$0x1] =	stream.indirect.gather [hbm4b:s1+s12], $0x80, s4, s12, $0xb8;
	[tilespmem:$0x1C100] =	vst v63  }
0x27: {  	_ = 	snop  }
0x28: {  	[tilespmem:s15], [sflag:$0x2] =	stream.indirect.gather [hbm4b:s1+s12], $0x80, s14, s12, $0xb8;
	[tilespmem:$0x1C100] =	vst v63  }
0x29: {  	_ =	swait.ge [sflag:s16], $0x4000  }
0x2a: {  	[sflag:s16] =	ssyncset.done $0x0  }
0x2b: {  	[sflag:s16] =	ssyncadd.s32 $0xFFFFC000  }
0x2c: {  	[spmem:s3] =	stream.indirect.scatter.add.f32 [tilespmem:s13], [sflag:$0x3], $0x80, s12, s12, $0xb8;
	[tilespmem:$0x1C100] =	vst v63  }
0x2d: {  	_ =	swait.ge [sflag:s17], $0x4000  }
0x2e: {  	[sflag:s17] =	ssyncset.done $0x0  }
0x2f: {  	[sflag:s17] =	ssyncadd.s32 $0xFFFFC000  }
0x30: {  	[tilespmem:s13], [sflag:$0x1] =	stream.indirect.gather [hbm4b:s1+s12], $0x80, s18, s12, $0xb8;
	[tilespmem:$0x1C100] =	vst v63  }
0x31: {  	_ =	swait.ge [sflag:s19], $0x4000  }
0x32: {  	[sflag:s19] =	ssyncset.done $0x0  }
0x33: {  	[sflag:s19] =	ssyncadd.s32 $0xFFFFC000  }
0x34: {  	[spmem:s3] =	stream.indirect.scatter.add.f32 [tilespmem:s15], [sflag:$0x4], $0x80, s20, s12, $0xb8;
	[tilespmem:$0x1C100] =	vst v63  }
0x35: {  	_ =	swait.ge [sflag:s21], $0x4000  }
0x36: {  	[sflag:s21] =	ssyncset.done $0x0  }
0x37: {  	[sflag:s21] =	ssyncadd.s32 $0xFFFFC000  }
0x38: {  	[tilespmem:s15], [sflag:$0x2] =	stream.indirect.gather [hbm4b:s1+s12], $0x80, s22, s12, $0xb8;
	[tilespmem:$0x1C100] =	vst v63  }
0x39: {  	_ =	swait.ge [sflag:s16], $0x4000  }
0x3a: {  	[sflag:s16] =	ssyncset.done $0x0  }
0x3b: {  	[sflag:s16] =	ssyncadd.s32 $0xFFFFC000  }
0x3c: {  	[spmem:s3] =	stream.indirect.scatter.add.f32 [tilespmem:s13], [sflag:$0x3], $0x80, s23, s12, $0xb8;
	[tilespmem:$0x1C100] =	vst v63  }
0x3d: {  	_ =	swait.ge [sflag:s17], $0x4000  }
0x3e: {  	[sflag:s17] =	ssyncset.done $0x0  }
0x3f: {  	[sflag:s17] =	ssyncadd.s32 $0xFFFFC000  }
0x40: {  	[tilespmem:s13], [sflag:$0x1] =	stream.indirect.gather [hbm4b:s1+s12], $0x80, s24, s12, $0xb8;
	[tilespmem:$0x1C100] =	vst v63  }
0x41: {  	_ =	swait.ge [sflag:s19], $0x4000  }
0x42: {  	[sflag:s19] =	ssyncset.done $0x0  }
0x43: {  	[sflag:s19] =	ssyncadd.s32 $0xFFFFC000  }
0x44: {  	[spmem:s3] =	stream.indirect.scatter.add.f32 [tilespmem:s15], [sflag:$0x4], $0x80, s26, s12, $0xb8;
	[tilespmem:$0x1C100] =	vst v63  }
0x45: {  	_ =	swait.ge [sflag:s21], $0x4000  }
0x46: {  	[sflag:s21] =	ssyncset.done $0x0  }
0x47: {  	[sflag:s21] =	ssyncadd.s32 $0xFFFFC000  }
0x48: {  	[tilespmem:s15], [sflag:$0x2] =	stream.indirect.gather [hbm4b:s1+s12], $0x80, s28, s12, $0xb8;
	[tilespmem:$0x1C100] =	vst v63  }
0x49: {  	_ =	swait.ge [sflag:s16], $0x4000  }
0x4a: {  	[sflag:s16] =	ssyncset.done $0x0  }
0x4b: {  	[sflag:s16] =	ssyncadd.s32 $0xFFFFC000  }
0x4c: {  	[spmem:s3] =	stream.indirect.scatter.add.f32 [tilespmem:s13], [sflag:$0x3], $0x80, s29, s12, $0xb8;
	[tilespmem:$0x1C100] =	vst v63  }
0x4d: {  	_ =	swait.ge [sflag:s17], $0x4000  }
0x4e: {  	[sflag:s17] =	ssyncset.done $0x0  }
0x4f: {  	[sflag:s17] =	ssyncadd.s32 $0xFFFFC000  }
0x50: {  	[tilespmem:s13], [sflag:$0x1] =	stream.indirect.gather [hbm4b:s1+s12], $0x80, s30, s12, $0xb8;
	[tilespmem:$0x1C100] =	vst v63  }
0x51: {  	_ =	swait.ge [sflag:s19], $0x4000  }
0x52: {  	[sflag:s19] =	ssyncset.done $0x0  }
0x53: {  	[sflag:s19] =	ssyncadd.s32 $0xFFFFC000  }
0x54: {  	[spmem:s3] =	stream.indirect.scatter.add.f32 [tilespmem:s15], [sflag:$0x4], $0x80, s31, s12, $0xb8;
	[tilespmem:$0x1C100] =	vst v63  }
0x55: {  	_ =	swait.ge [sflag:s21], $0x4000  }
0x56: {  	[sflag:s21] =	ssyncset.done $0x0  }
0x57: {  	[sflag:s21] =	ssyncadd.s32 $0xFFFFC000  }
0x58: {  	[tilespmem:s15], [sflag:$0x2] =	stream.indirect.gather [hbm4b:s1+s12], $0x80, s0, s12, $0xb8;
	[tilespmem:$0x1C100] =	vst v63  }
0x59: {  	_ =	swait.ge [sflag:s16], $0x4000  }
0x5a: {  	[sflag:s16] =	ssyncset.done $0x0  }
0x5b: {  	[sflag:s16] =	ssyncadd.s32 $0xFFFFC000  }
0x5c: {  	[spmem:s3] =	stream.indirect.scatter.add.f32 [tilespmem:s13], [sflag:$0x3], $0x80, s2, s12, $0xb8;
	[tilespmem:$0x1C100] =	vst v63  }
0x5d: {  	_ =	swait.ge [sflag:s17], $0x4000  }
0x5e: {  	[sflag:s17] =	ssyncset.done $0x0  }
0x5f: {  	[sflag:s17] =	ssyncadd.s32 $0xFFFFC000  }
0x60: {  	_ =	swait.ge [sflag:s19], $0x4000  }
0x61: {  	[sflag:s19] =	ssyncset.done $0x0  }
0x62: {  	[sflag:s19] =	ssyncadd.s32 $0xFFFFC000  }
0x63: {  	[spmem:s3] =	stream.indirect.scatter.add.f32 [tilespmem:s15], [sflag:$0x4], $0x80, s5, s12, $0xb8;
	[tilespmem:$0x1C100] =	vst v63  }
0x64: {  	_ =	swait.ge [sflag:s21], $0x4000  }
0x65: {  	s7 =	simm.s32 $0x100;
	s10 =	simm.s32 $0x200;
	[sflag:s21] =	ssyncset.done $0x0  }
.LBB2_2:
0x66: {  	s8 =	sadd.s32 s7, s9  }
0x67: {  	[sflag:s21] =	ssyncadd.s32 $0xFFFFC000;
	s7 =	smov.u32 s10;
	s25 =	sadd.s32 $0x100, s10  }
0x68: {  	[tilespmem:s4], [sflag:$0x5] =	stream.linear.gather [hbm4b:s8+s4], $0x800, $0x38;
	[tilespmem:$0x1C100] =	vst v63  }
0x69: {  	p0 =	sne.s32 s10, $0x900;
	_ =	swait.ge [sflag:s11], $0x800  }
0x6a: {  	[sflag:s11] =	ssyncset.done $0x0  }
0x6b: {  	[sflag:s11] =	ssyncadd.s32 $0xFFFFF800  }
0x6c: {  	[tilespmem:s13], [sflag:$0x1] =	stream.indirect.gather [hbm4b:s1+s12], $0x80, s4, s12, $0xb8;
	[tilespmem:$0x1C100] =	vst v63  }
0x6d: {  	_ = 	snop  }
0x6e: {  	[tilespmem:s15], [sflag:$0x2] =	stream.indirect.gather [hbm4b:s1+s12], $0x80, s14, s12, $0xb8;
	[tilespmem:$0x1C100] =	vst v63  }
0x6f: {  	_ =	swait.ge [sflag:s16], $0x4000  }
0x70: {  	[sflag:s16] =	ssyncset.done $0x0  }
0x71: {  	[sflag:s16] =	ssyncadd.s32 $0xFFFFC000  }
0x72: {  	[spmem:s3] =	stream.indirect.scatter.add.f32 [tilespmem:s13], [sflag:$0x3], $0x80, s12, s12, $0xb8;
	[tilespmem:$0x1C100] =	vst v63  }
0x73: {  	_ =	swait.ge [sflag:s17], $0x4000  }
0x74: {  	[sflag:s17] =	ssyncset.done $0x0  }
0x75: {  	[sflag:s17] =	ssyncadd.s32 $0xFFFFC000  }
0x76: {  	[tilespmem:s13], [sflag:$0x1] =	stream.indirect.gather [hbm4b:s1+s12], $0x80, s18, s12, $0xb8;
	[tilespmem:$0x1C100] =	vst v63  }
0x77: {  	_ =	swait.ge [sflag:s19], $0x4000  }
0x78: {  	[sflag:s19] =	ssyncset.done $0x0  }
0x79: {  	[sflag:s19] =	ssyncadd.s32 $0xFFFFC000  }
0x7a: {  	[spmem:s3] =	stream.indirect.scatter.add.f32 [tilespmem:s15], [sflag:$0x4], $0x80, s20, s12, $0xb8;
	[tilespmem:$0x1C100] =	vst v63  }
0x7b: {  	_ =	swait.ge [sflag:s21], $0x4000  }
0x7c: {  	[sflag:s21] =	ssyncset.done $0x0  }
0x7d: {  	[sflag:s21] =	ssyncadd.s32 $0xFFFFC000  }
0x7e: {  	[tilespmem:s15], [sflag:$0x2] =	stream.indirect.gather [hbm4b:s1+s12], $0x80, s22, s12, $0xb8;
	[tilespmem:$0x1C100] =	vst v63  }
0x7f: {  	_ =	swait.ge [sflag:s16], $0x4000  }
0x80: {  	[sflag:s16] =	ssyncset.done $0x0  }
0x81: {  	[sflag:s16] =	ssyncadd.s32 $0xFFFFC000  }
0x82: {  	[spmem:s3] =	stream.indirect.scatter.add.f32 [tilespmem:s13], [sflag:$0x3], $0x80, s23, s12, $0xb8;
	[tilespmem:$0x1C100] =	vst v63  }
0x83: {  	_ =	swait.ge [sflag:s17], $0x4000  }
0x84: {  	[sflag:s17] =	ssyncset.done $0x0  }
0x85: {  	[sflag:s17] =	ssyncadd.s32 $0xFFFFC000  }
0x86: {  	[tilespmem:s13], [sflag:$0x1] =	stream.indirect.gather [hbm4b:s1+s12], $0x80, s24, s12, $0xb8;
	[tilespmem:$0x1C100] =	vst v63  }
0x87: {  	_ =	swait.ge [sflag:s19], $0x4000  }
0x88: {  	[sflag:s19] =	ssyncset.done $0x0  }
0x89: {  	[sflag:s19] =	ssyncadd.s32 $0xFFFFC000  }
0x8a: {  	[spmem:s3] =	stream.indirect.scatter.add.f32 [tilespmem:s15], [sflag:$0x4], $0x80, s26, s12, $0xb8;
	[tilespmem:$0x1C100] =	vst v63  }
0x8b: {  	_ =	swait.ge [sflag:s21], $0x4000  }
0x8c: {  	[sflag:s21] =	ssyncset.done $0x0  }
0x8d: {  	[sflag:s21] =	ssyncadd.s32 $0xFFFFC000  }
0x8e: {  	[tilespmem:s15], [sflag:$0x2] =	stream.indirect.gather [hbm4b:s1+s12], $0x80, s28, s12, $0xb8;
	[tilespmem:$0x1C100] =	vst v63  }
0x8f: {  	_ =	swait.ge [sflag:s16], $0x4000  }
0x90: {  	[sflag:s16] =	ssyncset.done $0x0  }
0x91: {  	[sflag:s16] =	ssyncadd.s32 $0xFFFFC000  }
0x92: {  	[spmem:s3] =	stream.indirect.scatter.add.f32 [tilespmem:s13], [sflag:$0x3], $0x80, s29, s12, $0xb8;
	[tilespmem:$0x1C100] =	vst v63  }
0x93: {  	_ =	swait.ge [sflag:s17], $0x4000  }
0x94: {  	[sflag:s17] =	ssyncset.done $0x0  }
0x95: {  	[sflag:s17] =	ssyncadd.s32 $0xFFFFC000  }
0x96: {  	[tilespmem:s13], [sflag:$0x1] =	stream.indirect.gather [hbm4b:s1+s12], $0x80, s30, s12, $0xb8;
	[tilespmem:$0x1C100] =	vst v63  }
0x97: {  	_ =	swait.ge [sflag:s19], $0x4000  }
0x98: {  	[sflag:s19] =	ssyncset.done $0x0  }
0x99: {  	[sflag:s19] =	ssyncadd.s32 $0xFFFFC000  }
0x9a: {  	[spmem:s3] =	stream.indirect.scatter.add.f32 [tilespmem:s15], [sflag:$0x4], $0x80, s31, s12, $0xb8;
	[tilespmem:$0x1C100] =	vst v63  }
0x9b: {  	_ =	swait.ge [sflag:s21], $0x4000  }
0x9c: {  	[sflag:s21] =	ssyncset.done $0x0  }
0x9d: {  	[sflag:s21] =	ssyncadd.s32 $0xFFFFC000  }
0x9e: {  	[tilespmem:s15], [sflag:$0x2] =	stream.indirect.gather [hbm4b:s1+s12], $0x80, s0, s12, $0xb8;
	[tilespmem:$0x1C100] =	vst v63  }
0x9f: {  	_ =	swait.ge [sflag:s16], $0x4000  }
0xa0: {  	[sflag:s16] =	ssyncset.done $0x0  }
0xa1: {  	[sflag:s16] =	ssyncadd.s32 $0xFFFFC000  }
0xa2: {  	[spmem:s3] =	stream.indirect.scatter.add.f32 [tilespmem:s13], [sflag:$0x3], $0x80, s2, s12, $0xb8;
	[tilespmem:$0x1C100] =	vst v63  }
0xa3: {  	_ =	swait.ge [sflag:s17], $0x4000  }
0xa4: {  	[sflag:s17] =	ssyncset.done $0x0  }
0xa5: {  	[sflag:s17] =	ssyncadd.s32 $0xFFFFC000  }
0xa6: {  	_ =	swait.ge [sflag:s19], $0x4000  }
.Ltmp0:
0xa7: {  	[sflag:s19] =	ssyncset.done $0x0;
	(pc) =	sbr.rel @p0 .LBB2_2-.Ltmp0, $4  }
0xa8: {  	[sflag:s19] =	ssyncadd.s32 $0xFFFFC000  }
0xa9: {  	[spmem:s3] =	stream.indirect.scatter.add.f32 [tilespmem:s15], [sflag:$0x4], $0x80, s5, s12, $0xb8;
	[tilespmem:$0x1C100] =	vst v63  }
0xaa: {  	_ =	swait.ge [sflag:s21], $0x4000  }
0xab: {  	s10 =	smov.u32 s25;
	[sflag:s21] =	ssyncset.done $0x0  }
0xac: {  	s7 =	sadd.s32 s7, s9;
	[sflag:s21] =	ssyncadd.s32 $0xFFFFC000  }
0xad: {  	[tilespmem:s4], [sflag:$0x5] =	stream.linear.gather [hbm4b:s7+s4], $0x800, $0x38;
	[tilespmem:$0x1C100] =	vst v63  }
0xae: {  	_ =	swait.ge [sflag:s11], $0x800  }
0xaf: {  	[sflag:s11] =	ssyncset.done $0x0  }
0xb0: {  	[sflag:s11] =	ssyncadd.s32 $0xFFFFF800  }
0xb1: {  	[tilespmem:s13], [sflag:$0x1] =	stream.indirect.gather [hbm4b:s1+s12], $0x80, s4, s12, $0xb8;
	[tilespmem:$0x1C100] =	vst v63  }
0xb2: {  	_ = 	snop  }
0xb3: {  	[tilespmem:s15], [sflag:$0x2] =	stream.indirect.gather [hbm4b:s1+s12], $0x80, s14, s12, $0xb8;
	[tilespmem:$0x1C100] =	vst v63  }
0xb4: {  	_ =	swait.ge [sflag:s16], $0x4000  }
0xb5: {  	[sflag:s16] =	ssyncset.done $0x0  }
0xb6: {  	[sflag:s16] =	ssyncadd.s32 $0xFFFFC000  }
0xb7: {  	[spmem:s3] =	stream.indirect.scatter.add.f32 [tilespmem:s13], [sflag:$0x3], $0x80, s12, s12, $0xb8;
	[tilespmem:$0x1C100] =	vst v63  }
0xb8: {  	_ =	swait.ge [sflag:s17], $0x4000  }
0xb9: {  	[sflag:s17] =	ssyncset.done $0x0  }
0xba: {  	[sflag:s17] =	ssyncadd.s32 $0xFFFFC000  }
0xbb: {  	[tilespmem:s13], [sflag:$0x1] =	stream.indirect.gather [hbm4b:s1+s12], $0x80, s18, s12, $0xb8;
	[tilespmem:$0x1C100] =	vst v63  }
0xbc: {  	_ =	swait.ge [sflag:s19], $0x4000  }
0xbd: {  	[sflag:s19] =	ssyncset.done $0x0  }
0xbe: {  	[sflag:s19] =	ssyncadd.s32 $0xFFFFC000  }
0xbf: {  	[spmem:s3] =	stream.indirect.scatter.add.f32 [tilespmem:s15], [sflag:$0x4], $0x80, s20, s12, $0xb8;
	[tilespmem:$0x1C100] =	vst v63  }
0xc0: {  	_ =	swait.ge [sflag:s21], $0x4000  }
0xc1: {  	[sflag:s21] =	ssyncset.done $0x0  }
0xc2: {  	[sflag:s21] =	ssyncadd.s32 $0xFFFFC000  }
0xc3: {  	[tilespmem:s15], [sflag:$0x2] =	stream.indirect.gather [hbm4b:s1+s12], $0x80, s22, s12, $0xb8;
	[tilespmem:$0x1C100] =	vst v63  }
0xc4: {  	_ =	swait.ge [sflag:s16], $0x4000  }
0xc5: {  	[sflag:s16] =	ssyncset.done $0x0  }
0xc6: {  	[sflag:s16] =	ssyncadd.s32 $0xFFFFC000  }
0xc7: {  	[spmem:s3] =	stream.indirect.scatter.add.f32 [tilespmem:s13], [sflag:$0x3], $0x80, s23, s12, $0xb8;
	[tilespmem:$0x1C100] =	vst v63  }
0xc8: {  	_ =	swait.ge [sflag:s17], $0x4000  }
0xc9: {  	[sflag:s17] =	ssyncset.done $0x0  }
0xca: {  	[sflag:s17] =	ssyncadd.s32 $0xFFFFC000  }
0xcb: {  	[tilespmem:s13], [sflag:$0x1] =	stream.indirect.gather [hbm4b:s1+s12], $0x80, s24, s12, $0xb8;
	[tilespmem:$0x1C100] =	vst v63  }
0xcc: {  	_ =	swait.ge [sflag:s19], $0x4000  }
0xcd: {  	[sflag:s19] =	ssyncset.done $0x0  }
0xce: {  	[sflag:s19] =	ssyncadd.s32 $0xFFFFC000  }
0xcf: {  	[spmem:s3] =	stream.indirect.scatter.add.f32 [tilespmem:s15], [sflag:$0x4], $0x80, s26, s12, $0xb8;
	[tilespmem:$0x1C100] =	vst v63  }
0xd0: {  	_ =	swait.ge [sflag:s21], $0x4000  }
0xd1: {  	[sflag:s21] =	ssyncset.done $0x0  }
0xd2: {  	[sflag:s21] =	ssyncadd.s32 $0xFFFFC000  }
0xd3: {  	[tilespmem:s15], [sflag:$0x2] =	stream.indirect.gather [hbm4b:s1+s12], $0x80, s28, s12, $0xb8;
	[tilespmem:$0x1C100] =	vst v63  }
0xd4: {  	_ =	swait.ge [sflag:s16], $0x4000  }
0xd5: {  	[sflag:s16] =	ssyncset.done $0x0  }
0xd6: {  	[sflag:s16] =	ssyncadd.s32 $0xFFFFC000  }
0xd7: {  	[spmem:s3] =	stream.indirect.scatter.add.f32 [tilespmem:s13], [sflag:$0x3], $0x80, s29, s12, $0xb8;
	[tilespmem:$0x1C100] =	vst v63  }
0xd8: {  	_ =	swait.ge [sflag:s17], $0x4000  }
0xd9: {  	[sflag:s17] =	ssyncset.done $0x0  }
0xda: {  	[sflag:s17] =	ssyncadd.s32 $0xFFFFC000  }
0xdb: {  	[tilespmem:s13], [sflag:$0x1] =	stream.indirect.gather [hbm4b:s1+s12], $0x80, s30, s12, $0xb8;
	[tilespmem:$0x1C100] =	vst v63  }
0xdc: {  	_ =	swait.ge [sflag:s19], $0x4000  }
0xdd: {  	[sflag:s19] =	ssyncset.done $0x0  }
0xde: {  	[sflag:s19] =	ssyncadd.s32 $0xFFFFC000  }
0xdf: {  	[spmem:s3] =	stream.indirect.scatter.add.f32 [tilespmem:s15], [sflag:$0x4], $0x80, s31, s12, $0xb8;
	[tilespmem:$0x1C100] =	vst v63  }
0xe0: {  	_ =	swait.ge [sflag:s21], $0x4000  }
0xe1: {  	[sflag:s21] =	ssyncset.done $0x0  }
0xe2: {  	[sflag:s21] =	ssyncadd.s32 $0xFFFFC000  }
0xe3: {  	[tilespmem:s15], [sflag:$0x2] =	stream.indirect.gather [hbm4b:s1+s12], $0x80, s0, s12, $0xb8;
	[tilespmem:$0x1C100] =	vst v63  }
0xe4: {  	_ =	swait.ge [sflag:s16], $0x4000  }
0xe5: {  	[sflag:s16] =	ssyncset.done $0x0  }
0xe6: {  	[sflag:s16] =	ssyncadd.s32 $0xFFFFC000  }
0xe7: {  	[spmem:s3] =	stream.indirect.scatter.add.f32 [tilespmem:s13], [sflag:$0x3], $0x80, s2, s12, $0xb8;
	[tilespmem:$0x1C100] =	vst v63  }
0xe8: {  	_ =	swait.ge [sflag:s17], $0x4000  }
0xe9: {  	[sflag:s17] =	ssyncset.done $0x0  }
0xea: {  	[sflag:s17] =	ssyncadd.s32 $0xFFFFC000  }
0xeb: {  	_ =	swait.ge [sflag:s19], $0x4000  }
0xec: {  	[sflag:s19] =	ssyncset.done $0x0  }
0xed: {  	[sflag:s19] =	ssyncadd.s32 $0xFFFFC000  }
0xee: {  	[spmem:s3] =	stream.indirect.scatter.add.f32 [tilespmem:s15], [sflag:$0x4], $0x80, s5, s12, $0xb8;
	[tilespmem:$0x1C100] =	vst v63  }
0xef: {  	_ =	swait.ge [sflag:s21], $0x4000  }
0xf0: {  	[sflag:s21] =	ssyncset.done $0x0  }
0xf1: {  	[sflag:s21] =	ssyncadd.s32 $0xFFFFC000  }
0xf2: {  	[bflag:$0x0] =	sbarrier.arrive $0xFFFF  }
0xf3: {  	s7 =	rddreg [dreg:$0x4]  }
0xf4: {  	s8 =	rddreg [dreg:$0x7]  }
0xf5: {  	s25 =	simm.s32 $0x20;
	s6 =	simm.s32 $0x10;
	s10 =	rddreg [dreg:$0x9]  }
0xf6: {  	[hbm:s7@s25], [sflag:s8] =	dma.strided [spmem:s10@s6], $0x2710, s16, $0x10   }
0xf7: {  	_ =	swait.ge [sflag:s11], $0x2710  }
0xf8: {  	s10 =	rddreg [dreg:$0xa]  }
0xf9: {  	s25 =	rddreg [dreg:$0x5];
	s6 =	sadd.s32 $0x1, s10  }
0xfa: {  	p0 =	sne.s32 s6, s25  }
.Ltmp1:
0xfb: {  	_ = 	snop;
	(pc) =	sbr.rel @p0 .LBB2_1-.Ltmp1, $3  }
0xfc: {  	_ =	sdelay $0x1  }
0xfd: {  	[sflag:s11] =	ssyncset.done $0x0  }
0xfe: {  	[sflag:s11] =	ssyncadd.s32 $0xFFFFD8F0  }
0xff: {  	_ =	sfence.sel $0x180000  }
0x100: {  	[bflag:$0x0] =	sbarrier.arrive $0xFFFF  }
0x101: {  	_ =	strace $0x9000004D  }
0x102: {  	s0 =	stileid.u32;
	[bflag:$0x2] =	sbarrier.arrive $0xFFFF  }
0x103: {  	p0 =	sne.s32 s0, $0x0;
	s0 =	rddreg [dreg:$0x3]  }
0x104: {  	s0 =	sadd.s32 @!p0 $0x100000, s0  }
0x105: {  	[sflag:s0] =	ssyncadd.tile.s32 @!p0 $0x1;
	_ =	shalt  }
.Lfunc_end2:
_tile_overlayer_lowered:
.L_overlay_start_2:
0x106: {  	(tag) =	ssettag $0x2  }
0x107: {  	s0 =	rddreg [dreg:$0x0];
	s2 =	stileid.u32  }
0x108: {  	s1 =	rddreg [dreg:$0x1];
	p0 =	sne.s32 s2, $0x0  }
0x109: {  	s3 =	rddreg [dreg:$0x2];
	[bflag:$0x3] =	sbarrier.arrive $0xFFFF;
	s2 =	simm.s32 @!p0 $0x1C05  }
0x10a: {  	[timem:s3], [sflag:s2] =	dma.local @!p0 [hbm:s0], s1  }
0x10b: {  	s0 =	simm.s32 @!p0 $0x5  }
0x10c: {  	_ =	swait.ge @!p0 [sflag:s0], s1  }
0x10d: {  	s1 =	ssub.s32 @!p0 $0x0, s1;
	[sflag:s0] =	ssyncset.done @!p0 $0x0  }
0x10e: {  	[sflag:s0] =	ssyncadd.s32 @!p0 s1  }
0x10f: {  	[bflag:$0x3] =	sbarrier.arrive $0xFFFF  }
0x110: {  	_ =	shalt  }

// kernel: kernel.7.cloned.1.call-start
scs
__scs_entry_jumppad:
0x0: {  	(pc) =	sbr.rel $0x88, $3  }
0x1: {  	(tag) =	ssettag $0x0;
	lr =	simm.s32 $0x1  }
0x2: {  	[smem:$0x3F92] =	sst lr;
	_ =	strace $0xD0000000  }
0x3: {  	_ = 	snop  }
0x4: {  	_ = 	snop  }
0x5: {  	_ = 	snop  }
0x6: {  	_ = 	snop  }
0x7: {  	_ = 	snop  }
__scs_overlays_trampoline_lowered:
0x8: {  	[smem:$0x3FA1] =	sst s0  }
0x9: {  	[smem:$0x3FA2] =	sst s1  }
0xa: {  	[smem:$0x3FA3] =	sst s2  }
0xb: {  	[smem:$0x3FA4] =	sst s3  }
0xc: {  	[smem:$0x3FA5] =	sst s4  }
0xd: {  	[smem:$0x3FA6] =	sst s5  }
0xe: {  	[smem:$0x3FA7] =	sst s6  }
0xf: {  	[smem:$0x3FA8] =	sst s7  }
0x10: {  	[smem:$0x3FA9] =	sst s8  }
0x11: {  	[smem:$0x3FAA] =	sst s9;
	s0 =	simm.s32 @!p0 $0x0  }
0x12: {  	s1 =	sld [smem:$0x3F90];
	s0 =	simm.s32 @p0 $0x1  }
0x13: {  	[smem:$0x3FAB] =	sst s0;
	s0 =	simm.s32 @!p1 $0x0  }
0x14: {  	s2 =	sld [smem:$0x3F8F];
	s0 =	simm.s32 @p1 $0x1  }
0x15: {  	[smem:$0x3FAC] =	sst s0;
	s0 =	simm.s32 @!p2 $0x0  }
0x16: {  	s3 =	sld [smem:$0x3FDB];
	s0 =	simm.s32 @p2 $0x1  }
0x17: {  	s4 =	simm.s32 $0x1BF5;
	[smem:$0x3FAE] =	sst s0  }
0x18: {  	s0 =	sld [smem:$0x3F91];
	_ =	swait.ge [sflag:s4], $0x0  }
0x19: {  	s7 =	sld [smem:$0x3F92]  }
0x1a: {  	s8 =	sadd.s32 $0xFFFFE003, lr  }
0x1b: {  	s9 =	sadd.s32 $0xFFFFFEF7, lr;
	s5 =	simm.s32 $0xFFFFFFFF;
	p2 =	slt.u32 s8, $0xFFFFF086  }
0x1c: {  	p1 =	slt.u32 s9, $0xF7A;
	s5 =	simm.s32 @!p2 $0x0  }
0x1d: {  	s5 =	simm.s32 @p1 $0x1;
	p0 =	seq.s32 s7, s2  }
0x1e: {  	s7 =	smul.u32 @!p0 $0xF7A, s2;
	p2 =	seq.s32 @!p0 s5, $0x0  }
0x1f: {  	s9 =	smul.u32 $0xF7A, s1;
	s8 =	simm.s32 @!p0 $0x1BF5;
	p2 =	por !p2, p0  }
0x20: {  	[sflag:s8] =	ssyncset.s32 @!p0 $0xFFFFF086;
	s6 =	sadd.s32 @!p0 s3, s7;
	s7 =	simm.s32 @!p0 $0x108  }
0x21: {  	s3 =	sadd.s32 s3, s9;
	s6 =	sadd.s32 @!p0 $0x88, s6;
	s7 =	simm.s32 @p2 $0x1082  }
0x22: {  	[simem:s7], [sflag:s8] =	dma.local @!p0 [hbm:s6], $0xF7A  }
0x23: {  	s9 =	sor.u32 $0xD0000000, s2;
	s6 =	simm.s32 $0x108;
	_ =	swait.ge @!p0 [sflag:s8], $0x0  }
0x24: {  	s3 =	sadd.s32 $0x88, s3;
	s6 =	simm.s32 @!p1 $0x1082;
	[sflag:s4] =	ssyncset.s32 $0xFFFFF086  }
0x25: {  	[simem:s6], [sflag:s4] =	dma.local [hbm:s3], $0xF7A  }
0x26: {  	[smem:$0x3F92] =	sst s1;
	(tag) =	ssettag s2;
	_ =	strace s9  }
0x27: {  	s1 =	sld [smem:$0x3FA2]  }
0x28: {  	s2 =	sld [smem:$0x3FA3]  }
0x29: {  	s4 =	sld [smem:$0x3FA5]  }
0x2a: {  	p0 =	seq.s32 s5, $0x0;
	s5 =	sld [smem:$0x3FA6]  }
0x2b: {  	s6 =	sld [smem:$0x3FA7]  }
0x2c: {  	s7 =	sld [smem:$0x3FA8]  }
0x2d: {  	s3 =	simm.s32 $0x108;
	s8 =	sld [smem:$0x3FA9]  }
0x2e: {  	s3 =	simm.s32 @!p0 $0x1082;
	s9 =	sld [smem:$0x3FAA]  }
0x2f: {  	lr =	sadd.s32 s0, s3;
	s0 =	sld [smem:$0x3FA1]  }
0x30: {  	s3 =	sld [smem:$0x3FA4]  }
0x31: {  	[smem:$0x3FAD] =	sst s10  }
0x32: {  	s10 =	sld [smem:$0x3FAB];
	_ =	sdelay $0x3  }
0x33: {  	p0 =	seq.s32 s10, $0x1;
	s10 =	sld [smem:$0x3FAD];
	_ =	sdelay $0x3  }
0x34: {  	[smem:$0x3FAD] =	sst s10  }
0x35: {  	s10 =	sld [smem:$0x3FAC];
	_ =	sdelay $0x3  }
0x36: {  	p1 =	seq.s32 s10, $0x1;
	s10 =	sld [smem:$0x3FAD];
	_ =	sdelay $0x3  }
0x37: {  	[smem:$0x3FAD] =	sst s10  }
0x38: {  	s10 =	sld [smem:$0x3FAE]  }
0x39: {  	_ = 	snop;
	(pc) =	sbr.ind lr, $3  }
0x3a: {  	_ = 	snop  }
0x3b: {  	_ = 	snop  }
0x3c: {  	p2 =	seq.s32 s10, $0x1;
	s10 =	sld [smem:$0x3FAD]  }
0x3d: {  	_ =	shalt  }
0x3e: {  	_ =	shalt  }
0x3f: {  	_ =	shalt  }
0x40: {  	_ =	shalt  }
0x41: {  	_ =	shalt  }
0x42: {  	_ =	shalt  }
0x43: {  	_ =	shalt  }
0x44: {  	_ =	shalt  }
0x45: {  	_ =	shalt  }
0x46: {  	_ =	shalt  }
0x47: {  	_ =	shalt  }
0x48: {  	_ =	shalt  }
0x49: {  	_ =	shalt  }
0x4a: {  	_ =	shalt  }
0x4b: {  	_ =	shalt  }
0x4c: {  	_ =	shalt  }
0x4d: {  	_ =	shalt  }
0x4e: {  	_ =	shalt  }
0x4f: {  	_ =	shalt  }
0x50: {  	_ =	shalt  }
0x51: {  	_ =	shalt  }
0x52: {  	_ =	shalt  }
0x53: {  	_ =	shalt  }
0x54: {  	_ =	shalt  }
0x55: {  	_ =	shalt  }
0x56: {  	_ =	shalt  }
0x57: {  	_ =	shalt  }
0x58: {  	_ =	shalt  }
0x59: {  	_ =	shalt  }
0x5a: {  	_ =	shalt  }
0x5b: {  	_ =	shalt  }
0x5c: {  	_ =	shalt  }
0x5d: {  	_ =	shalt  }
0x5e: {  	_ =	shalt  }
0x5f: {  	_ =	shalt  }
0x60: {  	_ =	shalt  }
0x61: {  	_ =	shalt  }
0x62: {  	_ =	shalt  }
0x63: {  	_ =	shalt  }
0x64: {  	_ =	shalt  }
0x65: {  	_ =	shalt  }
0x66: {  	_ =	shalt  }
0x67: {  	_ =	shalt  }
0x68: {  	_ =	shalt  }
0x69: {  	_ =	shalt  }
0x6a: {  	_ =	shalt  }
0x6b: {  	_ =	shalt  }
0x6c: {  	_ =	shalt  }
0x6d: {  	_ =	shalt  }
0x6e: {  	_ =	shalt  }
0x6f: {  	_ =	shalt  }
0x70: {  	_ =	shalt  }
0x71: {  	_ =	shalt  }
0x72: {  	_ =	shalt  }
0x73: {  	_ =	shalt  }
0x74: {  	_ =	shalt  }
0x75: {  	_ =	shalt  }
0x76: {  	_ =	shalt  }
0x77: {  	_ =	shalt  }
0x78: {  	_ =	shalt  }
0x79: {  	_ =	shalt  }
0x7a: {  	_ =	shalt  }
0x7b: {  	_ =	shalt  }
0x7c: {  	_ =	shalt  }
0x7d: {  	_ =	shalt  }
0x7e: {  	_ =	shalt  }
0x7f: {  	_ =	shalt  }
0x80: {  	_ =	shalt  }
0x81: {  	_ =	shalt  }
0x82: {  	_ =	shalt  }
0x83: {  	_ =	shalt  }
0x84: {  	_ =	shalt  }
0x85: {  	_ =	shalt  }
0x86: {  	_ =	shalt  }
0x87: {  	_ =	shalt  }
.Lfunc_end0:
.L_simem_size_0:
called_computation_lowered:
.L_overlay_start_0:
0x88: {  	s2 =	sld [smem:$0x3FD9]  }
0x89: {  	s3 =	sld [smem:$0x3FFE];
	_ =	sdelay $0x1  }
0x8a: {  	s1 =	srdreg.scid  }
0x8b: {  	s0 =	sand.u32 $0x1, s1  }
0x8c: {  	s17 =	sshll.u32 s0, $0xA;
	s2 =	sadd.s32 s3, s2  }
0x8d: {  	s2 =	sadd.s32 s2, s17  }
0x8e: {  	[smem:$0x3FB9] =	sst s2  }
0x8f: {  	_ = 	snop  }
0x90: {  	s2 =	sld [smem:$0x3FD0];
	(tm) =	ssettm $0x1  }
0x91: {  	s18 =	sld [smem:$0x3FFB];
	_ =	sdelay $0x3  }
0x92: {  	_ =	strace s18  }
0x93: {  	s3 =	sld [smem:$0x3FFC];
	_ =	sdelay $0x3  }
0x94: {  	_ =	strace s3  }
0x95: {  	s3 =	sld [smem:$0x3FFD];
	_ =	sdelay $0x3  }
0x96: {  	_ =	strace s3  }
0x97: {  	_ =	strace $0x8FFFFFFF  }
0x98: {  	s19 =	sld [smem:$0x3FDB];
	_ =	sdelay $0x1  }
0x99: {  	s4 =	simm.s32 $_scs_section_size  }
0x9a: {  	s5 =	simm.s32 $_size__tile_overlayer_lowered;
	s6 =	simm.s32 $_tile_overlayer_lowered  }
0x9b: {  	s22 =	simm.s32 $0x1BFF;
	s21 =	sshll.u32 s6, $0x1;
	s3 =	sadd.s32 s4, s19  }
0x9c: {  	s7 =	simm.s32 $0x0;
	s20 =	sshll.u32 s5, $0x1;
	s5 =	sadd.s32 s21, s3  }
0x9d: {  	[timem:s7], [sflag:s22] =	dma.local [hbm:s5], s20  }
0x9e: {  	_ =	swait.ge [sflag:s22], s20  }
0x9f: {  	s4 =	ssub.s32 $0x0, s20;
	[sflag:s22] =	ssyncset.done $0x0  }
0xa0: {  	[sflag:s22] =	ssyncadd.s32 s4;
	_ =	sdelay $0x1  }
0xa1: {  	s23 =	simm.s32 $0x1B8B  }
0xa2: {  	_ =	swait.ge [sflag:s23], $0x1  }
0xa3: {  	[sflag:s23] =	ssyncset.done $0x0  }
0xa4: {  	s25 =	simm.s32 $0x1B8E;
	s24 =	sld [smem:$0x3FFE];
	[sflag:s23] =	ssyncadd.s32 $0xFFFFFFFF  }
0xa5: {  	s26 =	simm.s32 $execute0_lowered;
	[smem:$0x3FD2] =	sst s25  }
0xa6: {  	s5 =	sshll.u32 s26, $0x1;
	_ =	strace $0x80000046;
	[dreg:$0x1] =	wrdreg $0xFFFFFFFF  }
0xa7: {  	s28 =	simm.s32 $_size_execute0_lowered;
	s3 =	sadd.s32 s3, s5;
	[dreg:$0x0] =	wrdreg $0x0  }
0xa8: {  	s5 =	sshll.u32 s28, $0x1;
	[dreg:$0x2] =	wrdreg s3  }
0xa9: {  	[dreg:$0x3] =	wrdreg s5  }
0xaa: {  	[dreg:$0x4] =	wrdreg $0xC0  }
0xab: {  	_ =	task [dreg:s7], $0x5FFFF  }
0xac: {  	[dreg:$0x1] =	wrdreg $0xFFFFFFFF  }
0xad: {  	[dreg:$0x0] =	wrdreg $0x60  }
0xae: {  	[dreg:$0x2] =	wrdreg s24  }
0xaf: {  	[dreg:$0x3] =	wrdreg s2  }
0xb0: {  	[dreg:$0x4] =	wrdreg $0x98000  }
0xb1: {  	[dreg:$0x5] =	wrdreg $0x9  }
0xb2: {  	_ =	task.clear_ibuf [dreg:s7], $0x6FFFF;
	_ =	strace $0x90000046  }
0xb3: {  	s29 =	simm.s32 $0x9;
	_ =	strace $0x80000048  }
0xb4: {  	_ =	swait.ge [sflag:s29], $0x1  }
0xb5: {  	[sflag:s29] =	ssyncadd.s32 $0xFFFFFFFF  }
0xb6: {  	_ =	strace $0x90000048  }
0xb7: {  	_ =	sfence  }
0xb8: {  	s30 =	sld [smem:$0x0];
	_ =	sdelay $0x2  }
0xb9: {  	s31 =	sshll.u32 s1, $0xD;
	s1 =	sshrl.u32 s1, $0x2  }
0xba: {  	s3 =	sand.u32 $0x4000, s31;
	s1 =	sadd.s32 s1, s30  }
0xbb: {  	s0 =	sor.u32 s3, s0;
	s1 =	sshll.u32 s1, $0x11  }
0xbc: {  	s0 =	sor.u32 s1, s0  }
0xbd: {  	s0 =	sadd.s32 $0x8F2B, s0  }
0xbe: {  	[sflag:s0] =	ssyncadd.remote.s32 $0x1  }
0xbf: {  	_ =	sfence.sel $0xFFFF  }
0xc0: {  	[dreg:$0x0] =	wrdreg $0xFFFFFFFF;
	(pc) =	sbr.abs _section_cstart, $3  }
0xc1: {  	[dreg:$0x1] =	wrdreg $0xFFFFFFFF  }
0xc2: {  	_ =	task.clear_ibuf [dreg:s7], $0x2FFFF;
	_ =	strace $0x9FFFFFFF  }
0xc3: {  	(tm) =	ssettm $0x7FFFFFFF  }
tec
execute0_lowered:
.L_overlay_start_1:
0x0: {  	(tag) =	ssettag $0x1  }
0x1: {  	s0 =	rddreg [dreg:$0x0]  }
0x2: {  	s2 =	rddreg [dreg:$0x2];
	s3 =	simm.s32 $0x0;
	s1 =	srdreg.scid  }
0x3: {  	s9 =	stileid.u32;
	s12 =	simm.s32 $0x80;
	s13 =	simm.s32 $0x800  }
0x4: {  	s14 =	simm.s32 $0x100;
	s15 =	simm.s32 $0x5000;
	s16 =	simm.s32 $0x1  }
0x5: {  	s17 =	simm.s32 $0x3;
	s18 =	simm.s32 $0x200;
	s28 =	simm.s32 $0x500  }
0x6: {  	s29 =	simm.s32 $0x480;
	s30 =	simm.s32 $0x600;
	s7 =	smul.u32 $0x58080, s9  }
0x7: {  	s31 =	simm.s32 $0x580;
	[smem:$0x7FF] =	sst s3;
	s21 =	smul.u32 $0x15F90, s9  }
0x8: {  	s1 =	sand.u32 $0x1, s1;
	s20 =	sshll.u32 s9, $0x6;
	s9 =	smul.u32 $0xA00, s9  }
0x9: {  	s5 =	sadd.s32 $0x4400, s0;
	s4 =	smul.u32 $0xA000, s1;
	_ =	strace $0x80000047  }
0xa: {  	s6 =	ssub.s32 $0x2, s1;
	s25 =	sor.u32 $0x1C05, s20;
	p0 =	seq.s32 s1, $0x1  }
0xb: {  	s1 =	simm.s32 $0xA1400;
	s20 =	simm.s32 $0x180;
	s8 =	sshrl.u32 s6, $0x1  }
0xc: {  	s19 =	sshrl.u32 s7, $0x2;
	s11 =	sshrl.u32 s21, $0x3;
	s7 =	sadd.s32 s21, s2  }
0xd: {  	s1 =	simm.s32 @!p0 $0x75400;
	s21 =	simm.s32 $0x4;
	[dreg:$0x4] =	wrdreg s25  }
0xe: {  	s4 =	sadd.s32 s4, s0;
	s8 =	ssub.s32 s6, s8;
	s10 =	sadd.s32 s19, s2  }
0xf: {  	s0 =	sadd.s32 s1, s0;
	s19 =	simm.s32 $0x2;
	s26 =	sshrl.u32 s7, $0x3  }
0x10: {  	s1 =	simm.s32 $0x780;
	s7 =	simm.s32 $0x0;
	s22 =	smax.u32 s8, $0x1  }
0x11: {  	s23 =	sadd.s32 s9, s4;
	s0 =	sadd.s32 s0, s11;
	[dreg:$0x8] =	wrdreg s26  }
0x12: {  	s24 =	sshrl.u32 s10, $0x3;
	s11 =	simm.s32 $0x5;
	[dreg:$0x5] =	wrdreg s22  }
0x13: {  	s26 =	simm.s32 $0x380;
	s4 =	simm.s32 $0x680;
	[dreg:$0x6] =	wrdreg s0  }
0x14: {  	s9 =	sadd.s32 $0x61400, s23;
	[dreg:$0x7] =	wrdreg s24;
	s22 =	simm.s32 $0x300  }
0x15: {  	s23 =	simm.s32 $0x280;
	s24 =	simm.s32 $0x400;
	s0 =	simm.s32 $0x700  }
.LBB2_1:
0x16: {  	s6 =	rddreg [dreg:$0x1]  }
0x17: {  	s8 =	rddreg [dreg:$0x7]  }
0x18: {  	[spmem:s8], [sflag:s25] =	dma.local [hbm:s6], $0x2C04  }
0x19: {  	_ =	swait.ge [sflag:s11], $0x2C04  }
0x1a: {  	[sflag:s11] =	ssyncset.done $0x0  }
0x1b: {  	[sflag:s11] =	ssyncadd.s32 $0xFFFFD3FC  }
0x1c: {  	s25 =	sadd.s32 $0x0, s9;
	[bflag:$0x0] =	sbarrier.arrive $0xFFFF  }
0x1d: {  	[tilespmem:s3], [sflag:$0x5] =	stream.linear.gather [hbm4b:s25+s3], $0x800, $0x38;
	[tilespmem:$0x1F820] =	vst v63  }
0x1e: {  	_ =	swait.ge [sflag:s11], $0x800  }
0x1f: {  	[sflag:s11] =	ssyncset.done $0x0  }
0x20: {  	[sflag:s11] =	ssyncadd.s32 $0xFFFFF800  }
0x21: {  	[tilespmem:s13], [sflag:$0x1] =	stream.indirect.gather [hbm4b:s5+s12], $0x90, s3, s12, $0xb8;
	[tilespmem:$0x1F820] =	vst v63  }
0x22: {  	_ = 	snop  }
0x23: {  	[tilespmem:s15], [sflag:$0x2] =	stream.indirect.gather [hbm4b:s5+s12], $0x90, s14, s12, $0xb8;
	[tilespmem:$0x1F820] =	vst v63  }
0x24: {  	_ =	swait.ge [sflag:s16], $0x4800  }
0x25: {  	[sflag:s16] =	ssyncset.done $0x0  }
0x26: {  	[sflag:s16] =	ssyncadd.s32 $0xFFFFB800  }
0x27: {  	[spmem:s2] =	stream.indirect.scatter.add.f32 [tilespmem:s13], [sflag:$0x3], $0x90, s12, s12, $0xb8;
	[tilespmem:$0x1F820] =	vst v63  }
0x28: {  	_ =	swait.ge [sflag:s17], $0x4800  }
0x29: {  	[sflag:s17] =	ssyncset.done $0x0  }
0x2a: {  	[sflag:s17] =	ssyncadd.s32 $0xFFFFB800  }
0x2b: {  	[tilespmem:s13], [sflag:$0x1] =	stream.indirect.gather [hbm4b:s5+s12], $0x90, s18, s12, $0xb8;
	[tilespmem:$0x1F820] =	vst v63  }
0x2c: {  	_ =	swait.ge [sflag:s19], $0x4800  }
0x2d: {  	[sflag:s19] =	ssyncset.done $0x0  }
0x2e: {  	[sflag:s19] =	ssyncadd.s32 $0xFFFFB800  }
0x2f: {  	[spmem:s2] =	stream.indirect.scatter.add.f32 [tilespmem:s15], [sflag:$0x4], $0x90, s20, s12, $0xb8;
	[tilespmem:$0x1F820] =	vst v63  }
0x30: {  	_ =	swait.ge [sflag:s21], $0x4800  }
0x31: {  	[sflag:s21] =	ssyncset.done $0x0  }
0x32: {  	[sflag:s21] =	ssyncadd.s32 $0xFFFFB800  }
0x33: {  	[tilespmem:s15], [sflag:$0x2] =	stream.indirect.gather [hbm4b:s5+s12], $0x90, s22, s12, $0xb8;
	[tilespmem:$0x1F820] =	vst v63  }
0x34: {  	_ =	swait.ge [sflag:s16], $0x4800  }
0x35: {  	[sflag:s16] =	ssyncset.done $0x0  }
0x36: {  	[sflag:s16] =	ssyncadd.s32 $0xFFFFB800  }
0x37: {  	[spmem:s2] =	stream.indirect.scatter.add.f32 [tilespmem:s13], [sflag:$0x3], $0x90, s23, s12, $0xb8;
	[tilespmem:$0x1F820] =	vst v63  }
0x38: {  	_ =	swait.ge [sflag:s17], $0x4800  }
0x39: {  	[sflag:s17] =	ssyncset.done $0x0  }
0x3a: {  	[sflag:s17] =	ssyncadd.s32 $0xFFFFB800  }
0x3b: {  	[tilespmem:s13], [sflag:$0x1] =	stream.indirect.gather [hbm4b:s5+s12], $0x90, s24, s12, $0xb8;
	[tilespmem:$0x1F820] =	vst v63  }
0x3c: {  	_ =	swait.ge [sflag:s19], $0x4800  }
0x3d: {  	[sflag:s19] =	ssyncset.done $0x0  }
0x3e: {  	[sflag:s19] =	ssyncadd.s32 $0xFFFFB800  }
0x3f: {  	[spmem:s2] =	stream.indirect.scatter.add.f32 [tilespmem:s15], [sflag:$0x4], $0x90, s26, s12, $0xb8;
	[tilespmem:$0x1F820] =	vst v63  }
0x40: {  	_ =	swait.ge [sflag:s21], $0x4800  }
0x41: {  	[sflag:s21] =	ssyncset.done $0x0  }
0x42: {  	[sflag:s21] =	ssyncadd.s32 $0xFFFFB800  }
0x43: {  	[tilespmem:s15], [sflag:$0x2] =	stream.indirect.gather [hbm4b:s5+s12], $0x90, s28, s12, $0xb8;
	[tilespmem:$0x1F820] =	vst v63  }
0x44: {  	_ =	swait.ge [sflag:s16], $0x4800  }
0x45: {  	[sflag:s16] =	ssyncset.done $0x0  }
0x46: {  	[sflag:s16] =	ssyncadd.s32 $0xFFFFB800  }
0x47: {  	[spmem:s2] =	stream.indirect.scatter.add.f32 [tilespmem:s13], [sflag:$0x3], $0x90, s29, s12, $0xb8;
	[tilespmem:$0x1F820] =	vst v63  }
0x48: {  	_ =	swait.ge [sflag:s17], $0x4800  }
0x49: {  	[sflag:s17] =	ssyncset.done $0x0  }
0x4a: {  	[sflag:s17] =	ssyncadd.s32 $0xFFFFB800  }
0x4b: {  	[tilespmem:s13], [sflag:$0x1] =	stream.indirect.gather [hbm4b:s5+s12], $0x90, s30, s12, $0xb8;
	[tilespmem:$0x1F820] =	vst v63  }
0x4c: {  	_ =	swait.ge [sflag:s19], $0x4800  }
0x4d: {  	[sflag:s19] =	ssyncset.done $0x0  }
0x4e: {  	[sflag:s19] =	ssyncadd.s32 $0xFFFFB800  }
0x4f: {  	[spmem:s2] =	stream.indirect.scatter.add.f32 [tilespmem:s15], [sflag:$0x4], $0x90, s31, s12, $0xb8;
	[tilespmem:$0x1F820] =	vst v63  }
0x50: {  	_ =	swait.ge [sflag:s21], $0x4800  }
0x51: {  	[sflag:s21] =	ssyncset.done $0x0  }
0x52: {  	[sflag:s21] =	ssyncadd.s32 $0xFFFFB800  }
0x53: {  	[tilespmem:s15], [sflag:$0x2] =	stream.indirect.gather [hbm4b:s5+s12], $0x90, s0, s12, $0xb8;
	[tilespmem:$0x1F820] =	vst v63  }
0x54: {  	_ =	swait.ge [sflag:s16], $0x4800  }
0x55: {  	[sflag:s16] =	ssyncset.done $0x0  }
0x56: {  	[sflag:s16] =	ssyncadd.s32 $0xFFFFB800  }
0x57: {  	[spmem:s2] =	stream.indirect.scatter.add.f32 [tilespmem:s13], [sflag:$0x3], $0x90, s4, s12, $0xb8;
	[tilespmem:$0x1F820] =	vst v63  }
0x58: {  	_ =	swait.ge [sflag:s17], $0x4800  }
0x59: {  	[sflag:s17] =	ssyncset.done $0x0  }
0x5a: {  	[sflag:s17] =	ssyncadd.s32 $0xFFFFB800  }
0x5b: {  	_ =	swait.ge [sflag:s19], $0x4800  }
0x5c: {  	[sflag:s19] =	ssyncset.done $0x0  }
0x5d: {  	[sflag:s19] =	ssyncadd.s32 $0xFFFFB800  }
0x5e: {  	[spmem:s2] =	stream.indirect.scatter.add.f32 [tilespmem:s15], [sflag:$0x4], $0x90, s1, s12, $0xb8;
	[tilespmem:$0x1F820] =	vst v63  }
0x5f: {  	_ =	swait.ge [sflag:s21], $0x4800  }
0x60: {  	s10 =	simm.s32 $0x200;
	s8 =	simm.s32 $0x100;
	[sflag:s21] =	ssyncset.done $0x0  }
.LBB2_2:
0x61: {  	s6 =	sadd.s32 s8, s9  }
0x62: {  	[sflag:s21] =	ssyncadd.s32 $0xFFFFB800;
	s8 =	smov.u32 s10;
	s25 =	sadd.s32 $0x100, s10  }
0x63: {  	[tilespmem:s3], [sflag:$0x5] =	stream.linear.gather [hbm4b:s6+s3], $0x800, $0x38;
	[tilespmem:$0x1F820] =	vst v63  }
0x64: {  	p0 =	sne.s32 s10, $0x900;
	_ =	swait.ge [sflag:s11], $0x800  }
0x65: {  	[sflag:s11] =	ssyncset.done $0x0  }
0x66: {  	[sflag:s11] =	ssyncadd.s32 $0xFFFFF800  }
0x67: {  	[tilespmem:s13], [sflag:$0x1] =	stream.indirect.gather [hbm4b:s5+s12], $0x90, s3, s12, $0xb8;
	[tilespmem:$0x1F820] =	vst v63  }
0x68: {  	_ = 	snop  }
0x69: {  	[tilespmem:s15], [sflag:$0x2] =	stream.indirect.gather [hbm4b:s5+s12], $0x90, s14, s12, $0xb8;
	[tilespmem:$0x1F820] =	vst v63  }
0x6a: {  	_ =	swait.ge [sflag:s16], $0x4800  }
0x6b: {  	[sflag:s16] =	ssyncset.done $0x0  }
0x6c: {  	[sflag:s16] =	ssyncadd.s32 $0xFFFFB800  }
0x6d: {  	[spmem:s2] =	stream.indirect.scatter.add.f32 [tilespmem:s13], [sflag:$0x3], $0x90, s12, s12, $0xb8;
	[tilespmem:$0x1F820] =	vst v63  }
0x6e: {  	_ =	swait.ge [sflag:s17], $0x4800  }
0x6f: {  	[sflag:s17] =	ssyncset.done $0x0  }
0x70: {  	[sflag:s17] =	ssyncadd.s32 $0xFFFFB800  }
0x71: {  	[tilespmem:s13], [sflag:$0x1] =	stream.indirect.gather [hbm4b:s5+s12], $0x90, s18, s12, $0xb8;
	[tilespmem:$0x1F820] =	vst v63  }
0x72: {  	_ =	swait.ge [sflag:s19], $0x4800  }
0x73: {  	[sflag:s19] =	ssyncset.done $0x0  }
0x74: {  	[sflag:s19] =	ssyncadd.s32 $0xFFFFB800  }
0x75: {  	[spmem:s2] =	stream.indirect.scatter.add.f32 [tilespmem:s15], [sflag:$0x4], $0x90, s20, s12, $0xb8;
	[tilespmem:$0x1F820] =	vst v63  }
0x76: {  	_ =	swait.ge [sflag:s21], $0x4800  }
0x77: {  	[sflag:s21] =	ssyncset.done $0x0  }
0x78: {  	[sflag:s21] =	ssyncadd.s32 $0xFFFFB800  }
0x79: {  	[tilespmem:s15], [sflag:$0x2] =	stream.indirect.gather [hbm4b:s5+s12], $0x90, s22, s12, $0xb8;
	[tilespmem:$0x1F820] =	vst v63  }
0x7a: {  	_ =	swait.ge [sflag:s16], $0x4800  }
0x7b: {  	[sflag:s16] =	ssyncset.done $0x0  }
0x7c: {  	[sflag:s16] =	ssyncadd.s32 $0xFFFFB800  }
0x7d: {  	[spmem:s2] =	stream.indirect.scatter.add.f32 [tilespmem:s13], [sflag:$0x3], $0x90, s23, s12, $0xb8;
	[tilespmem:$0x1F820] =	vst v63  }
0x7e: {  	_ =	swait.ge [sflag:s17], $0x4800  }
0x7f: {  	[sflag:s17] =	ssyncset.done $0x0  }
0x80: {  	[sflag:s17] =	ssyncadd.s32 $0xFFFFB800  }
0x81: {  	[tilespmem:s13], [sflag:$0x1] =	stream.indirect.gather [hbm4b:s5+s12], $0x90, s24, s12, $0xb8;
	[tilespmem:$0x1F820] =	vst v63  }
0x82: {  	_ =	swait.ge [sflag:s19], $0x4800  }
0x83: {  	[sflag:s19] =	ssyncset.done $0x0  }
0x84: {  	[sflag:s19] =	ssyncadd.s32 $0xFFFFB800  }
0x85: {  	[spmem:s2] =	stream.indirect.scatter.add.f32 [tilespmem:s15], [sflag:$0x4], $0x90, s26, s12, $0xb8;
	[tilespmem:$0x1F820] =	vst v63  }
0x86: {  	_ =	swait.ge [sflag:s21], $0x4800  }
0x87: {  	[sflag:s21] =	ssyncset.done $0x0  }
0x88: {  	[sflag:s21] =	ssyncadd.s32 $0xFFFFB800  }
0x89: {  	[tilespmem:s15], [sflag:$0x2] =	stream.indirect.gather [hbm4b:s5+s12], $0x90, s28, s12, $0xb8;
	[tilespmem:$0x1F820] =	vst v63  }
0x8a: {  	_ =	swait.ge [sflag:s16], $0x4800  }
0x8b: {  	[sflag:s16] =	ssyncset.done $0x0  }
0x8c: {  	[sflag:s16] =	ssyncadd.s32 $0xFFFFB800  }
0x8d: {  	[spmem:s2] =	stream.indirect.scatter.add.f32 [tilespmem:s13], [sflag:$0x3], $0x90, s29, s12, $0xb8;
	[tilespmem:$0x1F820] =	vst v63  }
0x8e: {  	_ =	swait.ge [sflag:s17], $0x4800  }
0x8f: {  	[sflag:s17] =	ssyncset.done $0x0  }
0x90: {  	[sflag:s17] =	ssyncadd.s32 $0xFFFFB800  }
0x91: {  	[tilespmem:s13], [sflag:$0x1] =	stream.indirect.gather [hbm4b:s5+s12], $0x90, s30, s12, $0xb8;
	[tilespmem:$0x1F820] =	vst v63  }
0x92: {  	_ =	swait.ge [sflag:s19], $0x4800  }
0x93: {  	[sflag:s19] =	ssyncset.done $0x0  }
0x94: {  	[sflag:s19] =	ssyncadd.s32 $0xFFFFB800  }
0x95: {  	[spmem:s2] =	stream.indirect.scatter.add.f32 [tilespmem:s15], [sflag:$0x4], $0x90, s31, s12, $0xb8;
	[tilespmem:$0x1F820] =	vst v63  }
0x96: {  	_ =	swait.ge [sflag:s21], $0x4800  }
0x97: {  	[sflag:s21] =	ssyncset.done $0x0  }
0x98: {  	[sflag:s21] =	ssyncadd.s32 $0xFFFFB800  }
0x99: {  	[tilespmem:s15], [sflag:$0x2] =	stream.indirect.gather [hbm4b:s5+s12], $0x90, s0, s12, $0xb8;
	[tilespmem:$0x1F820] =	vst v63  }
0x9a: {  	_ =	swait.ge [sflag:s16], $0x4800  }
0x9b: {  	[sflag:s16] =	ssyncset.done $0x0  }
0x9c: {  	[sflag:s16] =	ssyncadd.s32 $0xFFFFB800  }
0x9d: {  	[spmem:s2] =	stream.indirect.scatter.add.f32 [tilespmem:s13], [sflag:$0x3], $0x90, s4, s12, $0xb8;
	[tilespmem:$0x1F820] =	vst v63  }
0x9e: {  	_ =	swait.ge [sflag:s17], $0x4800  }
0x9f: {  	[sflag:s17] =	ssyncset.done $0x0  }
0xa0: {  	[sflag:s17] =	ssyncadd.s32 $0xFFFFB800  }
0xa1: {  	_ =	swait.ge [sflag:s19], $0x4800  }
.Ltmp0:
0xa2: {  	[sflag:s19] =	ssyncset.done $0x0;
	(pc) =	sbr.rel @p0 .LBB2_2-.Ltmp0, $4  }
0xa3: {  	[sflag:s19] =	ssyncadd.s32 $0xFFFFB800  }
0xa4: {  	[spmem:s2] =	stream.indirect.scatter.add.f32 [tilespmem:s15], [sflag:$0x4], $0x90, s1, s12, $0xb8;
	[tilespmem:$0x1F820] =	vst v63  }
0xa5: {  	_ =	swait.ge [sflag:s21], $0x4800  }
0xa6: {  	s10 =	smov.u32 s25;
	[sflag:s21] =	ssyncset.done $0x0  }
0xa7: {  	s6 =	sadd.s32 s8, s9;
	[sflag:s21] =	ssyncadd.s32 $0xFFFFB800  }
0xa8: {  	[tilespmem:s3], [sflag:$0x5] =	stream.linear.gather [hbm4b:s6+s3], $0x800, $0x38;
	[tilespmem:$0x1F820] =	vst v63  }
0xa9: {  	_ =	swait.ge [sflag:s11], $0x800  }
0xaa: {  	[sflag:s11] =	ssyncset.done $0x0  }
0xab: {  	[sflag:s11] =	ssyncadd.s32 $0xFFFFF800  }
0xac: {  	[tilespmem:s13], [sflag:$0x1] =	stream.indirect.gather [hbm4b:s5+s12], $0x90, s3, s12, $0xb8;
	[tilespmem:$0x1F820] =	vst v63  }
0xad: {  	_ = 	snop  }
0xae: {  	[tilespmem:s15], [sflag:$0x2] =	stream.indirect.gather [hbm4b:s5+s12], $0x90, s14, s12, $0xb8;
	[tilespmem:$0x1F820] =	vst v63  }
0xaf: {  	_ =	swait.ge [sflag:s16], $0x4800  }
0xb0: {  	[sflag:s16] =	ssyncset.done $0x0  }
0xb1: {  	[sflag:s16] =	ssyncadd.s32 $0xFFFFB800  }
0xb2: {  	[spmem:s2] =	stream.indirect.scatter.add.f32 [tilespmem:s13], [sflag:$0x3], $0x90, s12, s12, $0xb8;
	[tilespmem:$0x1F820] =	vst v63  }
0xb3: {  	_ =	swait.ge [sflag:s17], $0x4800  }
0xb4: {  	[sflag:s17] =	ssyncset.done $0x0  }
0xb5: {  	[sflag:s17] =	ssyncadd.s32 $0xFFFFB800  }
0xb6: {  	[tilespmem:s13], [sflag:$0x1] =	stream.indirect.gather [hbm4b:s5+s12], $0x90, s18, s12, $0xb8;
	[tilespmem:$0x1F820] =	vst v63  }
0xb7: {  	_ =	swait.ge [sflag:s19], $0x4800  }
0xb8: {  	[sflag:s19] =	ssyncset.done $0x0  }
0xb9: {  	[sflag:s19] =	ssyncadd.s32 $0xFFFFB800  }
0xba: {  	[spmem:s2] =	stream.indirect.scatter.add.f32 [tilespmem:s15], [sflag:$0x4], $0x90, s20, s12, $0xb8;
	[tilespmem:$0x1F820] =	vst v63  }
0xbb: {  	_ =	swait.ge [sflag:s21], $0x4800  }
0xbc: {  	[sflag:s21] =	ssyncset.done $0x0  }
0xbd: {  	[sflag:s21] =	ssyncadd.s32 $0xFFFFB800  }
0xbe: {  	[tilespmem:s15], [sflag:$0x2] =	stream.indirect.gather [hbm4b:s5+s12], $0x90, s22, s12, $0xb8;
	[tilespmem:$0x1F820] =	vst v63  }
0xbf: {  	_ =	swait.ge [sflag:s16], $0x4800  }
0xc0: {  	[sflag:s16] =	ssyncset.done $0x0  }
0xc1: {  	[sflag:s16] =	ssyncadd.s32 $0xFFFFB800  }
0xc2: {  	[spmem:s2] =	stream.indirect.scatter.add.f32 [tilespmem:s13], [sflag:$0x3], $0x90, s23, s12, $0xb8;
	[tilespmem:$0x1F820] =	vst v63  }
0xc3: {  	_ =	swait.ge [sflag:s17], $0x4800  }
0xc4: {  	[sflag:s17] =	ssyncset.done $0x0  }
0xc5: {  	[sflag:s17] =	ssyncadd.s32 $0xFFFFB800  }
0xc6: {  	[tilespmem:s13], [sflag:$0x1] =	stream.indirect.gather [hbm4b:s5+s12], $0x90, s24, s12, $0xb8;
	[tilespmem:$0x1F820] =	vst v63  }
0xc7: {  	_ =	swait.ge [sflag:s19], $0x4800  }
0xc8: {  	[sflag:s19] =	ssyncset.done $0x0  }
0xc9: {  	[sflag:s19] =	ssyncadd.s32 $0xFFFFB800  }
0xca: {  	[spmem:s2] =	stream.indirect.scatter.add.f32 [tilespmem:s15], [sflag:$0x4], $0x90, s26, s12, $0xb8;
	[tilespmem:$0x1F820] =	vst v63  }
0xcb: {  	_ =	swait.ge [sflag:s21], $0x4800  }
0xcc: {  	[sflag:s21] =	ssyncset.done $0x0  }
0xcd: {  	[sflag:s21] =	ssyncadd.s32 $0xFFFFB800  }
0xce: {  	[tilespmem:s15], [sflag:$0x2] =	stream.indirect.gather [hbm4b:s5+s12], $0x90, s28, s12, $0xb8;
	[tilespmem:$0x1F820] =	vst v63  }
0xcf: {  	_ =	swait.ge [sflag:s16], $0x4800  }
0xd0: {  	[sflag:s16] =	ssyncset.done $0x0  }
0xd1: {  	[sflag:s16] =	ssyncadd.s32 $0xFFFFB800  }
0xd2: {  	[spmem:s2] =	stream.indirect.scatter.add.f32 [tilespmem:s13], [sflag:$0x3], $0x90, s29, s12, $0xb8;
	[tilespmem:$0x1F820] =	vst v63  }
0xd3: {  	_ =	swait.ge [sflag:s17], $0x4800  }
0xd4: {  	[sflag:s17] =	ssyncset.done $0x0  }
0xd5: {  	[sflag:s17] =	ssyncadd.s32 $0xFFFFB800  }
0xd6: {  	[tilespmem:s13], [sflag:$0x1] =	stream.indirect.gather [hbm4b:s5+s12], $0x90, s30, s12, $0xb8;
	[tilespmem:$0x1F820] =	vst v63  }
0xd7: {  	_ =	swait.ge [sflag:s19], $0x4800  }
0xd8: {  	[sflag:s19] =	ssyncset.done $0x0  }
0xd9: {  	[sflag:s19] =	ssyncadd.s32 $0xFFFFB800  }
0xda: {  	[spmem:s2] =	stream.indirect.scatter.add.f32 [tilespmem:s15], [sflag:$0x4], $0x90, s31, s12, $0xb8;
	[tilespmem:$0x1F820] =	vst v63  }
0xdb: {  	_ =	swait.ge [sflag:s21], $0x4800  }
0xdc: {  	[sflag:s21] =	ssyncset.done $0x0  }
0xdd: {  	[sflag:s21] =	ssyncadd.s32 $0xFFFFB800  }
0xde: {  	[tilespmem:s15], [sflag:$0x2] =	stream.indirect.gather [hbm4b:s5+s12], $0x90, s0, s12, $0xb8;
	[tilespmem:$0x1F820] =	vst v63  }
0xdf: {  	_ =	swait.ge [sflag:s16], $0x4800  }
0xe0: {  	[sflag:s16] =	ssyncset.done $0x0  }
0xe1: {  	[sflag:s16] =	ssyncadd.s32 $0xFFFFB800  }
0xe2: {  	[spmem:s2] =	stream.indirect.scatter.add.f32 [tilespmem:s13], [sflag:$0x3], $0x90, s4, s12, $0xb8;
	[tilespmem:$0x1F820] =	vst v63  }
0xe3: {  	_ =	swait.ge [sflag:s17], $0x4800  }
0xe4: {  	[sflag:s17] =	ssyncset.done $0x0  }
0xe5: {  	[sflag:s17] =	ssyncadd.s32 $0xFFFFB800  }
0xe6: {  	_ =	swait.ge [sflag:s19], $0x4800  }
0xe7: {  	[sflag:s19] =	ssyncset.done $0x0  }
0xe8: {  	[sflag:s19] =	ssyncadd.s32 $0xFFFFB800  }
0xe9: {  	[spmem:s2] =	stream.indirect.scatter.add.f32 [tilespmem:s15], [sflag:$0x4], $0x90, s1, s12, $0xb8;
	[tilespmem:$0x1F820] =	vst v63  }
0xea: {  	_ =	swait.ge [sflag:s21], $0x4800  }
0xeb: {  	[sflag:s21] =	ssyncset.done $0x0  }
0xec: {  	[sflag:s21] =	ssyncadd.s32 $0xFFFFB800  }
0xed: {  	[bflag:$0x0] =	sbarrier.arrive $0xFFFF  }
0xee: {  	s25 =	rddreg [dreg:$0x4]  }
0xef: {  	s8 =	rddreg [dreg:$0x6]  }
0xf0: {  	s10 =	rddreg [dreg:$0x8]  }
0xf1: {  	[hbm:s8], [sflag:s25] =	dma.local [spmem:s10], $0x2BF2  }
0xf2: {  	_ =	swait.ge [sflag:s11], $0x2BF2  }
0xf3: {  	s7 =	sadd.s32 $0x1, s7;
	s10 =	rddreg [dreg:$0x5]  }
0xf4: {  	p0 =	sne.s32 s7, s10  }
.Ltmp1:
0xf5: {  	_ = 	snop;
	(pc) =	sbr.rel @p0 .LBB2_1-.Ltmp1, $3  }
0xf6: {  	_ =	sdelay $0x1  }
0xf7: {  	[sflag:s11] =	ssyncset.done $0x0  }
0xf8: {  	[sflag:s11] =	ssyncadd.s32 $0xFFFFD40E  }
0xf9: {  	_ =	sfence.sel $0x180000  }
0xfa: {  	[bflag:$0x0] =	sbarrier.arrive $0xFFFF  }
0xfb: {  	_ =	strace $0x90000047  }
0xfc: {  	s0 =	stileid.u32;
	[bflag:$0x2] =	sbarrier.arrive $0xFFFF  }
0xfd: {  	p0 =	sne.s32 s0, $0x0;
	s0 =	rddreg [dreg:$0x3]  }
0xfe: {  	s0 =	sadd.s32 @!p0 $0x100000, s0  }
0xff: {  	[sflag:s0] =	ssyncadd.tile.s32 @!p0 $0x1;
	_ =	shalt  }
.Lfunc_end2:
_tile_overlayer_lowered:
.L_overlay_start_2:
0x100: {  	(tag) =	ssettag $0x2  }
0x101: {  	s0 =	rddreg [dreg:$0x0];
	s2 =	stileid.u32  }
0x102: {  	s1 =	rddreg [dreg:$0x1];
	p0 =	sne.s32 s2, $0x0  }
0x103: {  	s3 =	rddreg [dreg:$0x2];
	[bflag:$0x3] =	sbarrier.arrive $0xFFFF;
	s2 =	simm.s32 @!p0 $0x1C05  }
0x104: {  	[timem:s3], [sflag:s2] =	dma.local @!p0 [hbm:s0], s1  }
0x105: {  	s0 =	simm.s32 @!p0 $0x5  }
0x106: {  	_ =	swait.ge @!p0 [sflag:s0], s1  }
0x107: {  	s1 =	ssub.s32 @!p0 $0x0, s1;
	[sflag:s0] =	ssyncset.done @!p0 $0x0  }
0x108: {  	[sflag:s0] =	ssyncadd.s32 @!p0 s1  }
0x109: {  	[bflag:$0x3] =	sbarrier.arrive $0xFFFF  }
0x10a: {  	_ =	shalt  }

</sc_bundles>
